<compile_context>
chip_gen: v7x
topology: tpu7x:2x2x1
jax: 0.10.2.dev20260603
libtpu: 0.0.44.dev20260713+nightly
codegen_flags: <defaults>
</compile_context>

<pallas_src>
import functools

import jax
import jax.numpy as jnp
from jax import lax
from jax.experimental import pallas as pl
from jax.experimental.pallas import tpu as pltpu
from jax.experimental.pallas import tpu_sc as plsc


@functools.lru_cache(maxsize=None)
def _build(B, S, V, D, N):
    info = plsc.get_sparse_core_info()
    NW = info.num_cores * info.num_subcores

    ROWS = B * S
    assert ROWS % NW == 0
    RPW = ROWS // NW
    C = 32
    NBUF = 2
    assert RPW % C == 0 and C <= 128
    NCH = RPW // C
    assert NCH > NBUF

    assert 16 < N <= 32
    offs = [0] + [8 * i for i in range(1, -(-(N - 16) // 8) + 1)]
    NWIN = len(offs)
    LE_ROWS = offs[-1] + 16
    assert 1 + (C - 1 - N) <= 16
    assert NBUF * C * D + LE_ROWS * D + 16 * D + RPW <= 131000

    assert S % RPW == 0 and 1 + N < C <= RPW

    WPB = S // RPW
    mesh = plsc.VectorSubcoreMesh(core_axis_name="c", subcore_axis_name="s")

    @functools.partial(
        pl.kernel,
        out_type=jax.ShapeDtypeStruct((B, S, D), jnp.float32),
        mesh=mesh,
        scratch_types=[
            pltpu.VMEM((RPW,), jnp.int32),
            [pltpu.VMEM((C, D), jnp.float32) for _ in range(NBUF)],
            pltpu.VMEM((LE_ROWS, D), jnp.float32),
            pltpu.VMEM((16, D), jnp.float32),
            [pltpu.SemaphoreType.DMA for _ in range(NBUF)],
            [pltpu.SemaphoreType.DMA for _ in range(NBUF)],
            [pltpu.SemaphoreType.DMA for _ in range(NWIN)],
            [pltpu.SemaphoreType.DMA for _ in range(NWIN)],
            pltpu.SemaphoreType.DMA,
            pltpu.SemaphoreType.DMA,
        ],
    )
    def k(tok_hbm, wte_hbm, le_hbm, out_hbm, idx_v, bufs, le_v, head_v,
          gsem, wsem, lsem, ssem, hgsem, hssem):
        wid = lax.axis_index("c") * info.num_subcores + lax.axis_index("s")
        r = wid // WPB
        cb = (wid % WPB) * RPW

        j16 = lax.iota(jnp.int32, 16)

        def le_gather(b, h):
            gidx = jnp.minimum(j16 + offs[h], N - 1)
            return pltpu.make_async_copy(
                le_hbm.at[b].at[gidx], le_v.at[pl.ds(offs[h], 16)], lsem[h]
            )

        def le_scatter(b, h):
            sidx = 1 + jnp.minimum(j16 + offs[h], N - 1)
            return pltpu.make_async_copy(
                le_v.at[pl.ds(offs[h], 16)], out_hbm.at[b].at[sidx], ssem[h]
            )

        def head_cols():
            return jnp.where(j16 == 0, 0, jnp.minimum(j16 + N, C - 1))

        def head_gather(b):
            lo = idx_v[pl.ds(0, 16)]
            hi = idx_v[pl.ds(16, 16)]
            toks = jnp.where(j16 == 0, lo[0], hi[C - 1 - 16])
            for j in range(1, C - N):
                toks = jnp.where(j16 == j, hi[N + j - 16], toks)
            return pltpu.make_async_copy(wte_hbm.at[toks], head_v, hgsem)

        def head_scatter(b):
            return pltpu.make_async_copy(
                head_v, out_hbm.at[b].at[head_cols()], hssem
            )

        def for_owner(fn):
            for b in range(B):
                owner = b * WPB

                @pl.when(wid == owner)
                def _():
                    fn(b)

        for_owner(lambda b: [le_gather(b, h).start() for h in range(NWIN)])

        pltpu.sync_copy(tok_hbm.at[r].at[pl.ds(cb, RPW)], idx_v)

        for_owner(lambda b: head_gather(b).start())

        def gather(c):
            return pltpu.make_async_copy(
                wte_hbm.at[idx_v.at[pl.ds(c * C, C)]], bufs[c % NBUF], gsem[c % NBUF]
            )

        def write(c):
            return pltpu.make_async_copy(
                bufs[c % NBUF], out_hbm.at[r, pl.ds(cb + c * C, C)], wsem[c % NBUF]
            )

        is_owner = cb == 0

        def issue(d):
            d.start()
            return d

        def splice_issue(b):
            for h in range(NWIN):
                le_gather(b, h).wait()
            for h in range(NWIN):
                le_scatter(b, h).start()
            head_gather(b).wait()
            head_scatter(b).start()

        writes = [None] * NCH
        ghs = [None] * NCH
        for c in range(NCH):
            if c >= NBUF:
                if c - NBUF == 0:
                    @pl.when(cb != 0)
                    def _():
                        write(0).wait()
                else:
                    writes[c - NBUF].wait()
            if c == 0:
                @pl.when(cb != 0)
                def _():
                    gather(0).start()
            else:
                ghs[c] = issue(gather(c))
            if c == 1:
                @pl.when(cb != 0)
                def _():
                    gather(0).wait()
                    write(0).start()
            elif c >= 2:
                ghs[c - 1].wait()
                writes[c - 1] = issue(write(c - 1))
            if c == 2:
                for_owner(splice_issue)
        ghs[NCH - 1].wait()
        writes[NCH - 1] = issue(write(NCH - 1))
        for c in range(max(1, NCH - NBUF), NCH):
            writes[c].wait()
        for_owner(lambda b: [le_scatter(b, h).wait() for h in range(NWIN)])
        for_owner(lambda b: head_scatter(b).wait())

    return k


def kernel(tokens, wte, learned_embedding):
    B, S = tokens.shape
    V, D = wte.shape
    N = learned_embedding.shape[1]
    k = _build(B, S, V, D, N)
    return k(tokens, wte, learned_embedding)

# --- scband reference (transcript-rebuilt; emitter-appended) ---
"""Pipeline reference for scband-lembedding-4561255268685 (READ-ONLY COPY).

The authoritative reference and input builder live on the scoring server;
editing this copy changes nothing except your own understanding.
"""

import jax, jax.numpy as jnp
import numpy as np

PT_ID = 1
N_TOKENS = 20
VOCAB = 100000
D_MODEL = 1024
BATCH = 4
SEQ = 2048


def setup_inputs(seed: int = 0) -> dict:
    key = jax.random.key(seed)
    k1, k2, k3 = jax.random.split(key, 3)
    tokens = jax.random.randint(k1, (BATCH, SEQ), 0, VOCAB, dtype=jnp.int32)
    # enforce prompt-token layout asserted by the module:
    # tokens[:, 0] != pt_id, tokens[:, 1:1+n_tokens] == pt_id
    tokens = tokens.at[:, 1:1 + N_TOKENS].set(PT_ID)
    tokens = tokens.at[:, 0].set(PT_ID + 1)
    wte = jax.random.normal(k2, (VOCAB, D_MODEL), dtype=jnp.float32) * 0.02
    learned_embedding = jax.random.normal(k3, (BATCH, N_TOKENS, D_MODEL), dtype=jnp.float32) * 0.02
    return {"tokens": tokens, "wte": wte, "learned_embedding": learned_embedding}


def reference(tokens, wte, learned_embedding):
    # seq_len > 1 branch: embed first token, splice in learned prompt
    # embeddings, then embed the remainder of the sequence.
    input_embedding_left = jnp.take(wte, tokens[:, :1], axis=0)
    input_embedding_right = jnp.take(wte, tokens[:, N_TOKENS + 1:], axis=0)
    return_embeds = jnp.concatenate(
        [input_embedding_left, learned_embedding, input_embedding_right], axis=1
    )
    return return_embeds

if __name__ == "__main__":
    import jax
    _d = setup_inputs()
    print(jax.jit(kernel)(*tuple(_d.values())))

</pallas_src>

<mosaic_0001>
#map = affine_map<(d0, d1) -> (0, 0)>
#map1 = affine_map<(d0, d1) -> (0, 0, 0)>
module attributes {stable_mosaic.version = 14 : i64} {
  func.func @k(%arg0: i32, %arg1: i32, %arg2: memref<4x2048xi32, #tpu.memory_space<hbm>>, %arg3: memref<100000x1024xf32, #tpu.memory_space<hbm>>, %arg4: memref<4x20x1024xf32, #tpu.memory_space<hbm>>, %arg5: memref<4x2048x1024xf32, #tpu.memory_space<hbm>>, %arg6: memref<256xi32, #tpu.memory_space<vmem>>, %arg7: memref<32x1024xf32, #tpu.memory_space<vmem>>, %arg8: memref<32x1024xf32, #tpu.memory_space<vmem>>, %arg9: memref<24x1024xf32, #tpu.memory_space<vmem>>, %arg10: memref<16x1024xf32, #tpu.memory_space<vmem>>, %arg11: memref<!tpu.dma_semaphore, #tpu.memory_space<semaphore_mem>>, %arg12: memref<!tpu.dma_semaphore, #tpu.memory_space<semaphore_mem>>, %arg13: memref<!tpu.dma_semaphore, #tpu.memory_space<semaphore_mem>>, %arg14: memref<!tpu.dma_semaphore, #tpu.memory_space<semaphore_mem>>, %arg15: memref<!tpu.dma_semaphore, #tpu.memory_space<semaphore_mem>>, %arg16: memref<!tpu.dma_semaphore, #tpu.memory_space<semaphore_mem>>, %arg17: memref<!tpu.dma_semaphore, #tpu.memory_space<semaphore_mem>>, %arg18: memref<!tpu.dma_semaphore, #tpu.memory_space<semaphore_mem>>, %arg19: memref<!tpu.dma_semaphore, #tpu.memory_space<semaphore_mem>>, %arg20: memref<!tpu.dma_semaphore, #tpu.memory_space<semaphore_mem>>) attributes {dimension_semantics = [#tpu.dimension_semantics<core_parallel>, #tpu.dimension_semantics<subcore_parallel>], iteration_bounds = array<i64: 2, 16>, scalar_prefetch = 0 : i64, scratch_operands = 15 : i64, tpu.core_type = #tpu.core_type<sc_vector_subcore>, window_params = [{transform_indices = #map}, {transform_indices = #map}, {transform_indices = #map1}, {transform_indices = #map1}]} {
    %mul3A = arith.constant 16 : i32
    %mul3A_0 = arith.muli %arg0, %mul3A : i32
    %add3A = arith.addi %mul3A_0, %arg1 : i32
    %jit3A = arith.constant 8 : i32
    %div3A = arith.divsi %add3A, %jit3A : i32
    %sign3A = arith.constant 0 : i32
    %sign3A_1 = arith.cmpi sgt, %add3A, %sign3A : i32
    %sign3A_2 = arith.extui %sign3A_1 : i1 to i32
    %sign3A_3 = arith.constant 0 : i32
    %sign3A_4 = arith.cmpi slt, %add3A, %sign3A_3 : i32
    %sign3A_5 = arith.extui %sign3A_4 : i1 to i32
    %sign3A_6 = arith.subi %sign3A_2, %sign3A_5 : i32
    %sign3A_7 = arith.constant 0 : i32
    %sign3A_8 = arith.cmpi sgt, %jit3A, %sign3A_7 : i32
    %sign3A_9 = arith.extui %sign3A_8 : i1 to i32
    %sign3A_10 = arith.constant 0 : i32
    %sign3A_11 = arith.cmpi slt, %jit3A, %sign3A_10 : i32
    %sign3A_12 = arith.extui %sign3A_11 : i1 to i32
    %sign3A_13 = arith.subi %sign3A_9, %sign3A_12 : i32
    %ne3A = arith.cmpi ne, %sign3A_6, %sign3A_13 : i32
    %rem3A = arith.remsi %add3A, %jit3A : i32
    %ne3A_14 = arith.constant 0 : i32
    %ne3A_15 = arith.cmpi ne, %rem3A, %ne3A_14 : i32
    %and3A = arith.andi %ne3A, %ne3A_15 : i1
    %sub3A = arith.constant 1 : i32
    %sub3A_16 = arith.subi %div3A, %sub3A : i32
    %select_n3A = arith.select %and3A, %sub3A_16, %div3A : i32
    %jit3A_17 = arith.constant 8 : i32
    %eq3A = arith.constant 0 : i32
    %eq3A_18 = arith.cmpi eq, %jit3A_17, %eq3A : i32
    %jit3A_19 = arith.constant 1 : i32
    %select_n3A_20 = arith.select %eq3A_18, %jit3A_19, %jit3A_17 : i32
    %rem3A_21 = arith.remsi %add3A, %select_n3A_20 : i32
    %ne3A_22 = arith.constant 0 : i32
    %ne3A_23 = arith.cmpi ne, %rem3A_21, %ne3A_22 : i32
    %lt3A = arith.constant 0 : i32
    %lt3A_24 = arith.cmpi slt, %rem3A_21, %lt3A : i32
    %lt3A_25 = arith.constant 0 : i32
    %lt3A_26 = arith.cmpi slt, %select_n3A_20, %lt3A_25 : i32
    %ne3A_27 = arith.xori %lt3A_24, %lt3A_26 : i1
    %and3A_28 = arith.andi %ne3A_27, %ne3A_23 : i1
    %add3A_29 = arith.addi %rem3A_21, %select_n3A_20 : i32
    %select_n3A_30 = arith.select %and3A_28, %add3A_29, %rem3A_21 : i32
    %mul3A_31 = arith.constant 256 : i32
    %mul3A_32 = arith.muli %select_n3A_30, %mul3A_31 : i32
    %iota3A = tpu.iota {dimensions = array<i32: 0>} : vector<16xi32>
    %eq3A_33 = arith.constant 0 : i32
    %eq3A_34 = arith.cmpi eq, %add3A, %eq3A_33 : i32
    %convert_element_type3A = arith.extui %eq3A_34 : i1 to i32
    %cond3A = arith.constant 0 : i32
    %cond3A_35 = arith.cmpi ne, %convert_element_type3A, %cond3A : i32
    scf.if %cond3A_35 {
      %add3A_314 = arith.constant 0 : i32
      %add3A_315 = vector.broadcast %add3A_314 : i32 to vector<16xi32>
      %add3A_316 = arith.addi %iota3A, %add3A_315 : vector<16xi32>
      %min3A = arith.constant 19 : i32
      %min3A_317 = vector.broadcast %min3A : i32 to vector<16xi32>
      %min3A_318 = arith.minsi %add3A_316, %min3A_317 : vector<16xi32>
      %dma_start3A_319 = arith.constant 0 : i32
      %dma_start3A_320 = arith.constant 0 : i32
      %dma_start3A_321 = arith.constant 0 : i32
      %dma_start3A_322 = tpu.memref_slice %arg9[%dma_start3A_320, %dma_start3A_321] : memref<24x1024xf32, #tpu.memory_space<vmem>> -> memref<16x1024xf32, #tpu.memory_space<vmem>>
      %dma_start3A_323 = arith.constant 0 : i32
      %dma_start3A_324 = arith.constant 0 : i32
      %dma_start3A_325 = tpu.memref_slice %arg4[%dma_start3A_319, %dma_start3A_323, %dma_start3A_324] : memref<4x20x1024xf32, #tpu.memory_space<hbm>> -> memref<1x20x1024xf32, #tpu.memory_space<hbm>>
      %dma_start3A_326 = tpu.memref_squeeze %dma_start3A_325 : memref<1x20x1024xf32, #tpu.memory_space<hbm>> -> memref<20x1024xf32, #tpu.memory_space<hbm>>
      %dma_start3A_327 = arith.constant 0 : i32
      %dma_start3A_328 = arith.constant 0 : i32
      %dma_start3A_329 = tpu.memref_slice %dma_start3A_326[%dma_start3A_327, %dma_start3A_328] : memref<20x1024xf32, #tpu.memory_space<hbm>> -> memref<20x1024xf32, #tpu.memory_space<hbm>>
      tpu.enqueue_indirect_dma source(%dma_start3A_329 : memref<20x1024xf32, #tpu.memory_space<hbm>>) target(%dma_start3A_322 : memref<16x1024xf32, #tpu.memory_space<vmem>>) offsets(%min3A_318 : vector<16xi32>) semaphore(%arg15 : memref<!tpu.dma_semaphore, #tpu.memory_space<semaphore_mem>>)
      %add3A_330 = arith.constant 8 : i32
      %add3A_331 = vector.broadcast %add3A_330 : i32 to vector<16xi32>
      %add3A_332 = arith.addi %iota3A, %add3A_331 : vector<16xi32>
      %min3A_333 = arith.constant 19 : i32
      %min3A_334 = vector.broadcast %min3A_333 : i32 to vector<16xi32>
      %min3A_335 = arith.minsi %add3A_332, %min3A_334 : vector<16xi32>
      %dma_start3A_336 = arith.constant 0 : i32
      %dma_start3A_337 = arith.constant 8 : i32
      %dma_start3A_338 = arith.constant 0 : i32
      %dma_start3A_339 = tpu.memref_slice %arg9[%dma_start3A_337, %dma_start3A_338] : memref<24x1024xf32, #tpu.memory_space<vmem>> -> memref<16x1024xf32, #tpu.memory_space<vmem>>
      %dma_start3A_340 = arith.constant 0 : i32
      %dma_start3A_341 = arith.constant 0 : i32
      %dma_start3A_342 = tpu.memref_slice %arg4[%dma_start3A_336, %dma_start3A_340, %dma_start3A_341] : memref<4x20x1024xf32, #tpu.memory_space<hbm>> -> memref<1x20x1024xf32, #tpu.memory_space<hbm>>
      %dma_start3A_343 = tpu.memref_squeeze %dma_start3A_342 : memref<1x20x1024xf32, #tpu.memory_space<hbm>> -> memref<20x1024xf32, #tpu.memory_space<hbm>>
      %dma_start3A_344 = arith.constant 0 : i32
      %dma_start3A_345 = arith.constant 0 : i32
      %dma_start3A_346 = tpu.memref_slice %dma_start3A_343[%dma_start3A_344, %dma_start3A_345] : memref<20x1024xf32, #tpu.memory_space<hbm>> -> memref<20x1024xf32, #tpu.memory_space<hbm>>
      tpu.enqueue_indirect_dma source(%dma_start3A_346 : memref<20x1024xf32, #tpu.memory_space<hbm>>) target(%dma_start3A_339 : memref<16x1024xf32, #tpu.memory_space<vmem>>) offsets(%min3A_335 : vector<16xi32>) semaphore(%arg16 : memref<!tpu.dma_semaphore, #tpu.memory_space<semaphore_mem>>)
    } else {
    }
    %eq3A_36 = arith.constant 8 : i32
    %eq3A_37 = arith.cmpi eq, %add3A, %eq3A_36 : i32
    %convert_element_type3A_38 = arith.extui %eq3A_37 : i1 to i32
    %cond3A_39 = arith.constant 0 : i32
    %cond3A_40 = arith.cmpi ne, %convert_element_type3A_38, %cond3A_39 : i32
    scf.if %cond3A_40 {
      %add3A_314 = arith.constant 0 : i32
      %add3A_315 = vector.broadcast %add3A_314 : i32 to vector<16xi32>
      %add3A_316 = arith.addi %iota3A, %add3A_315 : vector<16xi32>
      %min3A = arith.constant 19 : i32
      %min3A_317 = vector.broadcast %min3A : i32 to vector<16xi32>
      %min3A_318 = arith.minsi %add3A_316, %min3A_317 : vector<16xi32>
      %dma_start3A_319 = arith.constant 1 : i32
      %dma_start3A_320 = arith.constant 0 : i32
      %dma_start3A_321 = arith.constant 0 : i32
      %dma_start3A_322 = tpu.memref_slice %arg9[%dma_start3A_320, %dma_start3A_321] : memref<24x1024xf32, #tpu.memory_space<vmem>> -> memref<16x1024xf32, #tpu.memory_space<vmem>>
      %dma_start3A_323 = arith.constant 0 : i32
      %dma_start3A_324 = arith.constant 0 : i32
      %dma_start3A_325 = tpu.memref_slice %arg4[%dma_start3A_319, %dma_start3A_323, %dma_start3A_324] : memref<4x20x1024xf32, #tpu.memory_space<hbm>> -> memref<1x20x1024xf32, #tpu.memory_space<hbm>>
      %dma_start3A_326 = tpu.memref_squeeze %dma_start3A_325 : memref<1x20x1024xf32, #tpu.memory_space<hbm>> -> memref<20x1024xf32, #tpu.memory_space<hbm>>
      %dma_start3A_327 = arith.constant 0 : i32
      %dma_start3A_328 = arith.constant 0 : i32
      %dma_start3A_329 = tpu.memref_slice %dma_start3A_326[%dma_start3A_327, %dma_start3A_328] : memref<20x1024xf32, #tpu.memory_space<hbm>> -> memref<20x1024xf32, #tpu.memory_space<hbm>>
      tpu.enqueue_indirect_dma source(%dma_start3A_329 : memref<20x1024xf32, #tpu.memory_space<hbm>>) target(%dma_start3A_322 : memref<16x1024xf32, #tpu.memory_space<vmem>>) offsets(%min3A_318 : vector<16xi32>) semaphore(%arg15 : memref<!tpu.dma_semaphore, #tpu.memory_space<semaphore_mem>>)
      %add3A_330 = arith.constant 8 : i32
      %add3A_331 = vector.broadcast %add3A_330 : i32 to vector<16xi32>
      %add3A_332 = arith.addi %iota3A, %add3A_331 : vector<16xi32>
      %min3A_333 = arith.constant 19 : i32
      %min3A_334 = vector.broadcast %min3A_333 : i32 to vector<16xi32>
      %min3A_335 = arith.minsi %add3A_332, %min3A_334 : vector<16xi32>
      %dma_start3A_336 = arith.constant 1 : i32
      %dma_start3A_337 = arith.constant 8 : i32
      %dma_start3A_338 = arith.constant 0 : i32
      %dma_start3A_339 = tpu.memref_slice %arg9[%dma_start3A_337, %dma_start3A_338] : memref<24x1024xf32, #tpu.memory_space<vmem>> -> memref<16x1024xf32, #tpu.memory_space<vmem>>
      %dma_start3A_340 = arith.constant 0 : i32
      %dma_start3A_341 = arith.constant 0 : i32
      %dma_start3A_342 = tpu.memref_slice %arg4[%dma_start3A_336, %dma_start3A_340, %dma_start3A_341] : memref<4x20x1024xf32, #tpu.memory_space<hbm>> -> memref<1x20x1024xf32, #tpu.memory_space<hbm>>
      %dma_start3A_343 = tpu.memref_squeeze %dma_start3A_342 : memref<1x20x1024xf32, #tpu.memory_space<hbm>> -> memref<20x1024xf32, #tpu.memory_space<hbm>>
      %dma_start3A_344 = arith.constant 0 : i32
      %dma_start3A_345 = arith.constant 0 : i32
      %dma_start3A_346 = tpu.memref_slice %dma_start3A_343[%dma_start3A_344, %dma_start3A_345] : memref<20x1024xf32, #tpu.memory_space<hbm>> -> memref<20x1024xf32, #tpu.memory_space<hbm>>
      tpu.enqueue_indirect_dma source(%dma_start3A_346 : memref<20x1024xf32, #tpu.memory_space<hbm>>) target(%dma_start3A_339 : memref<16x1024xf32, #tpu.memory_space<vmem>>) offsets(%min3A_335 : vector<16xi32>) semaphore(%arg16 : memref<!tpu.dma_semaphore, #tpu.memory_space<semaphore_mem>>)
    } else {
    }
    %eq3A_41 = arith.constant 16 : i32
    %eq3A_42 = arith.cmpi eq, %add3A, %eq3A_41 : i32
    %convert_element_type3A_43 = arith.extui %eq3A_42 : i1 to i32
    %cond3A_44 = arith.constant 0 : i32
    %cond3A_45 = arith.cmpi ne, %convert_element_type3A_43, %cond3A_44 : i32
    scf.if %cond3A_45 {
      %add3A_314 = arith.constant 0 : i32
      %add3A_315 = vector.broadcast %add3A_314 : i32 to vector<16xi32>
      %add3A_316 = arith.addi %iota3A, %add3A_315 : vector<16xi32>
      %min3A = arith.constant 19 : i32
      %min3A_317 = vector.broadcast %min3A : i32 to vector<16xi32>
      %min3A_318 = arith.minsi %add3A_316, %min3A_317 : vector<16xi32>
      %dma_start3A_319 = arith.constant 2 : i32
      %dma_start3A_320 = arith.constant 0 : i32
      %dma_start3A_321 = arith.constant 0 : i32
      %dma_start3A_322 = tpu.memref_slice %arg9[%dma_start3A_320, %dma_start3A_321] : memref<24x1024xf32, #tpu.memory_space<vmem>> -> memref<16x1024xf32, #tpu.memory_space<vmem>>
      %dma_start3A_323 = arith.constant 0 : i32
      %dma_start3A_324 = arith.constant 0 : i32
      %dma_start3A_325 = tpu.memref_slice %arg4[%dma_start3A_319, %dma_start3A_323, %dma_start3A_324] : memref<4x20x1024xf32, #tpu.memory_space<hbm>> -> memref<1x20x1024xf32, #tpu.memory_space<hbm>>
      %dma_start3A_326 = tpu.memref_squeeze %dma_start3A_325 : memref<1x20x1024xf32, #tpu.memory_space<hbm>> -> memref<20x1024xf32, #tpu.memory_space<hbm>>
      %dma_start3A_327 = arith.constant 0 : i32
      %dma_start3A_328 = arith.constant 0 : i32
      %dma_start3A_329 = tpu.memref_slice %dma_start3A_326[%dma_start3A_327, %dma_start3A_328] : memref<20x1024xf32, #tpu.memory_space<hbm>> -> memref<20x1024xf32, #tpu.memory_space<hbm>>
      tpu.enqueue_indirect_dma source(%dma_start3A_329 : memref<20x1024xf32, #tpu.memory_space<hbm>>) target(%dma_start3A_322 : memref<16x1024xf32, #tpu.memory_space<vmem>>) offsets(%min3A_318 : vector<16xi32>) semaphore(%arg15 : memref<!tpu.dma_semaphore, #tpu.memory_space<semaphore_mem>>)
      %add3A_330 = arith.constant 8 : i32
      %add3A_331 = vector.broadcast %add3A_330 : i32 to vector<16xi32>
      %add3A_332 = arith.addi %iota3A, %add3A_331 : vector<16xi32>
      %min3A_333 = arith.constant 19 : i32
      %min3A_334 = vector.broadcast %min3A_333 : i32 to vector<16xi32>
      %min3A_335 = arith.minsi %add3A_332, %min3A_334 : vector<16xi32>
      %dma_start3A_336 = arith.constant 2 : i32
      %dma_start3A_337 = arith.constant 8 : i32
      %dma_start3A_338 = arith.constant 0 : i32
      %dma_start3A_339 = tpu.memref_slice %arg9[%dma_start3A_337, %dma_start3A_338] : memref<24x1024xf32, #tpu.memory_space<vmem>> -> memref<16x1024xf32, #tpu.memory_space<vmem>>
      %dma_start3A_340 = arith.constant 0 : i32
      %dma_start3A_341 = arith.constant 0 : i32
      %dma_start3A_342 = tpu.memref_slice %arg4[%dma_start3A_336, %dma_start3A_340, %dma_start3A_341] : memref<4x20x1024xf32, #tpu.memory_space<hbm>> -> memref<1x20x1024xf32, #tpu.memory_space<hbm>>
      %dma_start3A_343 = tpu.memref_squeeze %dma_start3A_342 : memref<1x20x1024xf32, #tpu.memory_space<hbm>> -> memref<20x1024xf32, #tpu.memory_space<hbm>>
      %dma_start3A_344 = arith.constant 0 : i32
      %dma_start3A_345 = arith.constant 0 : i32
      %dma_start3A_346 = tpu.memref_slice %dma_start3A_343[%dma_start3A_344, %dma_start3A_345] : memref<20x1024xf32, #tpu.memory_space<hbm>> -> memref<20x1024xf32, #tpu.memory_space<hbm>>
      tpu.enqueue_indirect_dma source(%dma_start3A_346 : memref<20x1024xf32, #tpu.memory_space<hbm>>) target(%dma_start3A_339 : memref<16x1024xf32, #tpu.memory_space<vmem>>) offsets(%min3A_335 : vector<16xi32>) semaphore(%arg16 : memref<!tpu.dma_semaphore, #tpu.memory_space<semaphore_mem>>)
    } else {
    }
    %eq3A_46 = arith.constant 24 : i32
    %eq3A_47 = arith.cmpi eq, %add3A, %eq3A_46 : i32
    %convert_element_type3A_48 = arith.extui %eq3A_47 : i1 to i32
    %cond3A_49 = arith.constant 0 : i32
    %cond3A_50 = arith.cmpi ne, %convert_element_type3A_48, %cond3A_49 : i32
    scf.if %cond3A_50 {
      %add3A_314 = arith.constant 0 : i32
      %add3A_315 = vector.broadcast %add3A_314 : i32 to vector<16xi32>
      %add3A_316 = arith.addi %iota3A, %add3A_315 : vector<16xi32>
      %min3A = arith.constant 19 : i32
      %min3A_317 = vector.broadcast %min3A : i32 to vector<16xi32>
      %min3A_318 = arith.minsi %add3A_316, %min3A_317 : vector<16xi32>
      %dma_start3A_319 = arith.constant 3 : i32
      %dma_start3A_320 = arith.constant 0 : i32
      %dma_start3A_321 = arith.constant 0 : i32
      %dma_start3A_322 = tpu.memref_slice %arg9[%dma_start3A_320, %dma_start3A_321] : memref<24x1024xf32, #tpu.memory_space<vmem>> -> memref<16x1024xf32, #tpu.memory_space<vmem>>
      %dma_start3A_323 = arith.constant 0 : i32
      %dma_start3A_324 = arith.constant 0 : i32
      %dma_start3A_325 = tpu.memref_slice %arg4[%dma_start3A_319, %dma_start3A_323, %dma_start3A_324] : memref<4x20x1024xf32, #tpu.memory_space<hbm>> -> memref<1x20x1024xf32, #tpu.memory_space<hbm>>
      %dma_start3A_326 = tpu.memref_squeeze %dma_start3A_325 : memref<1x20x1024xf32, #tpu.memory_space<hbm>> -> memref<20x1024xf32, #tpu.memory_space<hbm>>
      %dma_start3A_327 = arith.constant 0 : i32
      %dma_start3A_328 = arith.constant 0 : i32
      %dma_start3A_329 = tpu.memref_slice %dma_start3A_326[%dma_start3A_327, %dma_start3A_328] : memref<20x1024xf32, #tpu.memory_space<hbm>> -> memref<20x1024xf32, #tpu.memory_space<hbm>>
      tpu.enqueue_indirect_dma source(%dma_start3A_329 : memref<20x1024xf32, #tpu.memory_space<hbm>>) target(%dma_start3A_322 : memref<16x1024xf32, #tpu.memory_space<vmem>>) offsets(%min3A_318 : vector<16xi32>) semaphore(%arg15 : memref<!tpu.dma_semaphore, #tpu.memory_space<semaphore_mem>>)
      %add3A_330 = arith.constant 8 : i32
      %add3A_331 = vector.broadcast %add3A_330 : i32 to vector<16xi32>
      %add3A_332 = arith.addi %iota3A, %add3A_331 : vector<16xi32>
      %min3A_333 = arith.constant 19 : i32
      %min3A_334 = vector.broadcast %min3A_333 : i32 to vector<16xi32>
      %min3A_335 = arith.minsi %add3A_332, %min3A_334 : vector<16xi32>
      %dma_start3A_336 = arith.constant 3 : i32
      %dma_start3A_337 = arith.constant 8 : i32
      %dma_start3A_338 = arith.constant 0 : i32
      %dma_start3A_339 = tpu.memref_slice %arg9[%dma_start3A_337, %dma_start3A_338] : memref<24x1024xf32, #tpu.memory_space<vmem>> -> memref<16x1024xf32, #tpu.memory_space<vmem>>
      %dma_start3A_340 = arith.constant 0 : i32
      %dma_start3A_341 = arith.constant 0 : i32
      %dma_start3A_342 = tpu.memref_slice %arg4[%dma_start3A_336, %dma_start3A_340, %dma_start3A_341] : memref<4x20x1024xf32, #tpu.memory_space<hbm>> -> memref<1x20x1024xf32, #tpu.memory_space<hbm>>
      %dma_start3A_343 = tpu.memref_squeeze %dma_start3A_342 : memref<1x20x1024xf32, #tpu.memory_space<hbm>> -> memref<20x1024xf32, #tpu.memory_space<hbm>>
      %dma_start3A_344 = arith.constant 0 : i32
      %dma_start3A_345 = arith.constant 0 : i32
      %dma_start3A_346 = tpu.memref_slice %dma_start3A_343[%dma_start3A_344, %dma_start3A_345] : memref<20x1024xf32, #tpu.memory_space<hbm>> -> memref<20x1024xf32, #tpu.memory_space<hbm>>
      tpu.enqueue_indirect_dma source(%dma_start3A_346 : memref<20x1024xf32, #tpu.memory_space<hbm>>) target(%dma_start3A_339 : memref<16x1024xf32, #tpu.memory_space<vmem>>) offsets(%min3A_335 : vector<16xi32>) semaphore(%arg16 : memref<!tpu.dma_semaphore, #tpu.memory_space<semaphore_mem>>)
    } else {
    }
    "tpu.region"() ({
      %run_scoped3A = tpu.sem_alloc : memref<!tpu.dma_semaphore, #tpu.memory_space<semaphore_mem>>
      %dma_start3A_314 = arith.constant 0 : i32
      %dma_start3A_315 = tpu.memref_slice %arg2[%select_n3A, %dma_start3A_314] : memref<4x2048xi32, #tpu.memory_space<hbm>> -> memref<1x2048xi32, #tpu.memory_space<hbm>>
      %dma_start3A_316 = tpu.memref_squeeze %dma_start3A_315 : memref<1x2048xi32, #tpu.memory_space<hbm>> -> memref<2048xi32, #tpu.memory_space<hbm>>
      %dma_start3A_317 = tpu.memref_slice %dma_start3A_316[%mul3A_32] : memref<2048xi32, #tpu.memory_space<hbm>> -> memref<256xi32, #tpu.memory_space<hbm>>
      %dma_start3A_318 = arith.constant 0 : i32
      %dma_start3A_319 = tpu.memref_slice %arg2[%select_n3A, %dma_start3A_318] : memref<4x2048xi32, #tpu.memory_space<hbm>> -> memref<1x2048xi32, #tpu.memory_space<hbm>>
      %dma_start3A_320 = tpu.memref_squeeze %dma_start3A_319 : memref<1x2048xi32, #tpu.memory_space<hbm>> -> memref<2048xi32, #tpu.memory_space<hbm>>
      %dma_start3A_321 = tpu.memref_slice %dma_start3A_320[%mul3A_32] : memref<2048xi32, #tpu.memory_space<hbm>> -> memref<256xi32, #tpu.memory_space<hbm>>
      tpu.enqueue_dma source(%dma_start3A_321 : memref<256xi32, #tpu.memory_space<hbm>>) target(%arg6 : memref<256xi32, #tpu.memory_space<vmem>>) target_semaphore(%run_scoped3A : memref<!tpu.dma_semaphore, #tpu.memory_space<semaphore_mem>>)
      %dma_wait3A_322 = arith.constant 0 : i32
      %dma_wait3A_323 = tpu.memref_slice %arg2[%select_n3A, %dma_wait3A_322] : memref<4x2048xi32, #tpu.memory_space<hbm>> -> memref<1x2048xi32, #tpu.memory_space<hbm>>
      %dma_wait3A_324 = tpu.memref_squeeze %dma_wait3A_323 : memref<1x2048xi32, #tpu.memory_space<hbm>> -> memref<2048xi32, #tpu.memory_space<hbm>>
      %dma_wait3A_325 = tpu.memref_slice %dma_wait3A_324[%mul3A_32] : memref<2048xi32, #tpu.memory_space<hbm>> -> memref<256xi32, #tpu.memory_space<hbm>>
      %dma_wait3A_326 = arith.constant 0 : i32
      %dma_wait3A_327 = tpu.memref_slice %arg2[%select_n3A, %dma_wait3A_326] : memref<4x2048xi32, #tpu.memory_space<hbm>> -> memref<1x2048xi32, #tpu.memory_space<hbm>>
      %dma_wait3A_328 = tpu.memref_squeeze %dma_wait3A_327 : memref<1x2048xi32, #tpu.memory_space<hbm>> -> memref<2048xi32, #tpu.memory_space<hbm>>
      %dma_wait3A_329 = tpu.memref_slice %dma_wait3A_328[%mul3A_32] : memref<2048xi32, #tpu.memory_space<hbm>> -> memref<256xi32, #tpu.memory_space<hbm>>
      tpu.wait_dma2 semaphore(%run_scoped3A : memref<!tpu.dma_semaphore, #tpu.memory_space<semaphore_mem>>) src(%dma_wait3A_329 : memref<256xi32, #tpu.memory_space<hbm>>) dst(%arg6 : memref<256xi32, #tpu.memory_space<vmem>>)
      tpu.yield
    }) : () -> ()
    %eq3A_51 = arith.constant 0 : i32
    %eq3A_52 = arith.cmpi eq, %add3A, %eq3A_51 : i32
    %convert_element_type3A_53 = arith.extui %eq3A_52 : i1 to i32
    %cond3A_54 = arith.constant 0 : i32
    %cond3A_55 = arith.cmpi ne, %convert_element_type3A_53, %cond3A_54 : i32
    scf.if %cond3A_55 {
      %get3A = arith.constant 0 : index
      %get3A_314 = tpu.vector_load %arg6[%get3A] {strides = array<i32>} : memref<256xi32, #tpu.memory_space<vmem>>, vector<16xi32>,
      %get3A_315 = vector.shape_cast %get3A_314 : vector<16xi32> to vector<16xi32>
      %get3A_316 = arith.constant 16 : index
      %get3A_317 = tpu.vector_load %arg6[%get3A_316] {strides = array<i32>} : memref<256xi32, #tpu.memory_space<vmem>>, vector<16xi32>,
      %get3A_318 = vector.shape_cast %get3A_317 : vector<16xi32> to vector<16xi32>
      %eq3A_319 = arith.constant 0 : i32
      %eq3A_320 = vector.broadcast %eq3A_319 : i32 to vector<16xi32>
      %eq3A_321 = arith.cmpi eq, %iota3A, %eq3A_320 : vector<16xi32>
      %slice3A = vector.extract_strided_slice %get3A_315 {offsets = [0], sizes = [1], strides = [1]} : vector<16xi32> to vector<1xi32>
      %squeeze3A = vector.extract %slice3A[0] : i32 from vector<1xi32>
      %slice3A_322 = vector.extract_strided_slice %get3A_318 {offsets = [15], sizes = [1], strides = [1]} : vector<16xi32> to vector<1xi32>
      %squeeze3A_323 = vector.extract %slice3A_322[0] : i32 from vector<1xi32>
      %broadcast_in_dim3A = vector.broadcast %squeeze3A : i32 to vector<16xi32>
      %broadcast_in_dim3A_324 = vector.broadcast %squeeze3A_323 : i32 to vector<16xi32>
      %select_n3A_325 = arith.select %eq3A_321, %broadcast_in_dim3A, %broadcast_in_dim3A_324 : vector<16xi1>, vector<16xi32>
      %eq3A_326 = arith.constant 1 : i32
      %eq3A_327 = vector.broadcast %eq3A_326 : i32 to vector<16xi32>
      %eq3A_328 = arith.cmpi eq, %iota3A, %eq3A_327 : vector<16xi32>
      %slice3A_329 = vector.extract_strided_slice %get3A_318 {offsets = [5], sizes = [1], strides = [1]} : vector<16xi32> to vector<1xi32>
      %squeeze3A_330 = vector.extract %slice3A_329[0] : i32 from vector<1xi32>
      %broadcast_in_dim3A_331 = vector.broadcast %squeeze3A_330 : i32 to vector<16xi32>
      %select_n3A_332 = arith.select %eq3A_328, %broadcast_in_dim3A_331, %select_n3A_325 : vector<16xi1>, vector<16xi32>
      %eq3A_333 = arith.constant 2 : i32
      %eq3A_334 = vector.broadcast %eq3A_333 : i32 to vector<16xi32>
      %eq3A_335 = arith.cmpi eq, %iota3A, %eq3A_334 : vector<16xi32>
      %slice3A_336 = vector.extract_strided_slice %get3A_318 {offsets = [6], sizes = [1], strides = [1]} : vector<16xi32> to vector<1xi32>
      %squeeze3A_337 = vector.extract %slice3A_336[0] : i32 from vector<1xi32>
      %broadcast_in_dim3A_338 = vector.broadcast %squeeze3A_337 : i32 to vector<16xi32>
      %select_n3A_339 = arith.select %eq3A_335, %broadcast_in_dim3A_338, %select_n3A_332 : vector<16xi1>, vector<16xi32>
      %eq3A_340 = arith.constant 3 : i32
      %eq3A_341 = vector.broadcast %eq3A_340 : i32 to vector<16xi32>
      %eq3A_342 = arith.cmpi eq, %iota3A, %eq3A_341 : vector<16xi32>
      %slice3A_343 = vector.extract_strided_slice %get3A_318 {offsets = [7], sizes = [1], strides = [1]} : vector<16xi32> to vector<1xi32>
      %squeeze3A_344 = vector.extract %slice3A_343[0] : i32 from vector<1xi32>
      %broadcast_in_dim3A_345 = vector.broadcast %squeeze3A_344 : i32 to vector<16xi32>
      %select_n3A_346 = arith.select %eq3A_342, %broadcast_in_dim3A_345, %select_n3A_339 : vector<16xi1>, vector<16xi32>
      %eq3A_347 = arith.constant 4 : i32
      %eq3A_348 = vector.broadcast %eq3A_347 : i32 to vector<16xi32>
      %eq3A_349 = arith.cmpi eq, %iota3A, %eq3A_348 : vector<16xi32>
      %slice3A_350 = vector.extract_strided_slice %get3A_318 {offsets = [8], sizes = [1], strides = [1]} : vector<16xi32> to vector<1xi32>
      %squeeze3A_351 = vector.extract %slice3A_350[0] : i32 from vector<1xi32>
      %broadcast_in_dim3A_352 = vector.broadcast %squeeze3A_351 : i32 to vector<16xi32>
      %select_n3A_353 = arith.select %eq3A_349, %broadcast_in_dim3A_352, %select_n3A_346 : vector<16xi1>, vector<16xi32>
      %eq3A_354 = arith.constant 5 : i32
      %eq3A_355 = vector.broadcast %eq3A_354 : i32 to vector<16xi32>
      %eq3A_356 = arith.cmpi eq, %iota3A, %eq3A_355 : vector<16xi32>
      %slice3A_357 = vector.extract_strided_slice %get3A_318 {offsets = [9], sizes = [1], strides = [1]} : vector<16xi32> to vector<1xi32>
      %squeeze3A_358 = vector.extract %slice3A_357[0] : i32 from vector<1xi32>
      %broadcast_in_dim3A_359 = vector.broadcast %squeeze3A_358 : i32 to vector<16xi32>
      %select_n3A_360 = arith.select %eq3A_356, %broadcast_in_dim3A_359, %select_n3A_353 : vector<16xi1>, vector<16xi32>
      %eq3A_361 = arith.constant 6 : i32
      %eq3A_362 = vector.broadcast %eq3A_361 : i32 to vector<16xi32>
      %eq3A_363 = arith.cmpi eq, %iota3A, %eq3A_362 : vector<16xi32>
      %slice3A_364 = vector.extract_strided_slice %get3A_318 {offsets = [10], sizes = [1], strides = [1]} : vector<16xi32> to vector<1xi32>
      %squeeze3A_365 = vector.extract %slice3A_364[0] : i32 from vector<1xi32>
      %broadcast_in_dim3A_366 = vector.broadcast %squeeze3A_365 : i32 to vector<16xi32>
      %select_n3A_367 = arith.select %eq3A_363, %broadcast_in_dim3A_366, %select_n3A_360 : vector<16xi1>, vector<16xi32>
      %eq3A_368 = arith.constant 7 : i32
      %eq3A_369 = vector.broadcast %eq3A_368 : i32 to vector<16xi32>
      %eq3A_370 = arith.cmpi eq, %iota3A, %eq3A_369 : vector<16xi32>
      %slice3A_371 = vector.extract_strided_slice %get3A_318 {offsets = [11], sizes = [1], strides = [1]} : vector<16xi32> to vector<1xi32>
      %squeeze3A_372 = vector.extract %slice3A_371[0] : i32 from vector<1xi32>
      %broadcast_in_dim3A_373 = vector.broadcast %squeeze3A_372 : i32 to vector<16xi32>
      %select_n3A_374 = arith.select %eq3A_370, %broadcast_in_dim3A_373, %select_n3A_367 : vector<16xi1>, vector<16xi32>
      %eq3A_375 = arith.constant 8 : i32
      %eq3A_376 = vector.broadcast %eq3A_375 : i32 to vector<16xi32>
      %eq3A_377 = arith.cmpi eq, %iota3A, %eq3A_376 : vector<16xi32>
      %slice3A_378 = vector.extract_strided_slice %get3A_318 {offsets = [12], sizes = [1], strides = [1]} : vector<16xi32> to vector<1xi32>
      %squeeze3A_379 = vector.extract %slice3A_378[0] : i32 from vector<1xi32>
      %broadcast_in_dim3A_380 = vector.broadcast %squeeze3A_379 : i32 to vector<16xi32>
      %select_n3A_381 = arith.select %eq3A_377, %broadcast_in_dim3A_380, %select_n3A_374 : vector<16xi1>, vector<16xi32>
      %eq3A_382 = arith.constant 9 : i32
      %eq3A_383 = vector.broadcast %eq3A_382 : i32 to vector<16xi32>
      %eq3A_384 = arith.cmpi eq, %iota3A, %eq3A_383 : vector<16xi32>
      %slice3A_385 = vector.extract_strided_slice %get3A_318 {offsets = [13], sizes = [1], strides = [1]} : vector<16xi32> to vector<1xi32>
      %squeeze3A_386 = vector.extract %slice3A_385[0] : i32 from vector<1xi32>
      %broadcast_in_dim3A_387 = vector.broadcast %squeeze3A_386 : i32 to vector<16xi32>
      %select_n3A_388 = arith.select %eq3A_384, %broadcast_in_dim3A_387, %select_n3A_381 : vector<16xi1>, vector<16xi32>
      %eq3A_389 = arith.constant 10 : i32
      %eq3A_390 = vector.broadcast %eq3A_389 : i32 to vector<16xi32>
      %eq3A_391 = arith.cmpi eq, %iota3A, %eq3A_390 : vector<16xi32>
      %slice3A_392 = vector.extract_strided_slice %get3A_318 {offsets = [14], sizes = [1], strides = [1]} : vector<16xi32> to vector<1xi32>
      %squeeze3A_393 = vector.extract %slice3A_392[0] : i32 from vector<1xi32>
      %broadcast_in_dim3A_394 = vector.broadcast %squeeze3A_393 : i32 to vector<16xi32>
      %select_n3A_395 = arith.select %eq3A_391, %broadcast_in_dim3A_394, %select_n3A_388 : vector<16xi1>, vector<16xi32>
      %eq3A_396 = arith.constant 11 : i32
      %eq3A_397 = vector.broadcast %eq3A_396 : i32 to vector<16xi32>
      %eq3A_398 = arith.cmpi eq, %iota3A, %eq3A_397 : vector<16xi32>
      %slice3A_399 = vector.extract_strided_slice %get3A_318 {offsets = [15], sizes = [1], strides = [1]} : vector<16xi32> to vector<1xi32>
      %squeeze3A_400 = vector.extract %slice3A_399[0] : i32 from vector<1xi32>
      %broadcast_in_dim3A_401 = vector.broadcast %squeeze3A_400 : i32 to vector<16xi32>
      %select_n3A_402 = arith.select %eq3A_398, %broadcast_in_dim3A_401, %select_n3A_395 : vector<16xi1>, vector<16xi32>
      %dma_start3A_403 = arith.constant 0 : i32
      %dma_start3A_404 = arith.constant 0 : i32
      %dma_start3A_405 = tpu.memref_slice %arg3[%dma_start3A_403, %dma_start3A_404] : memref<100000x1024xf32, #tpu.memory_space<hbm>> -> memref<100000x1024xf32, #tpu.memory_space<hbm>>
      tpu.enqueue_indirect_dma source(%dma_start3A_405 : memref<100000x1024xf32, #tpu.memory_space<hbm>>) target(%arg10 : memref<16x1024xf32, #tpu.memory_space<vmem>>) offsets(%select_n3A_402 : vector<16xi32>) semaphore(%arg19 : memref<!tpu.dma_semaphore, #tpu.memory_space<semaphore_mem>>)
    } else {
    }
    %eq3A_56 = arith.constant 8 : i32
    %eq3A_57 = arith.cmpi eq, %add3A, %eq3A_56 : i32
    %convert_element_type3A_58 = arith.extui %eq3A_57 : i1 to i32
    %cond3A_59 = arith.constant 0 : i32
    %cond3A_60 = arith.cmpi ne, %convert_element_type3A_58, %cond3A_59 : i32
    scf.if %cond3A_60 {
      %get3A = arith.constant 0 : index
      %get3A_314 = tpu.vector_load %arg6[%get3A] {strides = array<i32>} : memref<256xi32, #tpu.memory_space<vmem>>, vector<16xi32>,
      %get3A_315 = vector.shape_cast %get3A_314 : vector<16xi32> to vector<16xi32>
      %get3A_316 = arith.constant 16 : index
      %get3A_317 = tpu.vector_load %arg6[%get3A_316] {strides = array<i32>} : memref<256xi32, #tpu.memory_space<vmem>>, vector<16xi32>,
      %get3A_318 = vector.shape_cast %get3A_317 : vector<16xi32> to vector<16xi32>
      %eq3A_319 = arith.constant 0 : i32
      %eq3A_320 = vector.broadcast %eq3A_319 : i32 to vector<16xi32>
      %eq3A_321 = arith.cmpi eq, %iota3A, %eq3A_320 : vector<16xi32>
      %slice3A = vector.extract_strided_slice %get3A_315 {offsets = [0], sizes = [1], strides = [1]} : vector<16xi32> to vector<1xi32>
      %squeeze3A = vector.extract %slice3A[0] : i32 from vector<1xi32>
      %slice3A_322 = vector.extract_strided_slice %get3A_318 {offsets = [15], sizes = [1], strides = [1]} : vector<16xi32> to vector<1xi32>
      %squeeze3A_323 = vector.extract %slice3A_322[0] : i32 from vector<1xi32>
      %broadcast_in_dim3A = vector.broadcast %squeeze3A : i32 to vector<16xi32>
      %broadcast_in_dim3A_324 = vector.broadcast %squeeze3A_323 : i32 to vector<16xi32>
      %select_n3A_325 = arith.select %eq3A_321, %broadcast_in_dim3A, %broadcast_in_dim3A_324 : vector<16xi1>, vector<16xi32>
      %eq3A_326 = arith.constant 1 : i32
      %eq3A_327 = vector.broadcast %eq3A_326 : i32 to vector<16xi32>
      %eq3A_328 = arith.cmpi eq, %iota3A, %eq3A_327 : vector<16xi32>
      %slice3A_329 = vector.extract_strided_slice %get3A_318 {offsets = [5], sizes = [1], strides = [1]} : vector<16xi32> to vector<1xi32>
      %squeeze3A_330 = vector.extract %slice3A_329[0] : i32 from vector<1xi32>
      %broadcast_in_dim3A_331 = vector.broadcast %squeeze3A_330 : i32 to vector<16xi32>
      %select_n3A_332 = arith.select %eq3A_328, %broadcast_in_dim3A_331, %select_n3A_325 : vector<16xi1>, vector<16xi32>
      %eq3A_333 = arith.constant 2 : i32
      %eq3A_334 = vector.broadcast %eq3A_333 : i32 to vector<16xi32>
      %eq3A_335 = arith.cmpi eq, %iota3A, %eq3A_334 : vector<16xi32>
      %slice3A_336 = vector.extract_strided_slice %get3A_318 {offsets = [6], sizes = [1], strides = [1]} : vector<16xi32> to vector<1xi32>
      %squeeze3A_337 = vector.extract %slice3A_336[0] : i32 from vector<1xi32>
      %broadcast_in_dim3A_338 = vector.broadcast %squeeze3A_337 : i32 to vector<16xi32>
      %select_n3A_339 = arith.select %eq3A_335, %broadcast_in_dim3A_338, %select_n3A_332 : vector<16xi1>, vector<16xi32>
      %eq3A_340 = arith.constant 3 : i32
      %eq3A_341 = vector.broadcast %eq3A_340 : i32 to vector<16xi32>
      %eq3A_342 = arith.cmpi eq, %iota3A, %eq3A_341 : vector<16xi32>
      %slice3A_343 = vector.extract_strided_slice %get3A_318 {offsets = [7], sizes = [1], strides = [1]} : vector<16xi32> to vector<1xi32>
      %squeeze3A_344 = vector.extract %slice3A_343[0] : i32 from vector<1xi32>
      %broadcast_in_dim3A_345 = vector.broadcast %squeeze3A_344 : i32 to vector<16xi32>
      %select_n3A_346 = arith.select %eq3A_342, %broadcast_in_dim3A_345, %select_n3A_339 : vector<16xi1>, vector<16xi32>
      %eq3A_347 = arith.constant 4 : i32
      %eq3A_348 = vector.broadcast %eq3A_347 : i32 to vector<16xi32>
      %eq3A_349 = arith.cmpi eq, %iota3A, %eq3A_348 : vector<16xi32>
      %slice3A_350 = vector.extract_strided_slice %get3A_318 {offsets = [8], sizes = [1], strides = [1]} : vector<16xi32> to vector<1xi32>
      %squeeze3A_351 = vector.extract %slice3A_350[0] : i32 from vector<1xi32>
      %broadcast_in_dim3A_352 = vector.broadcast %squeeze3A_351 : i32 to vector<16xi32>
      %select_n3A_353 = arith.select %eq3A_349, %broadcast_in_dim3A_352, %select_n3A_346 : vector<16xi1>, vector<16xi32>
      %eq3A_354 = arith.constant 5 : i32
      %eq3A_355 = vector.broadcast %eq3A_354 : i32 to vector<16xi32>
      %eq3A_356 = arith.cmpi eq, %iota3A, %eq3A_355 : vector<16xi32>
      %slice3A_357 = vector.extract_strided_slice %get3A_318 {offsets = [9], sizes = [1], strides = [1]} : vector<16xi32> to vector<1xi32>
      %squeeze3A_358 = vector.extract %slice3A_357[0] : i32 from vector<1xi32>
      %broadcast_in_dim3A_359 = vector.broadcast %squeeze3A_358 : i32 to vector<16xi32>
      %select_n3A_360 = arith.select %eq3A_356, %broadcast_in_dim3A_359, %select_n3A_353 : vector<16xi1>, vector<16xi32>
      %eq3A_361 = arith.constant 6 : i32
      %eq3A_362 = vector.broadcast %eq3A_361 : i32 to vector<16xi32>
      %eq3A_363 = arith.cmpi eq, %iota3A, %eq3A_362 : vector<16xi32>
      %slice3A_364 = vector.extract_strided_slice %get3A_318 {offsets = [10], sizes = [1], strides = [1]} : vector<16xi32> to vector<1xi32>
      %squeeze3A_365 = vector.extract %slice3A_364[0] : i32 from vector<1xi32>
      %broadcast_in_dim3A_366 = vector.broadcast %squeeze3A_365 : i32 to vector<16xi32>
      %select_n3A_367 = arith.select %eq3A_363, %broadcast_in_dim3A_366, %select_n3A_360 : vector<16xi1>, vector<16xi32>
      %eq3A_368 = arith.constant 7 : i32
      %eq3A_369 = vector.broadcast %eq3A_368 : i32 to vector<16xi32>
      %eq3A_370 = arith.cmpi eq, %iota3A, %eq3A_369 : vector<16xi32>
      %slice3A_371 = vector.extract_strided_slice %get3A_318 {offsets = [11], sizes = [1], strides = [1]} : vector<16xi32> to vector<1xi32>
      %squeeze3A_372 = vector.extract %slice3A_371[0] : i32 from vector<1xi32>
      %broadcast_in_dim3A_373 = vector.broadcast %squeeze3A_372 : i32 to vector<16xi32>
      %select_n3A_374 = arith.select %eq3A_370, %broadcast_in_dim3A_373, %select_n3A_367 : vector<16xi1>, vector<16xi32>
      %eq3A_375 = arith.constant 8 : i32
      %eq3A_376 = vector.broadcast %eq3A_375 : i32 to vector<16xi32>
      %eq3A_377 = arith.cmpi eq, %iota3A, %eq3A_376 : vector<16xi32>
      %slice3A_378 = vector.extract_strided_slice %get3A_318 {offsets = [12], sizes = [1], strides = [1]} : vector<16xi32> to vector<1xi32>
      %squeeze3A_379 = vector.extract %slice3A_378[0] : i32 from vector<1xi32>
      %broadcast_in_dim3A_380 = vector.broadcast %squeeze3A_379 : i32 to vector<16xi32>
      %select_n3A_381 = arith.select %eq3A_377, %broadcast_in_dim3A_380, %select_n3A_374 : vector<16xi1>, vector<16xi32>
      %eq3A_382 = arith.constant 9 : i32
      %eq3A_383 = vector.broadcast %eq3A_382 : i32 to vector<16xi32>
      %eq3A_384 = arith.cmpi eq, %iota3A, %eq3A_383 : vector<16xi32>
      %slice3A_385 = vector.extract_strided_slice %get3A_318 {offsets = [13], sizes = [1], strides = [1]} : vector<16xi32> to vector<1xi32>
      %squeeze3A_386 = vector.extract %slice3A_385[0] : i32 from vector<1xi32>
      %broadcast_in_dim3A_387 = vector.broadcast %squeeze3A_386 : i32 to vector<16xi32>
      %select_n3A_388 = arith.select %eq3A_384, %broadcast_in_dim3A_387, %select_n3A_381 : vector<16xi1>, vector<16xi32>
      %eq3A_389 = arith.constant 10 : i32
      %eq3A_390 = vector.broadcast %eq3A_389 : i32 to vector<16xi32>
      %eq3A_391 = arith.cmpi eq, %iota3A, %eq3A_390 : vector<16xi32>
      %slice3A_392 = vector.extract_strided_slice %get3A_318 {offsets = [14], sizes = [1], strides = [1]} : vector<16xi32> to vector<1xi32>
      %squeeze3A_393 = vector.extract %slice3A_392[0] : i32 from vector<1xi32>
      %broadcast_in_dim3A_394 = vector.broadcast %squeeze3A_393 : i32 to vector<16xi32>
      %select_n3A_395 = arith.select %eq3A_391, %broadcast_in_dim3A_394, %select_n3A_388 : vector<16xi1>, vector<16xi32>
      %eq3A_396 = arith.constant 11 : i32
      %eq3A_397 = vector.broadcast %eq3A_396 : i32 to vector<16xi32>
      %eq3A_398 = arith.cmpi eq, %iota3A, %eq3A_397 : vector<16xi32>
      %slice3A_399 = vector.extract_strided_slice %get3A_318 {offsets = [15], sizes = [1], strides = [1]} : vector<16xi32> to vector<1xi32>
      %squeeze3A_400 = vector.extract %slice3A_399[0] : i32 from vector<1xi32>
      %broadcast_in_dim3A_401 = vector.broadcast %squeeze3A_400 : i32 to vector<16xi32>
      %select_n3A_402 = arith.select %eq3A_398, %broadcast_in_dim3A_401, %select_n3A_395 : vector<16xi1>, vector<16xi32>
      %dma_start3A_403 = arith.constant 0 : i32
      %dma_start3A_404 = arith.constant 0 : i32
      %dma_start3A_405 = tpu.memref_slice %arg3[%dma_start3A_403, %dma_start3A_404] : memref<100000x1024xf32, #tpu.memory_space<hbm>> -> memref<100000x1024xf32, #tpu.memory_space<hbm>>
      tpu.enqueue_indirect_dma source(%dma_start3A_405 : memref<100000x1024xf32, #tpu.memory_space<hbm>>) target(%arg10 : memref<16x1024xf32, #tpu.memory_space<vmem>>) offsets(%select_n3A_402 : vector<16xi32>) semaphore(%arg19 : memref<!tpu.dma_semaphore, #tpu.memory_space<semaphore_mem>>)
    } else {
    }
    %eq3A_61 = arith.constant 16 : i32
    %eq3A_62 = arith.cmpi eq, %add3A, %eq3A_61 : i32
    %convert_element_type3A_63 = arith.extui %eq3A_62 : i1 to i32
    %cond3A_64 = arith.constant 0 : i32
    %cond3A_65 = arith.cmpi ne, %convert_element_type3A_63, %cond3A_64 : i32
    scf.if %cond3A_65 {
      %get3A = arith.constant 0 : index
      %get3A_314 = tpu.vector_load %arg6[%get3A] {strides = array<i32>} : memref<256xi32, #tpu.memory_space<vmem>>, vector<16xi32>,
      %get3A_315 = vector.shape_cast %get3A_314 : vector<16xi32> to vector<16xi32>
      %get3A_316 = arith.constant 16 : index
      %get3A_317 = tpu.vector_load %arg6[%get3A_316] {strides = array<i32>} : memref<256xi32, #tpu.memory_space<vmem>>, vector<16xi32>,
      %get3A_318 = vector.shape_cast %get3A_317 : vector<16xi32> to vector<16xi32>
      %eq3A_319 = arith.constant 0 : i32
      %eq3A_320 = vector.broadcast %eq3A_319 : i32 to vector<16xi32>
      %eq3A_321 = arith.cmpi eq, %iota3A, %eq3A_320 : vector<16xi32>
      %slice3A = vector.extract_strided_slice %get3A_315 {offsets = [0], sizes = [1], strides = [1]} : vector<16xi32> to vector<1xi32>
      %squeeze3A = vector.extract %slice3A[0] : i32 from vector<1xi32>
      %slice3A_322 = vector.extract_strided_slice %get3A_318 {offsets = [15], sizes = [1], strides = [1]} : vector<16xi32> to vector<1xi32>
      %squeeze3A_323 = vector.extract %slice3A_322[0] : i32 from vector<1xi32>
      %broadcast_in_dim3A = vector.broadcast %squeeze3A : i32 to vector<16xi32>
      %broadcast_in_dim3A_324 = vector.broadcast %squeeze3A_323 : i32 to vector<16xi32>
      %select_n3A_325 = arith.select %eq3A_321, %broadcast_in_dim3A, %broadcast_in_dim3A_324 : vector<16xi1>, vector<16xi32>
      %eq3A_326 = arith.constant 1 : i32
      %eq3A_327 = vector.broadcast %eq3A_326 : i32 to vector<16xi32>
      %eq3A_328 = arith.cmpi eq, %iota3A, %eq3A_327 : vector<16xi32>
      %slice3A_329 = vector.extract_strided_slice %get3A_318 {offsets = [5], sizes = [1], strides = [1]} : vector<16xi32> to vector<1xi32>
      %squeeze3A_330 = vector.extract %slice3A_329[0] : i32 from vector<1xi32>
      %broadcast_in_dim3A_331 = vector.broadcast %squeeze3A_330 : i32 to vector<16xi32>
      %select_n3A_332 = arith.select %eq3A_328, %broadcast_in_dim3A_331, %select_n3A_325 : vector<16xi1>, vector<16xi32>
      %eq3A_333 = arith.constant 2 : i32
      %eq3A_334 = vector.broadcast %eq3A_333 : i32 to vector<16xi32>
      %eq3A_335 = arith.cmpi eq, %iota3A, %eq3A_334 : vector<16xi32>
      %slice3A_336 = vector.extract_strided_slice %get3A_318 {offsets = [6], sizes = [1], strides = [1]} : vector<16xi32> to vector<1xi32>
      %squeeze3A_337 = vector.extract %slice3A_336[0] : i32 from vector<1xi32>
      %broadcast_in_dim3A_338 = vector.broadcast %squeeze3A_337 : i32 to vector<16xi32>
      %select_n3A_339 = arith.select %eq3A_335, %broadcast_in_dim3A_338, %select_n3A_332 : vector<16xi1>, vector<16xi32>
      %eq3A_340 = arith.constant 3 : i32
      %eq3A_341 = vector.broadcast %eq3A_340 : i32 to vector<16xi32>
      %eq3A_342 = arith.cmpi eq, %iota3A, %eq3A_341 : vector<16xi32>
      %slice3A_343 = vector.extract_strided_slice %get3A_318 {offsets = [7], sizes = [1], strides = [1]} : vector<16xi32> to vector<1xi32>
      %squeeze3A_344 = vector.extract %slice3A_343[0] : i32 from vector<1xi32>
      %broadcast_in_dim3A_345 = vector.broadcast %squeeze3A_344 : i32 to vector<16xi32>
      %select_n3A_346 = arith.select %eq3A_342, %broadcast_in_dim3A_345, %select_n3A_339 : vector<16xi1>, vector<16xi32>
      %eq3A_347 = arith.constant 4 : i32
      %eq3A_348 = vector.broadcast %eq3A_347 : i32 to vector<16xi32>
      %eq3A_349 = arith.cmpi eq, %iota3A, %eq3A_348 : vector<16xi32>
      %slice3A_350 = vector.extract_strided_slice %get3A_318 {offsets = [8], sizes = [1], strides = [1]} : vector<16xi32> to vector<1xi32>
      %squeeze3A_351 = vector.extract %slice3A_350[0] : i32 from vector<1xi32>
      %broadcast_in_dim3A_352 = vector.broadcast %squeeze3A_351 : i32 to vector<16xi32>
      %select_n3A_353 = arith.select %eq3A_349, %broadcast_in_dim3A_352, %select_n3A_346 : vector<16xi1>, vector<16xi32>
      %eq3A_354 = arith.constant 5 : i32
      %eq3A_355 = vector.broadcast %eq3A_354 : i32 to vector<16xi32>
      %eq3A_356 = arith.cmpi eq, %iota3A, %eq3A_355 : vector<16xi32>
      %slice3A_357 = vector.extract_strided_slice %get3A_318 {offsets = [9], sizes = [1], strides = [1]} : vector<16xi32> to vector<1xi32>
      %squeeze3A_358 = vector.extract %slice3A_357[0] : i32 from vector<1xi32>
      %broadcast_in_dim3A_359 = vector.broadcast %squeeze3A_358 : i32 to vector<16xi32>
      %select_n3A_360 = arith.select %eq3A_356, %broadcast_in_dim3A_359, %select_n3A_353 : vector<16xi1>, vector<16xi32>
      %eq3A_361 = arith.constant 6 : i32
      %eq3A_362 = vector.broadcast %eq3A_361 : i32 to vector<16xi32>
      %eq3A_363 = arith.cmpi eq, %iota3A, %eq3A_362 : vector<16xi32>
      %slice3A_364 = vector.extract_strided_slice %get3A_318 {offsets = [10], sizes = [1], strides = [1]} : vector<16xi32> to vector<1xi32>
      %squeeze3A_365 = vector.extract %slice3A_364[0] : i32 from vector<1xi32>
      %broadcast_in_dim3A_366 = vector.broadcast %squeeze3A_365 : i32 to vector<16xi32>
      %select_n3A_367 = arith.select %eq3A_363, %broadcast_in_dim3A_366, %select_n3A_360 : vector<16xi1>, vector<16xi32>
      %eq3A_368 = arith.constant 7 : i32
      %eq3A_369 = vector.broadcast %eq3A_368 : i32 to vector<16xi32>
      %eq3A_370 = arith.cmpi eq, %iota3A, %eq3A_369 : vector<16xi32>
      %slice3A_371 = vector.extract_strided_slice %get3A_318 {offsets = [11], sizes = [1], strides = [1]} : vector<16xi32> to vector<1xi32>
      %squeeze3A_372 = vector.extract %slice3A_371[0] : i32 from vector<1xi32>
      %broadcast_in_dim3A_373 = vector.broadcast %squeeze3A_372 : i32 to vector<16xi32>
      %select_n3A_374 = arith.select %eq3A_370, %broadcast_in_dim3A_373, %select_n3A_367 : vector<16xi1>, vector<16xi32>
      %eq3A_375 = arith.constant 8 : i32
      %eq3A_376 = vector.broadcast %eq3A_375 : i32 to vector<16xi32>
      %eq3A_377 = arith.cmpi eq, %iota3A, %eq3A_376 : vector<16xi32>
      %slice3A_378 = vector.extract_strided_slice %get3A_318 {offsets = [12], sizes = [1], strides = [1]} : vector<16xi32> to vector<1xi32>
      %squeeze3A_379 = vector.extract %slice3A_378[0] : i32 from vector<1xi32>
      %broadcast_in_dim3A_380 = vector.broadcast %squeeze3A_379 : i32 to vector<16xi32>
      %select_n3A_381 = arith.select %eq3A_377, %broadcast_in_dim3A_380, %select_n3A_374 : vector<16xi1>, vector<16xi32>
      %eq3A_382 = arith.constant 9 : i32
      %eq3A_383 = vector.broadcast %eq3A_382 : i32 to vector<16xi32>
      %eq3A_384 = arith.cmpi eq, %iota3A, %eq3A_383 : vector<16xi32>
      %slice3A_385 = vector.extract_strided_slice %get3A_318 {offsets = [13], sizes = [1], strides = [1]} : vector<16xi32> to vector<1xi32>
      %squeeze3A_386 = vector.extract %slice3A_385[0] : i32 from vector<1xi32>
      %broadcast_in_dim3A_387 = vector.broadcast %squeeze3A_386 : i32 to vector<16xi32>
      %select_n3A_388 = arith.select %eq3A_384, %broadcast_in_dim3A_387, %select_n3A_381 : vector<16xi1>, vector<16xi32>
      %eq3A_389 = arith.constant 10 : i32
      %eq3A_390 = vector.broadcast %eq3A_389 : i32 to vector<16xi32>
      %eq3A_391 = arith.cmpi eq, %iota3A, %eq3A_390 : vector<16xi32>
      %slice3A_392 = vector.extract_strided_slice %get3A_318 {offsets = [14], sizes = [1], strides = [1]} : vector<16xi32> to vector<1xi32>
      %squeeze3A_393 = vector.extract %slice3A_392[0] : i32 from vector<1xi32>
      %broadcast_in_dim3A_394 = vector.broadcast %squeeze3A_393 : i32 to vector<16xi32>
      %select_n3A_395 = arith.select %eq3A_391, %broadcast_in_dim3A_394, %select_n3A_388 : vector<16xi1>, vector<16xi32>
      %eq3A_396 = arith.constant 11 : i32
      %eq3A_397 = vector.broadcast %eq3A_396 : i32 to vector<16xi32>
      %eq3A_398 = arith.cmpi eq, %iota3A, %eq3A_397 : vector<16xi32>
      %slice3A_399 = vector.extract_strided_slice %get3A_318 {offsets = [15], sizes = [1], strides = [1]} : vector<16xi32> to vector<1xi32>
      %squeeze3A_400 = vector.extract %slice3A_399[0] : i32 from vector<1xi32>
      %broadcast_in_dim3A_401 = vector.broadcast %squeeze3A_400 : i32 to vector<16xi32>
      %select_n3A_402 = arith.select %eq3A_398, %broadcast_in_dim3A_401, %select_n3A_395 : vector<16xi1>, vector<16xi32>
      %dma_start3A_403 = arith.constant 0 : i32
      %dma_start3A_404 = arith.constant 0 : i32
      %dma_start3A_405 = tpu.memref_slice %arg3[%dma_start3A_403, %dma_start3A_404] : memref<100000x1024xf32, #tpu.memory_space<hbm>> -> memref<100000x1024xf32, #tpu.memory_space<hbm>>
      tpu.enqueue_indirect_dma source(%dma_start3A_405 : memref<100000x1024xf32, #tpu.memory_space<hbm>>) target(%arg10 : memref<16x1024xf32, #tpu.memory_space<vmem>>) offsets(%select_n3A_402 : vector<16xi32>) semaphore(%arg19 : memref<!tpu.dma_semaphore, #tpu.memory_space<semaphore_mem>>)
    } else {
    }
    %eq3A_66 = arith.constant 24 : i32
    %eq3A_67 = arith.cmpi eq, %add3A, %eq3A_66 : i32
    %convert_element_type3A_68 = arith.extui %eq3A_67 : i1 to i32
    %cond3A_69 = arith.constant 0 : i32
    %cond3A_70 = arith.cmpi ne, %convert_element_type3A_68, %cond3A_69 : i32
    scf.if %cond3A_70 {
      %get3A = arith.constant 0 : index
      %get3A_314 = tpu.vector_load %arg6[%get3A] {strides = array<i32>} : memref<256xi32, #tpu.memory_space<vmem>>, vector<16xi32>,
      %get3A_315 = vector.shape_cast %get3A_314 : vector<16xi32> to vector<16xi32>
      %get3A_316 = arith.constant 16 : index
      %get3A_317 = tpu.vector_load %arg6[%get3A_316] {strides = array<i32>} : memref<256xi32, #tpu.memory_space<vmem>>, vector<16xi32>,
      %get3A_318 = vector.shape_cast %get3A_317 : vector<16xi32> to vector<16xi32>
      %eq3A_319 = arith.constant 0 : i32
      %eq3A_320 = vector.broadcast %eq3A_319 : i32 to vector<16xi32>
      %eq3A_321 = arith.cmpi eq, %iota3A, %eq3A_320 : vector<16xi32>
      %slice3A = vector.extract_strided_slice %get3A_315 {offsets = [0], sizes = [1], strides = [1]} : vector<16xi32> to vector<1xi32>
      %squeeze3A = vector.extract %slice3A[0] : i32 from vector<1xi32>
      %slice3A_322 = vector.extract_strided_slice %get3A_318 {offsets = [15], sizes = [1], strides = [1]} : vector<16xi32> to vector<1xi32>
      %squeeze3A_323 = vector.extract %slice3A_322[0] : i32 from vector<1xi32>
      %broadcast_in_dim3A = vector.broadcast %squeeze3A : i32 to vector<16xi32>
      %broadcast_in_dim3A_324 = vector.broadcast %squeeze3A_323 : i32 to vector<16xi32>
      %select_n3A_325 = arith.select %eq3A_321, %broadcast_in_dim3A, %broadcast_in_dim3A_324 : vector<16xi1>, vector<16xi32>
      %eq3A_326 = arith.constant 1 : i32
      %eq3A_327 = vector.broadcast %eq3A_326 : i32 to vector<16xi32>
      %eq3A_328 = arith.cmpi eq, %iota3A, %eq3A_327 : vector<16xi32>
      %slice3A_329 = vector.extract_strided_slice %get3A_318 {offsets = [5], sizes = [1], strides = [1]} : vector<16xi32> to vector<1xi32>
      %squeeze3A_330 = vector.extract %slice3A_329[0] : i32 from vector<1xi32>
      %broadcast_in_dim3A_331 = vector.broadcast %squeeze3A_330 : i32 to vector<16xi32>
      %select_n3A_332 = arith.select %eq3A_328, %broadcast_in_dim3A_331, %select_n3A_325 : vector<16xi1>, vector<16xi32>
      %eq3A_333 = arith.constant 2 : i32
      %eq3A_334 = vector.broadcast %eq3A_333 : i32 to vector<16xi32>
      %eq3A_335 = arith.cmpi eq, %iota3A, %eq3A_334 : vector<16xi32>
      %slice3A_336 = vector.extract_strided_slice %get3A_318 {offsets = [6], sizes = [1], strides = [1]} : vector<16xi32> to vector<1xi32>
      %squeeze3A_337 = vector.extract %slice3A_336[0] : i32 from vector<1xi32>
      %broadcast_in_dim3A_338 = vector.broadcast %squeeze3A_337 : i32 to vector<16xi32>
      %select_n3A_339 = arith.select %eq3A_335, %broadcast_in_dim3A_338, %select_n3A_332 : vector<16xi1>, vector<16xi32>
      %eq3A_340 = arith.constant 3 : i32
      %eq3A_341 = vector.broadcast %eq3A_340 : i32 to vector<16xi32>
      %eq3A_342 = arith.cmpi eq, %iota3A, %eq3A_341 : vector<16xi32>
      %slice3A_343 = vector.extract_strided_slice %get3A_318 {offsets = [7], sizes = [1], strides = [1]} : vector<16xi32> to vector<1xi32>
      %squeeze3A_344 = vector.extract %slice3A_343[0] : i32 from vector<1xi32>
      %broadcast_in_dim3A_345 = vector.broadcast %squeeze3A_344 : i32 to vector<16xi32>
      %select_n3A_346 = arith.select %eq3A_342, %broadcast_in_dim3A_345, %select_n3A_339 : vector<16xi1>, vector<16xi32>
      %eq3A_347 = arith.constant 4 : i32
      %eq3A_348 = vector.broadcast %eq3A_347 : i32 to vector<16xi32>
      %eq3A_349 = arith.cmpi eq, %iota3A, %eq3A_348 : vector<16xi32>
      %slice3A_350 = vector.extract_strided_slice %get3A_318 {offsets = [8], sizes = [1], strides = [1]} : vector<16xi32> to vector<1xi32>
      %squeeze3A_351 = vector.extract %slice3A_350[0] : i32 from vector<1xi32>
      %broadcast_in_dim3A_352 = vector.broadcast %squeeze3A_351 : i32 to vector<16xi32>
      %select_n3A_353 = arith.select %eq3A_349, %broadcast_in_dim3A_352, %select_n3A_346 : vector<16xi1>, vector<16xi32>
      %eq3A_354 = arith.constant 5 : i32
      %eq3A_355 = vector.broadcast %eq3A_354 : i32 to vector<16xi32>
      %eq3A_356 = arith.cmpi eq, %iota3A, %eq3A_355 : vector<16xi32>
      %slice3A_357 = vector.extract_strided_slice %get3A_318 {offsets = [9], sizes = [1], strides = [1]} : vector<16xi32> to vector<1xi32>
      %squeeze3A_358 = vector.extract %slice3A_357[0] : i32 from vector<1xi32>
      %broadcast_in_dim3A_359 = vector.broadcast %squeeze3A_358 : i32 to vector<16xi32>
      %select_n3A_360 = arith.select %eq3A_356, %broadcast_in_dim3A_359, %select_n3A_353 : vector<16xi1>, vector<16xi32>
      %eq3A_361 = arith.constant 6 : i32
      %eq3A_362 = vector.broadcast %eq3A_361 : i32 to vector<16xi32>
      %eq3A_363 = arith.cmpi eq, %iota3A, %eq3A_362 : vector<16xi32>
      %slice3A_364 = vector.extract_strided_slice %get3A_318 {offsets = [10], sizes = [1], strides = [1]} : vector<16xi32> to vector<1xi32>
      %squeeze3A_365 = vector.extract %slice3A_364[0] : i32 from vector<1xi32>
      %broadcast_in_dim3A_366 = vector.broadcast %squeeze3A_365 : i32 to vector<16xi32>
      %select_n3A_367 = arith.select %eq3A_363, %broadcast_in_dim3A_366, %select_n3A_360 : vector<16xi1>, vector<16xi32>
      %eq3A_368 = arith.constant 7 : i32
      %eq3A_369 = vector.broadcast %eq3A_368 : i32 to vector<16xi32>
      %eq3A_370 = arith.cmpi eq, %iota3A, %eq3A_369 : vector<16xi32>
      %slice3A_371 = vector.extract_strided_slice %get3A_318 {offsets = [11], sizes = [1], strides = [1]} : vector<16xi32> to vector<1xi32>
      %squeeze3A_372 = vector.extract %slice3A_371[0] : i32 from vector<1xi32>
      %broadcast_in_dim3A_373 = vector.broadcast %squeeze3A_372 : i32 to vector<16xi32>
      %select_n3A_374 = arith.select %eq3A_370, %broadcast_in_dim3A_373, %select_n3A_367 : vector<16xi1>, vector<16xi32>
      %eq3A_375 = arith.constant 8 : i32
      %eq3A_376 = vector.broadcast %eq3A_375 : i32 to vector<16xi32>
      %eq3A_377 = arith.cmpi eq, %iota3A, %eq3A_376 : vector<16xi32>
      %slice3A_378 = vector.extract_strided_slice %get3A_318 {offsets = [12], sizes = [1], strides = [1]} : vector<16xi32> to vector<1xi32>
      %squeeze3A_379 = vector.extract %slice3A_378[0] : i32 from vector<1xi32>
      %broadcast_in_dim3A_380 = vector.broadcast %squeeze3A_379 : i32 to vector<16xi32>
      %select_n3A_381 = arith.select %eq3A_377, %broadcast_in_dim3A_380, %select_n3A_374 : vector<16xi1>, vector<16xi32>
      %eq3A_382 = arith.constant 9 : i32
      %eq3A_383 = vector.broadcast %eq3A_382 : i32 to vector<16xi32>
      %eq3A_384 = arith.cmpi eq, %iota3A, %eq3A_383 : vector<16xi32>
      %slice3A_385 = vector.extract_strided_slice %get3A_318 {offsets = [13], sizes = [1], strides = [1]} : vector<16xi32> to vector<1xi32>
      %squeeze3A_386 = vector.extract %slice3A_385[0] : i32 from vector<1xi32>
      %broadcast_in_dim3A_387 = vector.broadcast %squeeze3A_386 : i32 to vector<16xi32>
      %select_n3A_388 = arith.select %eq3A_384, %broadcast_in_dim3A_387, %select_n3A_381 : vector<16xi1>, vector<16xi32>
      %eq3A_389 = arith.constant 10 : i32
      %eq3A_390 = vector.broadcast %eq3A_389 : i32 to vector<16xi32>
      %eq3A_391 = arith.cmpi eq, %iota3A, %eq3A_390 : vector<16xi32>
      %slice3A_392 = vector.extract_strided_slice %get3A_318 {offsets = [14], sizes = [1], strides = [1]} : vector<16xi32> to vector<1xi32>
      %squeeze3A_393 = vector.extract %slice3A_392[0] : i32 from vector<1xi32>
      %broadcast_in_dim3A_394 = vector.broadcast %squeeze3A_393 : i32 to vector<16xi32>
      %select_n3A_395 = arith.select %eq3A_391, %broadcast_in_dim3A_394, %select_n3A_388 : vector<16xi1>, vector<16xi32>
      %eq3A_396 = arith.constant 11 : i32
      %eq3A_397 = vector.broadcast %eq3A_396 : i32 to vector<16xi32>
      %eq3A_398 = arith.cmpi eq, %iota3A, %eq3A_397 : vector<16xi32>
      %slice3A_399 = vector.extract_strided_slice %get3A_318 {offsets = [15], sizes = [1], strides = [1]} : vector<16xi32> to vector<1xi32>
      %squeeze3A_400 = vector.extract %slice3A_399[0] : i32 from vector<1xi32>
      %broadcast_in_dim3A_401 = vector.broadcast %squeeze3A_400 : i32 to vector<16xi32>
      %select_n3A_402 = arith.select %eq3A_398, %broadcast_in_dim3A_401, %select_n3A_395 : vector<16xi1>, vector<16xi32>
      %dma_start3A_403 = arith.constant 0 : i32
      %dma_start3A_404 = arith.constant 0 : i32
      %dma_start3A_405 = tpu.memref_slice %arg3[%dma_start3A_403, %dma_start3A_404] : memref<100000x1024xf32, #tpu.memory_space<hbm>> -> memref<100000x1024xf32, #tpu.memory_space<hbm>>
      tpu.enqueue_indirect_dma source(%dma_start3A_405 : memref<100000x1024xf32, #tpu.memory_space<hbm>>) target(%arg10 : memref<16x1024xf32, #tpu.memory_space<vmem>>) offsets(%select_n3A_402 : vector<16xi32>) semaphore(%arg19 : memref<!tpu.dma_semaphore, #tpu.memory_space<semaphore_mem>>)
    } else {
    }
    %eq3A_71 = arith.constant 0 : i32
    %eq3A_72 = arith.cmpi eq, %mul3A_32, %eq3A_71 : i32
    %ne3A_73 = arith.constant 0 : i32
    %ne3A_74 = arith.cmpi ne, %mul3A_32, %ne3A_73 : i32
    %convert_element_type3A_75 = arith.extui %ne3A_74 : i1 to i32
    %cond3A_76 = arith.constant 0 : i32
    %cond3A_77 = arith.cmpi ne, %convert_element_type3A_75, %cond3A_76 : i32
    scf.if %cond3A_77 {
      %dma_start3A_314 = arith.constant 0 : i32
      %dma_start3A_315 = tpu.memref_slice %arg6[%dma_start3A_314] : memref<256xi32, #tpu.memory_space<vmem>> -> memref<32xi32, #tpu.memory_space<vmem>>
      %dma_start3A_316 = arith.constant 0 : i32
      %dma_start3A_317 = arith.constant 0 : i32
      %dma_start3A_318 = tpu.memref_slice %arg3[%dma_start3A_316, %dma_start3A_317] : memref<100000x1024xf32, #tpu.memory_space<hbm>> -> memref<100000x1024xf32, #tpu.memory_space<hbm>>
      tpu.enqueue_indirect_dma source(%dma_start3A_318 : memref<100000x1024xf32, #tpu.memory_space<hbm>>) target(%arg7 : memref<32x1024xf32, #tpu.memory_space<vmem>>) offsets(%dma_start3A_315 : memref<32xi32, #tpu.memory_space<vmem>>) semaphore(%arg11 : memref<!tpu.dma_semaphore, #tpu.memory_space<semaphore_mem>>)
    } else {
    }
    %dma_start3A = arith.constant 32 : i32
    %dma_start3A_78 = tpu.memref_slice %arg6[%dma_start3A] : memref<256xi32, #tpu.memory_space<vmem>> -> memref<32xi32, #tpu.memory_space<vmem>>
    %dma_start3A_79 = arith.constant 0 : i32
    %dma_start3A_80 = arith.constant 0 : i32
    %dma_start3A_81 = tpu.memref_slice %arg3[%dma_start3A_79, %dma_start3A_80] : memref<100000x1024xf32, #tpu.memory_space<hbm>> -> memref<100000x1024xf32, #tpu.memory_space<hbm>>
    tpu.enqueue_indirect_dma source(%dma_start3A_81 : memref<100000x1024xf32, #tpu.memory_space<hbm>>) target(%arg8 : memref<32x1024xf32, #tpu.memory_space<vmem>>) offsets(%dma_start3A_78 : memref<32xi32, #tpu.memory_space<vmem>>) semaphore(%arg12 : memref<!tpu.dma_semaphore, #tpu.memory_space<semaphore_mem>>)
    %ne3A_82 = arith.constant 0 : i32
    %ne3A_83 = arith.cmpi ne, %mul3A_32, %ne3A_82 : i32
    %convert_element_type3A_84 = arith.extui %ne3A_83 : i1 to i32
    %cond3A_85 = arith.constant 0 : i32
    %cond3A_86 = arith.cmpi ne, %convert_element_type3A_84, %cond3A_85 : i32
    scf.if %cond3A_86 {
      %dma_wait3A_314 = arith.constant 0 : i32
      %dma_wait3A_315 = tpu.memref_slice %arg6[%dma_wait3A_314] : memref<256xi32, #tpu.memory_space<vmem>> -> memref<32xi32, #tpu.memory_space<vmem>>
      %dma_wait3A_316 = arith.constant 0 : i32
      %dma_wait3A_317 = arith.constant 0 : i32
      %dma_wait3A_318 = tpu.memref_slice %arg3[%dma_wait3A_316, %dma_wait3A_317] : memref<100000x1024xf32, #tpu.memory_space<hbm>> -> memref<100000x1024xf32, #tpu.memory_space<hbm>>
      tpu.wait_indirect_dma semaphore(%arg11 : memref<!tpu.dma_semaphore, #tpu.memory_space<semaphore_mem>>) src(%dma_wait3A_318 : memref<100000x1024xf32, #tpu.memory_space<hbm>>) dst(%arg7 : memref<32x1024xf32, #tpu.memory_space<vmem>>)
      %add3A_319 = arith.constant 0 : i32
      %add3A_320 = arith.addi %mul3A_32, %add3A_319 : i32
      %dma_start3A_321 = arith.constant 0 : i32
      %dma_start3A_322 = tpu.memref_slice %arg5[%select_n3A, %add3A_320, %dma_start3A_321] : memref<4x2048x1024xf32, #tpu.memory_space<hbm>> -> memref<1x32x1024xf32, #tpu.memory_space<hbm>>
      %dma_start3A_323 = tpu.memref_squeeze %dma_start3A_322 : memref<1x32x1024xf32, #tpu.memory_space<hbm>> -> memref<32x1024xf32, #tpu.memory_space<hbm>>
      %dma_start3A_324 = arith.constant 0 : i32
      %dma_start3A_325 = tpu.memref_slice %arg5[%select_n3A, %add3A_320, %dma_start3A_324] : memref<4x2048x1024xf32, #tpu.memory_space<hbm>> -> memref<1x32x1024xf32, #tpu.memory_space<hbm>>
      %dma_start3A_326 = tpu.memref_squeeze %dma_start3A_325 : memref<1x32x1024xf32, #tpu.memory_space<hbm>> -> memref<32x1024xf32, #tpu.memory_space<hbm>>
      tpu.enqueue_dma source(%arg7 : memref<32x1024xf32, #tpu.memory_space<vmem>>) target(%dma_start3A_326 : memref<32x1024xf32, #tpu.memory_space<hbm>>) target_semaphore(%arg13 : memref<!tpu.dma_semaphore, #tpu.memory_space<semaphore_mem>>)
    } else {
    }
    %ne3A_87 = arith.constant 0 : i32
    %ne3A_88 = arith.cmpi ne, %mul3A_32, %ne3A_87 : i32
    %convert_element_type3A_89 = arith.extui %ne3A_88 : i1 to i32
    %cond3A_90 = arith.constant 0 : i32
    %cond3A_91 = arith.cmpi ne, %convert_element_type3A_89, %cond3A_90 : i32
    scf.if %cond3A_91 {
      %add3A_314 = arith.constant 0 : i32
      %add3A_315 = arith.addi %mul3A_32, %add3A_314 : i32
      %dma_wait3A_316 = arith.constant 0 : i32
      %dma_wait3A_317 = tpu.memref_slice %arg5[%select_n3A, %add3A_315, %dma_wait3A_316] : memref<4x2048x1024xf32, #tpu.memory_space<hbm>> -> memref<1x32x1024xf32, #tpu.memory_space<hbm>>
      %dma_wait3A_318 = tpu.memref_squeeze %dma_wait3A_317 : memref<1x32x1024xf32, #tpu.memory_space<hbm>> -> memref<32x1024xf32, #tpu.memory_space<hbm>>
      %dma_wait3A_319 = arith.constant 0 : i32
      %dma_wait3A_320 = tpu.memref_slice %arg5[%select_n3A, %add3A_315, %dma_wait3A_319] : memref<4x2048x1024xf32, #tpu.memory_space<hbm>> -> memref<1x32x1024xf32, #tpu.memory_space<hbm>>
      %dma_wait3A_321 = tpu.memref_squeeze %dma_wait3A_320 : memref<1x32x1024xf32, #tpu.memory_space<hbm>> -> memref<32x1024xf32, #tpu.memory_space<hbm>>
      tpu.wait_dma2 semaphore(%arg13 : memref<!tpu.dma_semaphore, #tpu.memory_space<semaphore_mem>>) src(%arg7 : memref<32x1024xf32, #tpu.memory_space<vmem>>) dst(%dma_wait3A_321 : memref<32x1024xf32, #tpu.memory_space<hbm>>)
    } else {
    }
    %dma_start3A_92 = arith.constant 64 : i32
    %dma_start3A_93 = tpu.memref_slice %arg6[%dma_start3A_92] : memref<256xi32, #tpu.memory_space<vmem>> -> memref<32xi32, #tpu.memory_space<vmem>>
    %dma_start3A_94 = arith.constant 0 : i32
    %dma_start3A_95 = arith.constant 0 : i32
    %dma_start3A_96 = tpu.memref_slice %arg3[%dma_start3A_94, %dma_start3A_95] : memref<100000x1024xf32, #tpu.memory_space<hbm>> -> memref<100000x1024xf32, #tpu.memory_space<hbm>>
    tpu.enqueue_indirect_dma source(%dma_start3A_96 : memref<100000x1024xf32, #tpu.memory_space<hbm>>) target(%arg7 : memref<32x1024xf32, #tpu.memory_space<vmem>>) offsets(%dma_start3A_93 : memref<32xi32, #tpu.memory_space<vmem>>) semaphore(%arg11 : memref<!tpu.dma_semaphore, #tpu.memory_space<semaphore_mem>>)
    %dma_wait3A = arith.constant 32 : i32
    %dma_wait3A_97 = tpu.memref_slice %arg6[%dma_wait3A] : memref<256xi32, #tpu.memory_space<vmem>> -> memref<32xi32, #tpu.memory_space<vmem>>
    %dma_wait3A_98 = arith.constant 0 : i32
    %dma_wait3A_99 = arith.constant 0 : i32
    %dma_wait3A_100 = tpu.memref_slice %arg3[%dma_wait3A_98, %dma_wait3A_99] : memref<100000x1024xf32, #tpu.memory_space<hbm>> -> memref<100000x1024xf32, #tpu.memory_space<hbm>>
    tpu.wait_indirect_dma semaphore(%arg12 : memref<!tpu.dma_semaphore, #tpu.memory_space<semaphore_mem>>) src(%dma_wait3A_100 : memref<100000x1024xf32, #tpu.memory_space<hbm>>) dst(%arg8 : memref<32x1024xf32, #tpu.memory_space<vmem>>)
    %add3A_101 = arith.constant 32 : i32
    %add3A_102 = arith.addi %mul3A_32, %add3A_101 : i32
    %dma_start3A_103 = arith.constant 0 : i32
    %dma_start3A_104 = tpu.memref_slice %arg5[%select_n3A, %add3A_102, %dma_start3A_103] : memref<4x2048x1024xf32, #tpu.memory_space<hbm>> -> memref<1x32x1024xf32, #tpu.memory_space<hbm>>
    %dma_start3A_105 = tpu.memref_squeeze %dma_start3A_104 : memref<1x32x1024xf32, #tpu.memory_space<hbm>> -> memref<32x1024xf32, #tpu.memory_space<hbm>>
    %dma_start3A_106 = arith.constant 0 : i32
    %dma_start3A_107 = tpu.memref_slice %arg5[%select_n3A, %add3A_102, %dma_start3A_106] : memref<4x2048x1024xf32, #tpu.memory_space<hbm>> -> memref<1x32x1024xf32, #tpu.memory_space<hbm>>
    %dma_start3A_108 = tpu.memref_squeeze %dma_start3A_107 : memref<1x32x1024xf32, #tpu.memory_space<hbm>> -> memref<32x1024xf32, #tpu.memory_space<hbm>>
    tpu.enqueue_dma source(%arg8 : memref<32x1024xf32, #tpu.memory_space<vmem>>) target(%dma_start3A_108 : memref<32x1024xf32, #tpu.memory_space<hbm>>) target_semaphore(%arg14 : memref<!tpu.dma_semaphore, #tpu.memory_space<semaphore_mem>>)
    %eq3A_109 = arith.constant 0 : i32
    %eq3A_110 = arith.cmpi eq, %add3A, %eq3A_109 : i32
    %convert_element_type3A_111 = arith.extui %eq3A_110 : i1 to i32
    %cond3A_112 = arith.constant 0 : i32
    %cond3A_113 = arith.cmpi ne, %convert_element_type3A_111, %cond3A_112 : i32
    scf.if %cond3A_113 {
      %add3A_314 = arith.constant 0 : i32
      %add3A_315 = vector.broadcast %add3A_314 : i32 to vector<16xi32>
      %add3A_316 = arith.addi %iota3A, %add3A_315 : vector<16xi32>
      %min3A = arith.constant 19 : i32
      %min3A_317 = vector.broadcast %min3A : i32 to vector<16xi32>
      %min3A_318 = arith.minsi %add3A_316, %min3A_317 : vector<16xi32>
      %dma_wait3A_319 = arith.constant 0 : i32
      %dma_wait3A_320 = arith.constant 0 : i32
      %dma_wait3A_321 = arith.constant 0 : i32
      %dma_wait3A_322 = tpu.memref_slice %arg9[%dma_wait3A_320, %dma_wait3A_321] : memref<24x1024xf32, #tpu.memory_space<vmem>> -> memref<16x1024xf32, #tpu.memory_space<vmem>>
      %dma_wait3A_323 = arith.constant 0 : i32
      %dma_wait3A_324 = arith.constant 0 : i32
      %dma_wait3A_325 = tpu.memref_slice %arg4[%dma_wait3A_319, %dma_wait3A_323, %dma_wait3A_324] : memref<4x20x1024xf32, #tpu.memory_space<hbm>> -> memref<1x20x1024xf32, #tpu.memory_space<hbm>>
      %dma_wait3A_326 = tpu.memref_squeeze %dma_wait3A_325 : memref<1x20x1024xf32, #tpu.memory_space<hbm>> -> memref<20x1024xf32, #tpu.memory_space<hbm>>
      %dma_wait3A_327 = arith.constant 0 : i32
      %dma_wait3A_328 = arith.constant 0 : i32
      %dma_wait3A_329 = tpu.memref_slice %dma_wait3A_326[%dma_wait3A_327, %dma_wait3A_328] : memref<20x1024xf32, #tpu.memory_space<hbm>> -> memref<20x1024xf32, #tpu.memory_space<hbm>>
      tpu.wait_indirect_dma semaphore(%arg15 : memref<!tpu.dma_semaphore, #tpu.memory_space<semaphore_mem>>) src(%dma_wait3A_329 : memref<20x1024xf32, #tpu.memory_space<hbm>>) dst(%dma_wait3A_322 : memref<16x1024xf32, #tpu.memory_space<vmem>>)
      %add3A_330 = arith.constant 8 : i32
      %add3A_331 = vector.broadcast %add3A_330 : i32 to vector<16xi32>
      %add3A_332 = arith.addi %iota3A, %add3A_331 : vector<16xi32>
      %min3A_333 = arith.constant 19 : i32
      %min3A_334 = vector.broadcast %min3A_333 : i32 to vector<16xi32>
      %min3A_335 = arith.minsi %add3A_332, %min3A_334 : vector<16xi32>
      %dma_wait3A_336 = arith.constant 0 : i32
      %dma_wait3A_337 = arith.constant 8 : i32
      %dma_wait3A_338 = arith.constant 0 : i32
      %dma_wait3A_339 = tpu.memref_slice %arg9[%dma_wait3A_337, %dma_wait3A_338] : memref<24x1024xf32, #tpu.memory_space<vmem>> -> memref<16x1024xf32, #tpu.memory_space<vmem>>
      %dma_wait3A_340 = arith.constant 0 : i32
      %dma_wait3A_341 = arith.constant 0 : i32
      %dma_wait3A_342 = tpu.memref_slice %arg4[%dma_wait3A_336, %dma_wait3A_340, %dma_wait3A_341] : memref<4x20x1024xf32, #tpu.memory_space<hbm>> -> memref<1x20x1024xf32, #tpu.memory_space<hbm>>
      %dma_wait3A_343 = tpu.memref_squeeze %dma_wait3A_342 : memref<1x20x1024xf32, #tpu.memory_space<hbm>> -> memref<20x1024xf32, #tpu.memory_space<hbm>>
      %dma_wait3A_344 = arith.constant 0 : i32
      %dma_wait3A_345 = arith.constant 0 : i32
      %dma_wait3A_346 = tpu.memref_slice %dma_wait3A_343[%dma_wait3A_344, %dma_wait3A_345] : memref<20x1024xf32, #tpu.memory_space<hbm>> -> memref<20x1024xf32, #tpu.memory_space<hbm>>
      tpu.wait_indirect_dma semaphore(%arg16 : memref<!tpu.dma_semaphore, #tpu.memory_space<semaphore_mem>>) src(%dma_wait3A_346 : memref<20x1024xf32, #tpu.memory_space<hbm>>) dst(%dma_wait3A_339 : memref<16x1024xf32, #tpu.memory_space<vmem>>)
      %add3A_347 = arith.constant 0 : i32
      %add3A_348 = vector.broadcast %add3A_347 : i32 to vector<16xi32>
      %add3A_349 = arith.addi %iota3A, %add3A_348 : vector<16xi32>
      %min3A_350 = arith.constant 19 : i32
      %min3A_351 = vector.broadcast %min3A_350 : i32 to vector<16xi32>
      %min3A_352 = arith.minsi %add3A_349, %min3A_351 : vector<16xi32>
      %add3A_353 = arith.constant 1 : i32
      %add3A_354 = vector.broadcast %add3A_353 : i32 to vector<16xi32>
      %add3A_355 = arith.addi %add3A_354, %min3A_352 : vector<16xi32>
      %dma_start3A_356 = arith.constant 0 : i32
      %dma_start3A_357 = arith.constant 0 : i32
      %dma_start3A_358 = arith.constant 0 : i32
      %dma_start3A_359 = tpu.memref_slice %arg9[%dma_start3A_357, %dma_start3A_358] : memref<24x1024xf32, #tpu.memory_space<vmem>> -> memref<16x1024xf32, #tpu.memory_space<vmem>>
      %dma_start3A_360 = arith.constant 0 : i32
      %dma_start3A_361 = arith.constant 0 : i32
      %dma_start3A_362 = tpu.memref_slice %arg5[%dma_start3A_356, %dma_start3A_360, %dma_start3A_361] : memref<4x2048x1024xf32, #tpu.memory_space<hbm>> -> memref<1x2048x1024xf32, #tpu.memory_space<hbm>>
      %dma_start3A_363 = tpu.memref_squeeze %dma_start3A_362 : memref<1x2048x1024xf32, #tpu.memory_space<hbm>> -> memref<2048x1024xf32, #tpu.memory_space<hbm>>
      %dma_start3A_364 = arith.constant 0 : i32
      %dma_start3A_365 = arith.constant 0 : i32
      %dma_start3A_366 = tpu.memref_slice %dma_start3A_363[%dma_start3A_364, %dma_start3A_365] : memref<2048x1024xf32, #tpu.memory_space<hbm>> -> memref<2048x1024xf32, #tpu.memory_space<hbm>>
      tpu.enqueue_indirect_dma source(%dma_start3A_359 : memref<16x1024xf32, #tpu.memory_space<vmem>>) target(%dma_start3A_366 : memref<2048x1024xf32, #tpu.memory_space<hbm>>) offsets(%add3A_355 : vector<16xi32>) semaphore(%arg17 : memref<!tpu.dma_semaphore, #tpu.memory_space<semaphore_mem>>)
      %add3A_367 = arith.constant 8 : i32
      %add3A_368 = vector.broadcast %add3A_367 : i32 to vector<16xi32>
      %add3A_369 = arith.addi %iota3A, %add3A_368 : vector<16xi32>
      %min3A_370 = arith.constant 19 : i32
      %min3A_371 = vector.broadcast %min3A_370 : i32 to vector<16xi32>
      %min3A_372 = arith.minsi %add3A_369, %min3A_371 : vector<16xi32>
      %add3A_373 = arith.constant 1 : i32
      %add3A_374 = vector.broadcast %add3A_373 : i32 to vector<16xi32>
      %add3A_375 = arith.addi %add3A_374, %min3A_372 : vector<16xi32>
      %dma_start3A_376 = arith.constant 0 : i32
      %dma_start3A_377 = arith.constant 8 : i32
      %dma_start3A_378 = arith.constant 0 : i32
      %dma_start3A_379 = tpu.memref_slice %arg9[%dma_start3A_377, %dma_start3A_378] : memref<24x1024xf32, #tpu.memory_space<vmem>> -> memref<16x1024xf32, #tpu.memory_space<vmem>>
      %dma_start3A_380 = arith.constant 0 : i32
      %dma_start3A_381 = arith.constant 0 : i32
      %dma_start3A_382 = tpu.memref_slice %arg5[%dma_start3A_376, %dma_start3A_380, %dma_start3A_381] : memref<4x2048x1024xf32, #tpu.memory_space<hbm>> -> memref<1x2048x1024xf32, #tpu.memory_space<hbm>>
      %dma_start3A_383 = tpu.memref_squeeze %dma_start3A_382 : memref<1x2048x1024xf32, #tpu.memory_space<hbm>> -> memref<2048x1024xf32, #tpu.memory_space<hbm>>
      %dma_start3A_384 = arith.constant 0 : i32
      %dma_start3A_385 = arith.constant 0 : i32
      %dma_start3A_386 = tpu.memref_slice %dma_start3A_383[%dma_start3A_384, %dma_start3A_385] : memref<2048x1024xf32, #tpu.memory_space<hbm>> -> memref<2048x1024xf32, #tpu.memory_space<hbm>>
      tpu.enqueue_indirect_dma source(%dma_start3A_379 : memref<16x1024xf32, #tpu.memory_space<vmem>>) target(%dma_start3A_386 : memref<2048x1024xf32, #tpu.memory_space<hbm>>) offsets(%add3A_375 : vector<16xi32>) semaphore(%arg18 : memref<!tpu.dma_semaphore, #tpu.memory_space<semaphore_mem>>)
      %get3A = arith.constant 0 : index
      %get3A_387 = tpu.vector_load %arg6[%get3A] {strides = array<i32>} : memref<256xi32, #tpu.memory_space<vmem>>, vector<16xi32>,
      %get3A_388 = vector.shape_cast %get3A_387 : vector<16xi32> to vector<16xi32>
      %get3A_389 = arith.constant 16 : index
      %get3A_390 = tpu.vector_load %arg6[%get3A_389] {strides = array<i32>} : memref<256xi32, #tpu.memory_space<vmem>>, vector<16xi32>,
      %get3A_391 = vector.shape_cast %get3A_390 : vector<16xi32> to vector<16xi32>
      %eq3A_392 = arith.constant 0 : i32
      %eq3A_393 = vector.broadcast %eq3A_392 : i32 to vector<16xi32>
      %eq3A_394 = arith.cmpi eq, %iota3A, %eq3A_393 : vector<16xi32>
      %slice3A = vector.extract_strided_slice %get3A_388 {offsets = [0], sizes = [1], strides = [1]} : vector<16xi32> to vector<1xi32>
      %squeeze3A = vector.extract %slice3A[0] : i32 from vector<1xi32>
      %slice3A_395 = vector.extract_strided_slice %get3A_391 {offsets = [15], sizes = [1], strides = [1]} : vector<16xi32> to vector<1xi32>
      %squeeze3A_396 = vector.extract %slice3A_395[0] : i32 from vector<1xi32>
      %broadcast_in_dim3A = vector.broadcast %squeeze3A : i32 to vector<16xi32>
      %broadcast_in_dim3A_397 = vector.broadcast %squeeze3A_396 : i32 to vector<16xi32>
      %select_n3A_398 = arith.select %eq3A_394, %broadcast_in_dim3A, %broadcast_in_dim3A_397 : vector<16xi1>, vector<16xi32>
      %eq3A_399 = arith.constant 1 : i32
      %eq3A_400 = vector.broadcast %eq3A_399 : i32 to vector<16xi32>
      %eq3A_401 = arith.cmpi eq, %iota3A, %eq3A_400 : vector<16xi32>
      %slice3A_402 = vector.extract_strided_slice %get3A_391 {offsets = [5], sizes = [1], strides = [1]} : vector<16xi32> to vector<1xi32>
      %squeeze3A_403 = vector.extract %slice3A_402[0] : i32 from vector<1xi32>
      %broadcast_in_dim3A_404 = vector.broadcast %squeeze3A_403 : i32 to vector<16xi32>
      %select_n3A_405 = arith.select %eq3A_401, %broadcast_in_dim3A_404, %select_n3A_398 : vector<16xi1>, vector<16xi32>
      %eq3A_406 = arith.constant 2 : i32
      %eq3A_407 = vector.broadcast %eq3A_406 : i32 to vector<16xi32>
      %eq3A_408 = arith.cmpi eq, %iota3A, %eq3A_407 : vector<16xi32>
      %slice3A_409 = vector.extract_strided_slice %get3A_391 {offsets = [6], sizes = [1], strides = [1]} : vector<16xi32> to vector<1xi32>
      %squeeze3A_410 = vector.extract %slice3A_409[0] : i32 from vector<1xi32>
      %broadcast_in_dim3A_411 = vector.broadcast %squeeze3A_410 : i32 to vector<16xi32>
      %select_n3A_412 = arith.select %eq3A_408, %broadcast_in_dim3A_411, %select_n3A_405 : vector<16xi1>, vector<16xi32>
      %eq3A_413 = arith.constant 3 : i32
      %eq3A_414 = vector.broadcast %eq3A_413 : i32 to vector<16xi32>
      %eq3A_415 = arith.cmpi eq, %iota3A, %eq3A_414 : vector<16xi32>
      %slice3A_416 = vector.extract_strided_slice %get3A_391 {offsets = [7], sizes = [1], strides = [1]} : vector<16xi32> to vector<1xi32>
      %squeeze3A_417 = vector.extract %slice3A_416[0] : i32 from vector<1xi32>
      %broadcast_in_dim3A_418 = vector.broadcast %squeeze3A_417 : i32 to vector<16xi32>
      %select_n3A_419 = arith.select %eq3A_415, %broadcast_in_dim3A_418, %select_n3A_412 : vector<16xi1>, vector<16xi32>
      %eq3A_420 = arith.constant 4 : i32
      %eq3A_421 = vector.broadcast %eq3A_420 : i32 to vector<16xi32>
      %eq3A_422 = arith.cmpi eq, %iota3A, %eq3A_421 : vector<16xi32>
      %slice3A_423 = vector.extract_strided_slice %get3A_391 {offsets = [8], sizes = [1], strides = [1]} : vector<16xi32> to vector<1xi32>
      %squeeze3A_424 = vector.extract %slice3A_423[0] : i32 from vector<1xi32>
      %broadcast_in_dim3A_425 = vector.broadcast %squeeze3A_424 : i32 to vector<16xi32>
      %select_n3A_426 = arith.select %eq3A_422, %broadcast_in_dim3A_425, %select_n3A_419 : vector<16xi1>, vector<16xi32>
      %eq3A_427 = arith.constant 5 : i32
      %eq3A_428 = vector.broadcast %eq3A_427 : i32 to vector<16xi32>
      %eq3A_429 = arith.cmpi eq, %iota3A, %eq3A_428 : vector<16xi32>
      %slice3A_430 = vector.extract_strided_slice %get3A_391 {offsets = [9], sizes = [1], strides = [1]} : vector<16xi32> to vector<1xi32>
      %squeeze3A_431 = vector.extract %slice3A_430[0] : i32 from vector<1xi32>
      %broadcast_in_dim3A_432 = vector.broadcast %squeeze3A_431 : i32 to vector<16xi32>
      %select_n3A_433 = arith.select %eq3A_429, %broadcast_in_dim3A_432, %select_n3A_426 : vector<16xi1>, vector<16xi32>
      %eq3A_434 = arith.constant 6 : i32
      %eq3A_435 = vector.broadcast %eq3A_434 : i32 to vector<16xi32>
      %eq3A_436 = arith.cmpi eq, %iota3A, %eq3A_435 : vector<16xi32>
      %slice3A_437 = vector.extract_strided_slice %get3A_391 {offsets = [10], sizes = [1], strides = [1]} : vector<16xi32> to vector<1xi32>
      %squeeze3A_438 = vector.extract %slice3A_437[0] : i32 from vector<1xi32>
      %broadcast_in_dim3A_439 = vector.broadcast %squeeze3A_438 : i32 to vector<16xi32>
      %select_n3A_440 = arith.select %eq3A_436, %broadcast_in_dim3A_439, %select_n3A_433 : vector<16xi1>, vector<16xi32>
      %eq3A_441 = arith.constant 7 : i32
      %eq3A_442 = vector.broadcast %eq3A_441 : i32 to vector<16xi32>
      %eq3A_443 = arith.cmpi eq, %iota3A, %eq3A_442 : vector<16xi32>
      %slice3A_444 = vector.extract_strided_slice %get3A_391 {offsets = [11], sizes = [1], strides = [1]} : vector<16xi32> to vector<1xi32>
      %squeeze3A_445 = vector.extract %slice3A_444[0] : i32 from vector<1xi32>
      %broadcast_in_dim3A_446 = vector.broadcast %squeeze3A_445 : i32 to vector<16xi32>
      %select_n3A_447 = arith.select %eq3A_443, %broadcast_in_dim3A_446, %select_n3A_440 : vector<16xi1>, vector<16xi32>
      %eq3A_448 = arith.constant 8 : i32
      %eq3A_449 = vector.broadcast %eq3A_448 : i32 to vector<16xi32>
      %eq3A_450 = arith.cmpi eq, %iota3A, %eq3A_449 : vector<16xi32>
      %slice3A_451 = vector.extract_strided_slice %get3A_391 {offsets = [12], sizes = [1], strides = [1]} : vector<16xi32> to vector<1xi32>
      %squeeze3A_452 = vector.extract %slice3A_451[0] : i32 from vector<1xi32>
      %broadcast_in_dim3A_453 = vector.broadcast %squeeze3A_452 : i32 to vector<16xi32>
      %select_n3A_454 = arith.select %eq3A_450, %broadcast_in_dim3A_453, %select_n3A_447 : vector<16xi1>, vector<16xi32>
      %eq3A_455 = arith.constant 9 : i32
      %eq3A_456 = vector.broadcast %eq3A_455 : i32 to vector<16xi32>
      %eq3A_457 = arith.cmpi eq, %iota3A, %eq3A_456 : vector<16xi32>
      %slice3A_458 = vector.extract_strided_slice %get3A_391 {offsets = [13], sizes = [1], strides = [1]} : vector<16xi32> to vector<1xi32>
      %squeeze3A_459 = vector.extract %slice3A_458[0] : i32 from vector<1xi32>
      %broadcast_in_dim3A_460 = vector.broadcast %squeeze3A_459 : i32 to vector<16xi32>
      %select_n3A_461 = arith.select %eq3A_457, %broadcast_in_dim3A_460, %select_n3A_454 : vector<16xi1>, vector<16xi32>
      %eq3A_462 = arith.constant 10 : i32
      %eq3A_463 = vector.broadcast %eq3A_462 : i32 to vector<16xi32>
      %eq3A_464 = arith.cmpi eq, %iota3A, %eq3A_463 : vector<16xi32>
      %slice3A_465 = vector.extract_strided_slice %get3A_391 {offsets = [14], sizes = [1], strides = [1]} : vector<16xi32> to vector<1xi32>
      %squeeze3A_466 = vector.extract %slice3A_465[0] : i32 from vector<1xi32>
      %broadcast_in_dim3A_467 = vector.broadcast %squeeze3A_466 : i32 to vector<16xi32>
      %select_n3A_468 = arith.select %eq3A_464, %broadcast_in_dim3A_467, %select_n3A_461 : vector<16xi1>, vector<16xi32>
      %eq3A_469 = arith.constant 11 : i32
      %eq3A_470 = vector.broadcast %eq3A_469 : i32 to vector<16xi32>
      %eq3A_471 = arith.cmpi eq, %iota3A, %eq3A_470 : vector<16xi32>
      %slice3A_472 = vector.extract_strided_slice %get3A_391 {offsets = [15], sizes = [1], strides = [1]} : vector<16xi32> to vector<1xi32>
      %squeeze3A_473 = vector.extract %slice3A_472[0] : i32 from vector<1xi32>
      %broadcast_in_dim3A_474 = vector.broadcast %squeeze3A_473 : i32 to vector<16xi32>
      %select_n3A_475 = arith.select %eq3A_471, %broadcast_in_dim3A_474, %select_n3A_468 : vector<16xi1>, vector<16xi32>
      %dma_wait3A_476 = arith.constant 0 : i32
      %dma_wait3A_477 = arith.constant 0 : i32
      %dma_wait3A_478 = tpu.memref_slice %arg3[%dma_wait3A_476, %dma_wait3A_477] : memref<100000x1024xf32, #tpu.memory_space<hbm>> -> memref<100000x1024xf32, #tpu.memory_space<hbm>>
      tpu.wait_indirect_dma semaphore(%arg19 : memref<!tpu.dma_semaphore, #tpu.memory_space<semaphore_mem>>) src(%dma_wait3A_478 : memref<100000x1024xf32, #tpu.memory_space<hbm>>) dst(%arg10 : memref<16x1024xf32, #tpu.memory_space<vmem>>)
      %eq3A_479 = arith.constant 0 : i32
      %eq3A_480 = vector.broadcast %eq3A_479 : i32 to vector<16xi32>
      %eq3A_481 = arith.cmpi eq, %iota3A, %eq3A_480 : vector<16xi32>
      %add3A_482 = arith.constant 20 : i32
      %add3A_483 = vector.broadcast %add3A_482 : i32 to vector<16xi32>
      %add3A_484 = arith.addi %iota3A, %add3A_483 : vector<16xi32>
      %min3A_485 = arith.constant 31 : i32
      %min3A_486 = vector.broadcast %min3A_485 : i32 to vector<16xi32>
      %min3A_487 = arith.minsi %add3A_484, %min3A_486 : vector<16xi32>
      %jit3A_488 = arith.constant 0 : i32
      %broadcast_in_dim3A_489 = vector.broadcast %jit3A_488 : i32 to vector<16xi32>
      %select_n3A_490 = arith.select %eq3A_481, %broadcast_in_dim3A_489, %min3A_487 : vector<16xi1>, vector<16xi32>
      %dma_start3A_491 = arith.constant 0 : i32
      %dma_start3A_492 = arith.constant 0 : i32
      %dma_start3A_493 = arith.constant 0 : i32
      %dma_start3A_494 = tpu.memref_slice %arg5[%dma_start3A_491, %dma_start3A_492, %dma_start3A_493] : memref<4x2048x1024xf32, #tpu.memory_space<hbm>> -> memref<1x2048x1024xf32, #tpu.memory_space<hbm>>
      %dma_start3A_495 = tpu.memref_squeeze %dma_start3A_494 : memref<1x2048x1024xf32, #tpu.memory_space<hbm>> -> memref<2048x1024xf32, #tpu.memory_space<hbm>>
      %dma_start3A_496 = arith.constant 0 : i32
      %dma_start3A_497 = arith.constant 0 : i32
      %dma_start3A_498 = tpu.memref_slice %dma_start3A_495[%dma_start3A_496, %dma_start3A_497] : memref<2048x1024xf32, #tpu.memory_space<hbm>> -> memref<2048x1024xf32, #tpu.memory_space<hbm>>
      tpu.enqueue_indirect_dma source(%arg10 : memref<16x1024xf32, #tpu.memory_space<vmem>>) target(%dma_start3A_498 : memref<2048x1024xf32, #tpu.memory_space<hbm>>) offsets(%select_n3A_490 : vector<16xi32>) semaphore(%arg20 : memref<!tpu.dma_semaphore, #tpu.memory_space<semaphore_mem>>)
    } else {
    }
    %eq3A_114 = arith.constant 8 : i32
    %eq3A_115 = arith.cmpi eq, %add3A, %eq3A_114 : i32
    %convert_element_type3A_116 = arith.extui %eq3A_115 : i1 to i32
    %cond3A_117 = arith.constant 0 : i32
    %cond3A_118 = arith.cmpi ne, %convert_element_type3A_116, %cond3A_117 : i32
    scf.if %cond3A_118 {
      %add3A_314 = arith.constant 0 : i32
      %add3A_315 = vector.broadcast %add3A_314 : i32 to vector<16xi32>
      %add3A_316 = arith.addi %iota3A, %add3A_315 : vector<16xi32>
      %min3A = arith.constant 19 : i32
      %min3A_317 = vector.broadcast %min3A : i32 to vector<16xi32>
      %min3A_318 = arith.minsi %add3A_316, %min3A_317 : vector<16xi32>
      %dma_wait3A_319 = arith.constant 1 : i32
      %dma_wait3A_320 = arith.constant 0 : i32
      %dma_wait3A_321 = arith.constant 0 : i32
      %dma_wait3A_322 = tpu.memref_slice %arg9[%dma_wait3A_320, %dma_wait3A_321] : memref<24x1024xf32, #tpu.memory_space<vmem>> -> memref<16x1024xf32, #tpu.memory_space<vmem>>
      %dma_wait3A_323 = arith.constant 0 : i32
      %dma_wait3A_324 = arith.constant 0 : i32
      %dma_wait3A_325 = tpu.memref_slice %arg4[%dma_wait3A_319, %dma_wait3A_323, %dma_wait3A_324] : memref<4x20x1024xf32, #tpu.memory_space<hbm>> -> memref<1x20x1024xf32, #tpu.memory_space<hbm>>
      %dma_wait3A_326 = tpu.memref_squeeze %dma_wait3A_325 : memref<1x20x1024xf32, #tpu.memory_space<hbm>> -> memref<20x1024xf32, #tpu.memory_space<hbm>>
      %dma_wait3A_327 = arith.constant 0 : i32
      %dma_wait3A_328 = arith.constant 0 : i32
      %dma_wait3A_329 = tpu.memref_slice %dma_wait3A_326[%dma_wait3A_327, %dma_wait3A_328] : memref<20x1024xf32, #tpu.memory_space<hbm>> -> memref<20x1024xf32, #tpu.memory_space<hbm>>
      tpu.wait_indirect_dma semaphore(%arg15 : memref<!tpu.dma_semaphore, #tpu.memory_space<semaphore_mem>>) src(%dma_wait3A_329 : memref<20x1024xf32, #tpu.memory_space<hbm>>) dst(%dma_wait3A_322 : memref<16x1024xf32, #tpu.memory_space<vmem>>)
      %add3A_330 = arith.constant 8 : i32
      %add3A_331 = vector.broadcast %add3A_330 : i32 to vector<16xi32>
      %add3A_332 = arith.addi %iota3A, %add3A_331 : vector<16xi32>
      %min3A_333 = arith.constant 19 : i32
      %min3A_334 = vector.broadcast %min3A_333 : i32 to vector<16xi32>
      %min3A_335 = arith.minsi %add3A_332, %min3A_334 : vector<16xi32>
      %dma_wait3A_336 = arith.constant 1 : i32
      %dma_wait3A_337 = arith.constant 8 : i32
      %dma_wait3A_338 = arith.constant 0 : i32
      %dma_wait3A_339 = tpu.memref_slice %arg9[%dma_wait3A_337, %dma_wait3A_338] : memref<24x1024xf32, #tpu.memory_space<vmem>> -> memref<16x1024xf32, #tpu.memory_space<vmem>>
      %dma_wait3A_340 = arith.constant 0 : i32
      %dma_wait3A_341 = arith.constant 0 : i32
      %dma_wait3A_342 = tpu.memref_slice %arg4[%dma_wait3A_336, %dma_wait3A_340, %dma_wait3A_341] : memref<4x20x1024xf32, #tpu.memory_space<hbm>> -> memref<1x20x1024xf32, #tpu.memory_space<hbm>>
      %dma_wait3A_343 = tpu.memref_squeeze %dma_wait3A_342 : memref<1x20x1024xf32, #tpu.memory_space<hbm>> -> memref<20x1024xf32, #tpu.memory_space<hbm>>
      %dma_wait3A_344 = arith.constant 0 : i32
      %dma_wait3A_345 = arith.constant 0 : i32
      %dma_wait3A_346 = tpu.memref_slice %dma_wait3A_343[%dma_wait3A_344, %dma_wait3A_345] : memref<20x1024xf32, #tpu.memory_space<hbm>> -> memref<20x1024xf32, #tpu.memory_space<hbm>>
      tpu.wait_indirect_dma semaphore(%arg16 : memref<!tpu.dma_semaphore, #tpu.memory_space<semaphore_mem>>) src(%dma_wait3A_346 : memref<20x1024xf32, #tpu.memory_space<hbm>>) dst(%dma_wait3A_339 : memref<16x1024xf32, #tpu.memory_space<vmem>>)
      %add3A_347 = arith.constant 0 : i32
      %add3A_348 = vector.broadcast %add3A_347 : i32 to vector<16xi32>
      %add3A_349 = arith.addi %iota3A, %add3A_348 : vector<16xi32>
      %min3A_350 = arith.constant 19 : i32
      %min3A_351 = vector.broadcast %min3A_350 : i32 to vector<16xi32>
      %min3A_352 = arith.minsi %add3A_349, %min3A_351 : vector<16xi32>
      %add3A_353 = arith.constant 1 : i32
      %add3A_354 = vector.broadcast %add3A_353 : i32 to vector<16xi32>
      %add3A_355 = arith.addi %add3A_354, %min3A_352 : vector<16xi32>
      %dma_start3A_356 = arith.constant 1 : i32
      %dma_start3A_357 = arith.constant 0 : i32
      %dma_start3A_358 = arith.constant 0 : i32
      %dma_start3A_359 = tpu.memref_slice %arg9[%dma_start3A_357, %dma_start3A_358] : memref<24x1024xf32, #tpu.memory_space<vmem>> -> memref<16x1024xf32, #tpu.memory_space<vmem>>
      %dma_start3A_360 = arith.constant 0 : i32
      %dma_start3A_361 = arith.constant 0 : i32
      %dma_start3A_362 = tpu.memref_slice %arg5[%dma_start3A_356, %dma_start3A_360, %dma_start3A_361] : memref<4x2048x1024xf32, #tpu.memory_space<hbm>> -> memref<1x2048x1024xf32, #tpu.memory_space<hbm>>
      %dma_start3A_363 = tpu.memref_squeeze %dma_start3A_362 : memref<1x2048x1024xf32, #tpu.memory_space<hbm>> -> memref<2048x1024xf32, #tpu.memory_space<hbm>>
      %dma_start3A_364 = arith.constant 0 : i32
      %dma_start3A_365 = arith.constant 0 : i32
      %dma_start3A_366 = tpu.memref_slice %dma_start3A_363[%dma_start3A_364, %dma_start3A_365] : memref<2048x1024xf32, #tpu.memory_space<hbm>> -> memref<2048x1024xf32, #tpu.memory_space<hbm>>
      tpu.enqueue_indirect_dma source(%dma_start3A_359 : memref<16x1024xf32, #tpu.memory_space<vmem>>) target(%dma_start3A_366 : memref<2048x1024xf32, #tpu.memory_space<hbm>>) offsets(%add3A_355 : vector<16xi32>) semaphore(%arg17 : memref<!tpu.dma_semaphore, #tpu.memory_space<semaphore_mem>>)
      %add3A_367 = arith.constant 8 : i32
      %add3A_368 = vector.broadcast %add3A_367 : i32 to vector<16xi32>
      %add3A_369 = arith.addi %iota3A, %add3A_368 : vector<16xi32>
      %min3A_370 = arith.constant 19 : i32
      %min3A_371 = vector.broadcast %min3A_370 : i32 to vector<16xi32>
      %min3A_372 = arith.minsi %add3A_369, %min3A_371 : vector<16xi32>
      %add3A_373 = arith.constant 1 : i32
      %add3A_374 = vector.broadcast %add3A_373 : i32 to vector<16xi32>
      %add3A_375 = arith.addi %add3A_374, %min3A_372 : vector<16xi32>
      %dma_start3A_376 = arith.constant 1 : i32
      %dma_start3A_377 = arith.constant 8 : i32
      %dma_start3A_378 = arith.constant 0 : i32
      %dma_start3A_379 = tpu.memref_slice %arg9[%dma_start3A_377, %dma_start3A_378] : memref<24x1024xf32, #tpu.memory_space<vmem>> -> memref<16x1024xf32, #tpu.memory_space<vmem>>
      %dma_start3A_380 = arith.constant 0 : i32
      %dma_start3A_381 = arith.constant 0 : i32
      %dma_start3A_382 = tpu.memref_slice %arg5[%dma_start3A_376, %dma_start3A_380, %dma_start3A_381] : memref<4x2048x1024xf32, #tpu.memory_space<hbm>> -> memref<1x2048x1024xf32, #tpu.memory_space<hbm>>
      %dma_start3A_383 = tpu.memref_squeeze %dma_start3A_382 : memref<1x2048x1024xf32, #tpu.memory_space<hbm>> -> memref<2048x1024xf32, #tpu.memory_space<hbm>>
      %dma_start3A_384 = arith.constant 0 : i32
      %dma_start3A_385 = arith.constant 0 : i32
      %dma_start3A_386 = tpu.memref_slice %dma_start3A_383[%dma_start3A_384, %dma_start3A_385] : memref<2048x1024xf32, #tpu.memory_space<hbm>> -> memref<2048x1024xf32, #tpu.memory_space<hbm>>
      tpu.enqueue_indirect_dma source(%dma_start3A_379 : memref<16x1024xf32, #tpu.memory_space<vmem>>) target(%dma_start3A_386 : memref<2048x1024xf32, #tpu.memory_space<hbm>>) offsets(%add3A_375 : vector<16xi32>) semaphore(%arg18 : memref<!tpu.dma_semaphore, #tpu.memory_space<semaphore_mem>>)
      %get3A = arith.constant 0 : index
      %get3A_387 = tpu.vector_load %arg6[%get3A] {strides = array<i32>} : memref<256xi32, #tpu.memory_space<vmem>>, vector<16xi32>,
      %get3A_388 = vector.shape_cast %get3A_387 : vector<16xi32> to vector<16xi32>
      %get3A_389 = arith.constant 16 : index
      %get3A_390 = tpu.vector_load %arg6[%get3A_389] {strides = array<i32>} : memref<256xi32, #tpu.memory_space<vmem>>, vector<16xi32>,
      %get3A_391 = vector.shape_cast %get3A_390 : vector<16xi32> to vector<16xi32>
      %eq3A_392 = arith.constant 0 : i32
      %eq3A_393 = vector.broadcast %eq3A_392 : i32 to vector<16xi32>
      %eq3A_394 = arith.cmpi eq, %iota3A, %eq3A_393 : vector<16xi32>
      %slice3A = vector.extract_strided_slice %get3A_388 {offsets = [0], sizes = [1], strides = [1]} : vector<16xi32> to vector<1xi32>
      %squeeze3A = vector.extract %slice3A[0] : i32 from vector<1xi32>
      %slice3A_395 = vector.extract_strided_slice %get3A_391 {offsets = [15], sizes = [1], strides = [1]} : vector<16xi32> to vector<1xi32>
      %squeeze3A_396 = vector.extract %slice3A_395[0] : i32 from vector<1xi32>
      %broadcast_in_dim3A = vector.broadcast %squeeze3A : i32 to vector<16xi32>
      %broadcast_in_dim3A_397 = vector.broadcast %squeeze3A_396 : i32 to vector<16xi32>
      %select_n3A_398 = arith.select %eq3A_394, %broadcast_in_dim3A, %broadcast_in_dim3A_397 : vector<16xi1>, vector<16xi32>
      %eq3A_399 = arith.constant 1 : i32
      %eq3A_400 = vector.broadcast %eq3A_399 : i32 to vector<16xi32>
      %eq3A_401 = arith.cmpi eq, %iota3A, %eq3A_400 : vector<16xi32>
      %slice3A_402 = vector.extract_strided_slice %get3A_391 {offsets = [5], sizes = [1], strides = [1]} : vector<16xi32> to vector<1xi32>
      %squeeze3A_403 = vector.extract %slice3A_402[0] : i32 from vector<1xi32>
      %broadcast_in_dim3A_404 = vector.broadcast %squeeze3A_403 : i32 to vector<16xi32>
      %select_n3A_405 = arith.select %eq3A_401, %broadcast_in_dim3A_404, %select_n3A_398 : vector<16xi1>, vector<16xi32>
      %eq3A_406 = arith.constant 2 : i32
      %eq3A_407 = vector.broadcast %eq3A_406 : i32 to vector<16xi32>
      %eq3A_408 = arith.cmpi eq, %iota3A, %eq3A_407 : vector<16xi32>
      %slice3A_409 = vector.extract_strided_slice %get3A_391 {offsets = [6], sizes = [1], strides = [1]} : vector<16xi32> to vector<1xi32>
      %squeeze3A_410 = vector.extract %slice3A_409[0] : i32 from vector<1xi32>
      %broadcast_in_dim3A_411 = vector.broadcast %squeeze3A_410 : i32 to vector<16xi32>
      %select_n3A_412 = arith.select %eq3A_408, %broadcast_in_dim3A_411, %select_n3A_405 : vector<16xi1>, vector<16xi32>
      %eq3A_413 = arith.constant 3 : i32
      %eq3A_414 = vector.broadcast %eq3A_413 : i32 to vector<16xi32>
      %eq3A_415 = arith.cmpi eq, %iota3A, %eq3A_414 : vector<16xi32>
      %slice3A_416 = vector.extract_strided_slice %get3A_391 {offsets = [7], sizes = [1], strides = [1]} : vector<16xi32> to vector<1xi32>
      %squeeze3A_417 = vector.extract %slice3A_416[0] : i32 from vector<1xi32>
      %broadcast_in_dim3A_418 = vector.broadcast %squeeze3A_417 : i32 to vector<16xi32>
      %select_n3A_419 = arith.select %eq3A_415, %broadcast_in_dim3A_418, %select_n3A_412 : vector<16xi1>, vector<16xi32>
      %eq3A_420 = arith.constant 4 : i32
      %eq3A_421 = vector.broadcast %eq3A_420 : i32 to vector<16xi32>
      %eq3A_422 = arith.cmpi eq, %iota3A, %eq3A_421 : vector<16xi32>
      %slice3A_423 = vector.extract_strided_slice %get3A_391 {offsets = [8], sizes = [1], strides = [1]} : vector<16xi32> to vector<1xi32>
      %squeeze3A_424 = vector.extract %slice3A_423[0] : i32 from vector<1xi32>
      %broadcast_in_dim3A_425 = vector.broadcast %squeeze3A_424 : i32 to vector<16xi32>
      %select_n3A_426 = arith.select %eq3A_422, %broadcast_in_dim3A_425, %select_n3A_419 : vector<16xi1>, vector<16xi32>
      %eq3A_427 = arith.constant 5 : i32
      %eq3A_428 = vector.broadcast %eq3A_427 : i32 to vector<16xi32>
      %eq3A_429 = arith.cmpi eq, %iota3A, %eq3A_428 : vector<16xi32>
      %slice3A_430 = vector.extract_strided_slice %get3A_391 {offsets = [9], sizes = [1], strides = [1]} : vector<16xi32> to vector<1xi32>
      %squeeze3A_431 = vector.extract %slice3A_430[0] : i32 from vector<1xi32>
      %broadcast_in_dim3A_432 = vector.broadcast %squeeze3A_431 : i32 to vector<16xi32>
      %select_n3A_433 = arith.select %eq3A_429, %broadcast_in_dim3A_432, %select_n3A_426 : vector<16xi1>, vector<16xi32>
      %eq3A_434 = arith.constant 6 : i32
      %eq3A_435 = vector.broadcast %eq3A_434 : i32 to vector<16xi32>
      %eq3A_436 = arith.cmpi eq, %iota3A, %eq3A_435 : vector<16xi32>
      %slice3A_437 = vector.extract_strided_slice %get3A_391 {offsets = [10], sizes = [1], strides = [1]} : vector<16xi32> to vector<1xi32>
      %squeeze3A_438 = vector.extract %slice3A_437[0] : i32 from vector<1xi32>
      %broadcast_in_dim3A_439 = vector.broadcast %squeeze3A_438 : i32 to vector<16xi32>
      %select_n3A_440 = arith.select %eq3A_436, %broadcast_in_dim3A_439, %select_n3A_433 : vector<16xi1>, vector<16xi32>
      %eq3A_441 = arith.constant 7 : i32
      %eq3A_442 = vector.broadcast %eq3A_441 : i32 to vector<16xi32>
      %eq3A_443 = arith.cmpi eq, %iota3A, %eq3A_442 : vector<16xi32>
      %slice3A_444 = vector.extract_strided_slice %get3A_391 {offsets = [11], sizes = [1], strides = [1]} : vector<16xi32> to vector<1xi32>
      %squeeze3A_445 = vector.extract %slice3A_444[0] : i32 from vector<1xi32>
      %broadcast_in_dim3A_446 = vector.broadcast %squeeze3A_445 : i32 to vector<16xi32>
      %select_n3A_447 = arith.select %eq3A_443, %broadcast_in_dim3A_446, %select_n3A_440 : vector<16xi1>, vector<16xi32>
      %eq3A_448 = arith.constant 8 : i32
      %eq3A_449 = vector.broadcast %eq3A_448 : i32 to vector<16xi32>
      %eq3A_450 = arith.cmpi eq, %iota3A, %eq3A_449 : vector<16xi32>
      %slice3A_451 = vector.extract_strided_slice %get3A_391 {offsets = [12], sizes = [1], strides = [1]} : vector<16xi32> to vector<1xi32>
      %squeeze3A_452 = vector.extract %slice3A_451[0] : i32 from vector<1xi32>
      %broadcast_in_dim3A_453 = vector.broadcast %squeeze3A_452 : i32 to vector<16xi32>
      %select_n3A_454 = arith.select %eq3A_450, %broadcast_in_dim3A_453, %select_n3A_447 : vector<16xi1>, vector<16xi32>
      %eq3A_455 = arith.constant 9 : i32
      %eq3A_456 = vector.broadcast %eq3A_455 : i32 to vector<16xi32>
      %eq3A_457 = arith.cmpi eq, %iota3A, %eq3A_456 : vector<16xi32>
      %slice3A_458 = vector.extract_strided_slice %get3A_391 {offsets = [13], sizes = [1], strides = [1]} : vector<16xi32> to vector<1xi32>
      %squeeze3A_459 = vector.extract %slice3A_458[0] : i32 from vector<1xi32>
      %broadcast_in_dim3A_460 = vector.broadcast %squeeze3A_459 : i32 to vector<16xi32>
      %select_n3A_461 = arith.select %eq3A_457, %broadcast_in_dim3A_460, %select_n3A_454 : vector<16xi1>, vector<16xi32>
      %eq3A_462 = arith.constant 10 : i32
      %eq3A_463 = vector.broadcast %eq3A_462 : i32 to vector<16xi32>
      %eq3A_464 = arith.cmpi eq, %iota3A, %eq3A_463 : vector<16xi32>
      %slice3A_465 = vector.extract_strided_slice %get3A_391 {offsets = [14], sizes = [1], strides = [1]} : vector<16xi32> to vector<1xi32>
      %squeeze3A_466 = vector.extract %slice3A_465[0] : i32 from vector<1xi32>
      %broadcast_in_dim3A_467 = vector.broadcast %squeeze3A_466 : i32 to vector<16xi32>
      %select_n3A_468 = arith.select %eq3A_464, %broadcast_in_dim3A_467, %select_n3A_461 : vector<16xi1>, vector<16xi32>
      %eq3A_469 = arith.constant 11 : i32
      %eq3A_470 = vector.broadcast %eq3A_469 : i32 to vector<16xi32>
      %eq3A_471 = arith.cmpi eq, %iota3A, %eq3A_470 : vector<16xi32>
      %slice3A_472 = vector.extract_strided_slice %get3A_391 {offsets = [15], sizes = [1], strides = [1]} : vector<16xi32> to vector<1xi32>
      %squeeze3A_473 = vector.extract %slice3A_472[0] : i32 from vector<1xi32>
      %broadcast_in_dim3A_474 = vector.broadcast %squeeze3A_473 : i32 to vector<16xi32>
      %select_n3A_475 = arith.select %eq3A_471, %broadcast_in_dim3A_474, %select_n3A_468 : vector<16xi1>, vector<16xi32>
      %dma_wait3A_476 = arith.constant 0 : i32
      %dma_wait3A_477 = arith.constant 0 : i32
      %dma_wait3A_478 = tpu.memref_slice %arg3[%dma_wait3A_476, %dma_wait3A_477] : memref<100000x1024xf32, #tpu.memory_space<hbm>> -> memref<100000x1024xf32, #tpu.memory_space<hbm>>
      tpu.wait_indirect_dma semaphore(%arg19 : memref<!tpu.dma_semaphore, #tpu.memory_space<semaphore_mem>>) src(%dma_wait3A_478 : memref<100000x1024xf32, #tpu.memory_space<hbm>>) dst(%arg10 : memref<16x1024xf32, #tpu.memory_space<vmem>>)
      %eq3A_479 = arith.constant 0 : i32
      %eq3A_480 = vector.broadcast %eq3A_479 : i32 to vector<16xi32>
      %eq3A_481 = arith.cmpi eq, %iota3A, %eq3A_480 : vector<16xi32>
      %add3A_482 = arith.constant 20 : i32
      %add3A_483 = vector.broadcast %add3A_482 : i32 to vector<16xi32>
      %add3A_484 = arith.addi %iota3A, %add3A_483 : vector<16xi32>
      %min3A_485 = arith.constant 31 : i32
      %min3A_486 = vector.broadcast %min3A_485 : i32 to vector<16xi32>
      %min3A_487 = arith.minsi %add3A_484, %min3A_486 : vector<16xi32>
      %jit3A_488 = arith.constant 0 : i32
      %broadcast_in_dim3A_489 = vector.broadcast %jit3A_488 : i32 to vector<16xi32>
      %select_n3A_490 = arith.select %eq3A_481, %broadcast_in_dim3A_489, %min3A_487 : vector<16xi1>, vector<16xi32>
      %dma_start3A_491 = arith.constant 1 : i32
      %dma_start3A_492 = arith.constant 0 : i32
      %dma_start3A_493 = arith.constant 0 : i32
      %dma_start3A_494 = tpu.memref_slice %arg5[%dma_start3A_491, %dma_start3A_492, %dma_start3A_493] : memref<4x2048x1024xf32, #tpu.memory_space<hbm>> -> memref<1x2048x1024xf32, #tpu.memory_space<hbm>>
      %dma_start3A_495 = tpu.memref_squeeze %dma_start3A_494 : memref<1x2048x1024xf32, #tpu.memory_space<hbm>> -> memref<2048x1024xf32, #tpu.memory_space<hbm>>
      %dma_start3A_496 = arith.constant 0 : i32
      %dma_start3A_497 = arith.constant 0 : i32
      %dma_start3A_498 = tpu.memref_slice %dma_start3A_495[%dma_start3A_496, %dma_start3A_497] : memref<2048x1024xf32, #tpu.memory_space<hbm>> -> memref<2048x1024xf32, #tpu.memory_space<hbm>>
      tpu.enqueue_indirect_dma source(%arg10 : memref<16x1024xf32, #tpu.memory_space<vmem>>) target(%dma_start3A_498 : memref<2048x1024xf32, #tpu.memory_space<hbm>>) offsets(%select_n3A_490 : vector<16xi32>) semaphore(%arg20 : memref<!tpu.dma_semaphore, #tpu.memory_space<semaphore_mem>>)
    } else {
    }
    %eq3A_119 = arith.constant 16 : i32
    %eq3A_120 = arith.cmpi eq, %add3A, %eq3A_119 : i32
    %convert_element_type3A_121 = arith.extui %eq3A_120 : i1 to i32
    %cond3A_122 = arith.constant 0 : i32
    %cond3A_123 = arith.cmpi ne, %convert_element_type3A_121, %cond3A_122 : i32
    scf.if %cond3A_123 {
      %add3A_314 = arith.constant 0 : i32
      %add3A_315 = vector.broadcast %add3A_314 : i32 to vector<16xi32>
      %add3A_316 = arith.addi %iota3A, %add3A_315 : vector<16xi32>
      %min3A = arith.constant 19 : i32
      %min3A_317 = vector.broadcast %min3A : i32 to vector<16xi32>
      %min3A_318 = arith.minsi %add3A_316, %min3A_317 : vector<16xi32>
      %dma_wait3A_319 = arith.constant 2 : i32
      %dma_wait3A_320 = arith.constant 0 : i32
      %dma_wait3A_321 = arith.constant 0 : i32
      %dma_wait3A_322 = tpu.memref_slice %arg9[%dma_wait3A_320, %dma_wait3A_321] : memref<24x1024xf32, #tpu.memory_space<vmem>> -> memref<16x1024xf32, #tpu.memory_space<vmem>>
      %dma_wait3A_323 = arith.constant 0 : i32
      %dma_wait3A_324 = arith.constant 0 : i32
      %dma_wait3A_325 = tpu.memref_slice %arg4[%dma_wait3A_319, %dma_wait3A_323, %dma_wait3A_324] : memref<4x20x1024xf32, #tpu.memory_space<hbm>> -> memref<1x20x1024xf32, #tpu.memory_space<hbm>>
      %dma_wait3A_326 = tpu.memref_squeeze %dma_wait3A_325 : memref<1x20x1024xf32, #tpu.memory_space<hbm>> -> memref<20x1024xf32, #tpu.memory_space<hbm>>
      %dma_wait3A_327 = arith.constant 0 : i32
      %dma_wait3A_328 = arith.constant 0 : i32
      %dma_wait3A_329 = tpu.memref_slice %dma_wait3A_326[%dma_wait3A_327, %dma_wait3A_328] : memref<20x1024xf32, #tpu.memory_space<hbm>> -> memref<20x1024xf32, #tpu.memory_space<hbm>>
      tpu.wait_indirect_dma semaphore(%arg15 : memref<!tpu.dma_semaphore, #tpu.memory_space<semaphore_mem>>) src(%dma_wait3A_329 : memref<20x1024xf32, #tpu.memory_space<hbm>>) dst(%dma_wait3A_322 : memref<16x1024xf32, #tpu.memory_space<vmem>>)
      %add3A_330 = arith.constant 8 : i32
      %add3A_331 = vector.broadcast %add3A_330 : i32 to vector<16xi32>
      %add3A_332 = arith.addi %iota3A, %add3A_331 : vector<16xi32>
      %min3A_333 = arith.constant 19 : i32
      %min3A_334 = vector.broadcast %min3A_333 : i32 to vector<16xi32>
      %min3A_335 = arith.minsi %add3A_332, %min3A_334 : vector<16xi32>
      %dma_wait3A_336 = arith.constant 2 : i32
      %dma_wait3A_337 = arith.constant 8 : i32
      %dma_wait3A_338 = arith.constant 0 : i32
      %dma_wait3A_339 = tpu.memref_slice %arg9[%dma_wait3A_337, %dma_wait3A_338] : memref<24x1024xf32, #tpu.memory_space<vmem>> -> memref<16x1024xf32, #tpu.memory_space<vmem>>
      %dma_wait3A_340 = arith.constant 0 : i32
      %dma_wait3A_341 = arith.constant 0 : i32
      %dma_wait3A_342 = tpu.memref_slice %arg4[%dma_wait3A_336, %dma_wait3A_340, %dma_wait3A_341] : memref<4x20x1024xf32, #tpu.memory_space<hbm>> -> memref<1x20x1024xf32, #tpu.memory_space<hbm>>
      %dma_wait3A_343 = tpu.memref_squeeze %dma_wait3A_342 : memref<1x20x1024xf32, #tpu.memory_space<hbm>> -> memref<20x1024xf32, #tpu.memory_space<hbm>>
      %dma_wait3A_344 = arith.constant 0 : i32
      %dma_wait3A_345 = arith.constant 0 : i32
      %dma_wait3A_346 = tpu.memref_slice %dma_wait3A_343[%dma_wait3A_344, %dma_wait3A_345] : memref<20x1024xf32, #tpu.memory_space<hbm>> -> memref<20x1024xf32, #tpu.memory_space<hbm>>
      tpu.wait_indirect_dma semaphore(%arg16 : memref<!tpu.dma_semaphore, #tpu.memory_space<semaphore_mem>>) src(%dma_wait3A_346 : memref<20x1024xf32, #tpu.memory_space<hbm>>) dst(%dma_wait3A_339 : memref<16x1024xf32, #tpu.memory_space<vmem>>)
      %add3A_347 = arith.constant 0 : i32
      %add3A_348 = vector.broadcast %add3A_347 : i32 to vector<16xi32>
      %add3A_349 = arith.addi %iota3A, %add3A_348 : vector<16xi32>
      %min3A_350 = arith.constant 19 : i32
      %min3A_351 = vector.broadcast %min3A_350 : i32 to vector<16xi32>
      %min3A_352 = arith.minsi %add3A_349, %min3A_351 : vector<16xi32>
      %add3A_353 = arith.constant 1 : i32
      %add3A_354 = vector.broadcast %add3A_353 : i32 to vector<16xi32>
      %add3A_355 = arith.addi %add3A_354, %min3A_352 : vector<16xi32>
      %dma_start3A_356 = arith.constant 2 : i32
      %dma_start3A_357 = arith.constant 0 : i32
      %dma_start3A_358 = arith.constant 0 : i32
      %dma_start3A_359 = tpu.memref_slice %arg9[%dma_start3A_357, %dma_start3A_358] : memref<24x1024xf32, #tpu.memory_space<vmem>> -> memref<16x1024xf32, #tpu.memory_space<vmem>>
      %dma_start3A_360 = arith.constant 0 : i32
      %dma_start3A_361 = arith.constant 0 : i32
      %dma_start3A_362 = tpu.memref_slice %arg5[%dma_start3A_356, %dma_start3A_360, %dma_start3A_361] : memref<4x2048x1024xf32, #tpu.memory_space<hbm>> -> memref<1x2048x1024xf32, #tpu.memory_space<hbm>>
      %dma_start3A_363 = tpu.memref_squeeze %dma_start3A_362 : memref<1x2048x1024xf32, #tpu.memory_space<hbm>> -> memref<2048x1024xf32, #tpu.memory_space<hbm>>
      %dma_start3A_364 = arith.constant 0 : i32
      %dma_start3A_365 = arith.constant 0 : i32
      %dma_start3A_366 = tpu.memref_slice %dma_start3A_363[%dma_start3A_364, %dma_start3A_365] : memref<2048x1024xf32, #tpu.memory_space<hbm>> -> memref<2048x1024xf32, #tpu.memory_space<hbm>>
      tpu.enqueue_indirect_dma source(%dma_start3A_359 : memref<16x1024xf32, #tpu.memory_space<vmem>>) target(%dma_start3A_366 : memref<2048x1024xf32, #tpu.memory_space<hbm>>) offsets(%add3A_355 : vector<16xi32>) semaphore(%arg17 : memref<!tpu.dma_semaphore, #tpu.memory_space<semaphore_mem>>)
      %add3A_367 = arith.constant 8 : i32
      %add3A_368 = vector.broadcast %add3A_367 : i32 to vector<16xi32>
      %add3A_369 = arith.addi %iota3A, %add3A_368 : vector<16xi32>
      %min3A_370 = arith.constant 19 : i32
      %min3A_371 = vector.broadcast %min3A_370 : i32 to vector<16xi32>
      %min3A_372 = arith.minsi %add3A_369, %min3A_371 : vector<16xi32>
      %add3A_373 = arith.constant 1 : i32
      %add3A_374 = vector.broadcast %add3A_373 : i32 to vector<16xi32>
      %add3A_375 = arith.addi %add3A_374, %min3A_372 : vector<16xi32>
      %dma_start3A_376 = arith.constant 2 : i32
      %dma_start3A_377 = arith.constant 8 : i32
      %dma_start3A_378 = arith.constant 0 : i32
      %dma_start3A_379 = tpu.memref_slice %arg9[%dma_start3A_377, %dma_start3A_378] : memref<24x1024xf32, #tpu.memory_space<vmem>> -> memref<16x1024xf32, #tpu.memory_space<vmem>>
      %dma_start3A_380 = arith.constant 0 : i32
      %dma_start3A_381 = arith.constant 0 : i32
      %dma_start3A_382 = tpu.memref_slice %arg5[%dma_start3A_376, %dma_start3A_380, %dma_start3A_381] : memref<4x2048x1024xf32, #tpu.memory_space<hbm>> -> memref<1x2048x1024xf32, #tpu.memory_space<hbm>>
      %dma_start3A_383 = tpu.memref_squeeze %dma_start3A_382 : memref<1x2048x1024xf32, #tpu.memory_space<hbm>> -> memref<2048x1024xf32, #tpu.memory_space<hbm>>
      %dma_start3A_384 = arith.constant 0 : i32
      %dma_start3A_385 = arith.constant 0 : i32
      %dma_start3A_386 = tpu.memref_slice %dma_start3A_383[%dma_start3A_384, %dma_start3A_385] : memref<2048x1024xf32, #tpu.memory_space<hbm>> -> memref<2048x1024xf32, #tpu.memory_space<hbm>>
      tpu.enqueue_indirect_dma source(%dma_start3A_379 : memref<16x1024xf32, #tpu.memory_space<vmem>>) target(%dma_start3A_386 : memref<2048x1024xf32, #tpu.memory_space<hbm>>) offsets(%add3A_375 : vector<16xi32>) semaphore(%arg18 : memref<!tpu.dma_semaphore, #tpu.memory_space<semaphore_mem>>)
      %get3A = arith.constant 0 : index
      %get3A_387 = tpu.vector_load %arg6[%get3A] {strides = array<i32>} : memref<256xi32, #tpu.memory_space<vmem>>, vector<16xi32>,
      %get3A_388 = vector.shape_cast %get3A_387 : vector<16xi32> to vector<16xi32>
      %get3A_389 = arith.constant 16 : index
      %get3A_390 = tpu.vector_load %arg6[%get3A_389] {strides = array<i32>} : memref<256xi32, #tpu.memory_space<vmem>>, vector<16xi32>,
      %get3A_391 = vector.shape_cast %get3A_390 : vector<16xi32> to vector<16xi32>
      %eq3A_392 = arith.constant 0 : i32
      %eq3A_393 = vector.broadcast %eq3A_392 : i32 to vector<16xi32>
      %eq3A_394 = arith.cmpi eq, %iota3A, %eq3A_393 : vector<16xi32>
      %slice3A = vector.extract_strided_slice %get3A_388 {offsets = [0], sizes = [1], strides = [1]} : vector<16xi32> to vector<1xi32>
      %squeeze3A = vector.extract %slice3A[0] : i32 from vector<1xi32>
      %slice3A_395 = vector.extract_strided_slice %get3A_391 {offsets = [15], sizes = [1], strides = [1]} : vector<16xi32> to vector<1xi32>
      %squeeze3A_396 = vector.extract %slice3A_395[0] : i32 from vector<1xi32>
      %broadcast_in_dim3A = vector.broadcast %squeeze3A : i32 to vector<16xi32>
      %broadcast_in_dim3A_397 = vector.broadcast %squeeze3A_396 : i32 to vector<16xi32>
      %select_n3A_398 = arith.select %eq3A_394, %broadcast_in_dim3A, %broadcast_in_dim3A_397 : vector<16xi1>, vector<16xi32>
      %eq3A_399 = arith.constant 1 : i32
      %eq3A_400 = vector.broadcast %eq3A_399 : i32 to vector<16xi32>
      %eq3A_401 = arith.cmpi eq, %iota3A, %eq3A_400 : vector<16xi32>
      %slice3A_402 = vector.extract_strided_slice %get3A_391 {offsets = [5], sizes = [1], strides = [1]} : vector<16xi32> to vector<1xi32>
      %squeeze3A_403 = vector.extract %slice3A_402[0] : i32 from vector<1xi32>
      %broadcast_in_dim3A_404 = vector.broadcast %squeeze3A_403 : i32 to vector<16xi32>
      %select_n3A_405 = arith.select %eq3A_401, %broadcast_in_dim3A_404, %select_n3A_398 : vector<16xi1>, vector<16xi32>
      %eq3A_406 = arith.constant 2 : i32
      %eq3A_407 = vector.broadcast %eq3A_406 : i32 to vector<16xi32>
      %eq3A_408 = arith.cmpi eq, %iota3A, %eq3A_407 : vector<16xi32>
      %slice3A_409 = vector.extract_strided_slice %get3A_391 {offsets = [6], sizes = [1], strides = [1]} : vector<16xi32> to vector<1xi32>
      %squeeze3A_410 = vector.extract %slice3A_409[0] : i32 from vector<1xi32>
      %broadcast_in_dim3A_411 = vector.broadcast %squeeze3A_410 : i32 to vector<16xi32>
      %select_n3A_412 = arith.select %eq3A_408, %broadcast_in_dim3A_411, %select_n3A_405 : vector<16xi1>, vector<16xi32>
      %eq3A_413 = arith.constant 3 : i32
      %eq3A_414 = vector.broadcast %eq3A_413 : i32 to vector<16xi32>
      %eq3A_415 = arith.cmpi eq, %iota3A, %eq3A_414 : vector<16xi32>
      %slice3A_416 = vector.extract_strided_slice %get3A_391 {offsets = [7], sizes = [1], strides = [1]} : vector<16xi32> to vector<1xi32>
      %squeeze3A_417 = vector.extract %slice3A_416[0] : i32 from vector<1xi32>
      %broadcast_in_dim3A_418 = vector.broadcast %squeeze3A_417 : i32 to vector<16xi32>
      %select_n3A_419 = arith.select %eq3A_415, %broadcast_in_dim3A_418, %select_n3A_412 : vector<16xi1>, vector<16xi32>
      %eq3A_420 = arith.constant 4 : i32
      %eq3A_421 = vector.broadcast %eq3A_420 : i32 to vector<16xi32>
      %eq3A_422 = arith.cmpi eq, %iota3A, %eq3A_421 : vector<16xi32>
      %slice3A_423 = vector.extract_strided_slice %get3A_391 {offsets = [8], sizes = [1], strides = [1]} : vector<16xi32> to vector<1xi32>
      %squeeze3A_424 = vector.extract %slice3A_423[0] : i32 from vector<1xi32>
      %broadcast_in_dim3A_425 = vector.broadcast %squeeze3A_424 : i32 to vector<16xi32>
      %select_n3A_426 = arith.select %eq3A_422, %broadcast_in_dim3A_425, %select_n3A_419 : vector<16xi1>, vector<16xi32>
      %eq3A_427 = arith.constant 5 : i32
      %eq3A_428 = vector.broadcast %eq3A_427 : i32 to vector<16xi32>
      %eq3A_429 = arith.cmpi eq, %iota3A, %eq3A_428 : vector<16xi32>
      %slice3A_430 = vector.extract_strided_slice %get3A_391 {offsets = [9], sizes = [1], strides = [1]} : vector<16xi32> to vector<1xi32>
      %squeeze3A_431 = vector.extract %slice3A_430[0] : i32 from vector<1xi32>
      %broadcast_in_dim3A_432 = vector.broadcast %squeeze3A_431 : i32 to vector<16xi32>
      %select_n3A_433 = arith.select %eq3A_429, %broadcast_in_dim3A_432, %select_n3A_426 : vector<16xi1>, vector<16xi32>
      %eq3A_434 = arith.constant 6 : i32
      %eq3A_435 = vector.broadcast %eq3A_434 : i32 to vector<16xi32>
      %eq3A_436 = arith.cmpi eq, %iota3A, %eq3A_435 : vector<16xi32>
      %slice3A_437 = vector.extract_strided_slice %get3A_391 {offsets = [10], sizes = [1], strides = [1]} : vector<16xi32> to vector<1xi32>
      %squeeze3A_438 = vector.extract %slice3A_437[0] : i32 from vector<1xi32>
      %broadcast_in_dim3A_439 = vector.broadcast %squeeze3A_438 : i32 to vector<16xi32>
      %select_n3A_440 = arith.select %eq3A_436, %broadcast_in_dim3A_439, %select_n3A_433 : vector<16xi1>, vector<16xi32>
      %eq3A_441 = arith.constant 7 : i32
      %eq3A_442 = vector.broadcast %eq3A_441 : i32 to vector<16xi32>
      %eq3A_443 = arith.cmpi eq, %iota3A, %eq3A_442 : vector<16xi32>
      %slice3A_444 = vector.extract_strided_slice %get3A_391 {offsets = [11], sizes = [1], strides = [1]} : vector<16xi32> to vector<1xi32>
      %squeeze3A_445 = vector.extract %slice3A_444[0] : i32 from vector<1xi32>
      %broadcast_in_dim3A_446 = vector.broadcast %squeeze3A_445 : i32 to vector<16xi32>
      %select_n3A_447 = arith.select %eq3A_443, %broadcast_in_dim3A_446, %select_n3A_440 : vector<16xi1>, vector<16xi32>
      %eq3A_448 = arith.constant 8 : i32
      %eq3A_449 = vector.broadcast %eq3A_448 : i32 to vector<16xi32>
      %eq3A_450 = arith.cmpi eq, %iota3A, %eq3A_449 : vector<16xi32>
      %slice3A_451 = vector.extract_strided_slice %get3A_391 {offsets = [12], sizes = [1], strides = [1]} : vector<16xi32> to vector<1xi32>
      %squeeze3A_452 = vector.extract %slice3A_451[0] : i32 from vector<1xi32>
      %broadcast_in_dim3A_453 = vector.broadcast %squeeze3A_452 : i32 to vector<16xi32>
      %select_n3A_454 = arith.select %eq3A_450, %broadcast_in_dim3A_453, %select_n3A_447 : vector<16xi1>, vector<16xi32>
      %eq3A_455 = arith.constant 9 : i32
      %eq3A_456 = vector.broadcast %eq3A_455 : i32 to vector<16xi32>
      %eq3A_457 = arith.cmpi eq, %iota3A, %eq3A_456 : vector<16xi32>
      %slice3A_458 = vector.extract_strided_slice %get3A_391 {offsets = [13], sizes = [1], strides = [1]} : vector<16xi32> to vector<1xi32>
      %squeeze3A_459 = vector.extract %slice3A_458[0] : i32 from vector<1xi32>
      %broadcast_in_dim3A_460 = vector.broadcast %squeeze3A_459 : i32 to vector<16xi32>
      %select_n3A_461 = arith.select %eq3A_457, %broadcast_in_dim3A_460, %select_n3A_454 : vector<16xi1>, vector<16xi32>
      %eq3A_462 = arith.constant 10 : i32
      %eq3A_463 = vector.broadcast %eq3A_462 : i32 to vector<16xi32>
      %eq3A_464 = arith.cmpi eq, %iota3A, %eq3A_463 : vector<16xi32>
      %slice3A_465 = vector.extract_strided_slice %get3A_391 {offsets = [14], sizes = [1], strides = [1]} : vector<16xi32> to vector<1xi32>
      %squeeze3A_466 = vector.extract %slice3A_465[0] : i32 from vector<1xi32>
      %broadcast_in_dim3A_467 = vector.broadcast %squeeze3A_466 : i32 to vector<16xi32>
      %select_n3A_468 = arith.select %eq3A_464, %broadcast_in_dim3A_467, %select_n3A_461 : vector<16xi1>, vector<16xi32>
      %eq3A_469 = arith.constant 11 : i32
      %eq3A_470 = vector.broadcast %eq3A_469 : i32 to vector<16xi32>
      %eq3A_471 = arith.cmpi eq, %iota3A, %eq3A_470 : vector<16xi32>
      %slice3A_472 = vector.extract_strided_slice %get3A_391 {offsets = [15], sizes = [1], strides = [1]} : vector<16xi32> to vector<1xi32>
      %squeeze3A_473 = vector.extract %slice3A_472[0] : i32 from vector<1xi32>
      %broadcast_in_dim3A_474 = vector.broadcast %squeeze3A_473 : i32 to vector<16xi32>
      %select_n3A_475 = arith.select %eq3A_471, %broadcast_in_dim3A_474, %select_n3A_468 : vector<16xi1>, vector<16xi32>
      %dma_wait3A_476 = arith.constant 0 : i32
      %dma_wait3A_477 = arith.constant 0 : i32
      %dma_wait3A_478 = tpu.memref_slice %arg3[%dma_wait3A_476, %dma_wait3A_477] : memref<100000x1024xf32, #tpu.memory_space<hbm>> -> memref<100000x1024xf32, #tpu.memory_space<hbm>>
      tpu.wait_indirect_dma semaphore(%arg19 : memref<!tpu.dma_semaphore, #tpu.memory_space<semaphore_mem>>) src(%dma_wait3A_478 : memref<100000x1024xf32, #tpu.memory_space<hbm>>) dst(%arg10 : memref<16x1024xf32, #tpu.memory_space<vmem>>)
      %eq3A_479 = arith.constant 0 : i32
      %eq3A_480 = vector.broadcast %eq3A_479 : i32 to vector<16xi32>
      %eq3A_481 = arith.cmpi eq, %iota3A, %eq3A_480 : vector<16xi32>
      %add3A_482 = arith.constant 20 : i32
      %add3A_483 = vector.broadcast %add3A_482 : i32 to vector<16xi32>
      %add3A_484 = arith.addi %iota3A, %add3A_483 : vector<16xi32>
      %min3A_485 = arith.constant 31 : i32
      %min3A_486 = vector.broadcast %min3A_485 : i32 to vector<16xi32>
      %min3A_487 = arith.minsi %add3A_484, %min3A_486 : vector<16xi32>
      %jit3A_488 = arith.constant 0 : i32
      %broadcast_in_dim3A_489 = vector.broadcast %jit3A_488 : i32 to vector<16xi32>
      %select_n3A_490 = arith.select %eq3A_481, %broadcast_in_dim3A_489, %min3A_487 : vector<16xi1>, vector<16xi32>
      %dma_start3A_491 = arith.constant 2 : i32
      %dma_start3A_492 = arith.constant 0 : i32
      %dma_start3A_493 = arith.constant 0 : i32
      %dma_start3A_494 = tpu.memref_slice %arg5[%dma_start3A_491, %dma_start3A_492, %dma_start3A_493] : memref<4x2048x1024xf32, #tpu.memory_space<hbm>> -> memref<1x2048x1024xf32, #tpu.memory_space<hbm>>
      %dma_start3A_495 = tpu.memref_squeeze %dma_start3A_494 : memref<1x2048x1024xf32, #tpu.memory_space<hbm>> -> memref<2048x1024xf32, #tpu.memory_space<hbm>>
      %dma_start3A_496 = arith.constant 0 : i32
      %dma_start3A_497 = arith.constant 0 : i32
      %dma_start3A_498 = tpu.memref_slice %dma_start3A_495[%dma_start3A_496, %dma_start3A_497] : memref<2048x1024xf32, #tpu.memory_space<hbm>> -> memref<2048x1024xf32, #tpu.memory_space<hbm>>
      tpu.enqueue_indirect_dma source(%arg10 : memref<16x1024xf32, #tpu.memory_space<vmem>>) target(%dma_start3A_498 : memref<2048x1024xf32, #tpu.memory_space<hbm>>) offsets(%select_n3A_490 : vector<16xi32>) semaphore(%arg20 : memref<!tpu.dma_semaphore, #tpu.memory_space<semaphore_mem>>)
    } else {
    }
    %eq3A_124 = arith.constant 24 : i32
    %eq3A_125 = arith.cmpi eq, %add3A, %eq3A_124 : i32
    %convert_element_type3A_126 = arith.extui %eq3A_125 : i1 to i32
    %cond3A_127 = arith.constant 0 : i32
    %cond3A_128 = arith.cmpi ne, %convert_element_type3A_126, %cond3A_127 : i32
    scf.if %cond3A_128 {
      %add3A_314 = arith.constant 0 : i32
      %add3A_315 = vector.broadcast %add3A_314 : i32 to vector<16xi32>
      %add3A_316 = arith.addi %iota3A, %add3A_315 : vector<16xi32>
      %min3A = arith.constant 19 : i32
      %min3A_317 = vector.broadcast %min3A : i32 to vector<16xi32>
      %min3A_318 = arith.minsi %add3A_316, %min3A_317 : vector<16xi32>
      %dma_wait3A_319 = arith.constant 3 : i32
      %dma_wait3A_320 = arith.constant 0 : i32
      %dma_wait3A_321 = arith.constant 0 : i32
      %dma_wait3A_322 = tpu.memref_slice %arg9[%dma_wait3A_320, %dma_wait3A_321] : memref<24x1024xf32, #tpu.memory_space<vmem>> -> memref<16x1024xf32, #tpu.memory_space<vmem>>
      %dma_wait3A_323 = arith.constant 0 : i32
      %dma_wait3A_324 = arith.constant 0 : i32
      %dma_wait3A_325 = tpu.memref_slice %arg4[%dma_wait3A_319, %dma_wait3A_323, %dma_wait3A_324] : memref<4x20x1024xf32, #tpu.memory_space<hbm>> -> memref<1x20x1024xf32, #tpu.memory_space<hbm>>
      %dma_wait3A_326 = tpu.memref_squeeze %dma_wait3A_325 : memref<1x20x1024xf32, #tpu.memory_space<hbm>> -> memref<20x1024xf32, #tpu.memory_space<hbm>>
      %dma_wait3A_327 = arith.constant 0 : i32
      %dma_wait3A_328 = arith.constant 0 : i32
      %dma_wait3A_329 = tpu.memref_slice %dma_wait3A_326[%dma_wait3A_327, %dma_wait3A_328] : memref<20x1024xf32, #tpu.memory_space<hbm>> -> memref<20x1024xf32, #tpu.memory_space<hbm>>
      tpu.wait_indirect_dma semaphore(%arg15 : memref<!tpu.dma_semaphore, #tpu.memory_space<semaphore_mem>>) src(%dma_wait3A_329 : memref<20x1024xf32, #tpu.memory_space<hbm>>) dst(%dma_wait3A_322 : memref<16x1024xf32, #tpu.memory_space<vmem>>)
      %add3A_330 = arith.constant 8 : i32
      %add3A_331 = vector.broadcast %add3A_330 : i32 to vector<16xi32>
      %add3A_332 = arith.addi %iota3A, %add3A_331 : vector<16xi32>
      %min3A_333 = arith.constant 19 : i32
      %min3A_334 = vector.broadcast %min3A_333 : i32 to vector<16xi32>
      %min3A_335 = arith.minsi %add3A_332, %min3A_334 : vector<16xi32>
      %dma_wait3A_336 = arith.constant 3 : i32
      %dma_wait3A_337 = arith.constant 8 : i32
      %dma_wait3A_338 = arith.constant 0 : i32
      %dma_wait3A_339 = tpu.memref_slice %arg9[%dma_wait3A_337, %dma_wait3A_338] : memref<24x1024xf32, #tpu.memory_space<vmem>> -> memref<16x1024xf32, #tpu.memory_space<vmem>>
      %dma_wait3A_340 = arith.constant 0 : i32
      %dma_wait3A_341 = arith.constant 0 : i32
      %dma_wait3A_342 = tpu.memref_slice %arg4[%dma_wait3A_336, %dma_wait3A_340, %dma_wait3A_341] : memref<4x20x1024xf32, #tpu.memory_space<hbm>> -> memref<1x20x1024xf32, #tpu.memory_space<hbm>>
      %dma_wait3A_343 = tpu.memref_squeeze %dma_wait3A_342 : memref<1x20x1024xf32, #tpu.memory_space<hbm>> -> memref<20x1024xf32, #tpu.memory_space<hbm>>
      %dma_wait3A_344 = arith.constant 0 : i32
      %dma_wait3A_345 = arith.constant 0 : i32
      %dma_wait3A_346 = tpu.memref_slice %dma_wait3A_343[%dma_wait3A_344, %dma_wait3A_345] : memref<20x1024xf32, #tpu.memory_space<hbm>> -> memref<20x1024xf32, #tpu.memory_space<hbm>>
      tpu.wait_indirect_dma semaphore(%arg16 : memref<!tpu.dma_semaphore, #tpu.memory_space<semaphore_mem>>) src(%dma_wait3A_346 : memref<20x1024xf32, #tpu.memory_space<hbm>>) dst(%dma_wait3A_339 : memref<16x1024xf32, #tpu.memory_space<vmem>>)
      %add3A_347 = arith.constant 0 : i32
      %add3A_348 = vector.broadcast %add3A_347 : i32 to vector<16xi32>
      %add3A_349 = arith.addi %iota3A, %add3A_348 : vector<16xi32>
      %min3A_350 = arith.constant 19 : i32
      %min3A_351 = vector.broadcast %min3A_350 : i32 to vector<16xi32>
      %min3A_352 = arith.minsi %add3A_349, %min3A_351 : vector<16xi32>
      %add3A_353 = arith.constant 1 : i32
      %add3A_354 = vector.broadcast %add3A_353 : i32 to vector<16xi32>
      %add3A_355 = arith.addi %add3A_354, %min3A_352 : vector<16xi32>
      %dma_start3A_356 = arith.constant 3 : i32
      %dma_start3A_357 = arith.constant 0 : i32
      %dma_start3A_358 = arith.constant 0 : i32
      %dma_start3A_359 = tpu.memref_slice %arg9[%dma_start3A_357, %dma_start3A_358] : memref<24x1024xf32, #tpu.memory_space<vmem>> -> memref<16x1024xf32, #tpu.memory_space<vmem>>
      %dma_start3A_360 = arith.constant 0 : i32
      %dma_start3A_361 = arith.constant 0 : i32
      %dma_start3A_362 = tpu.memref_slice %arg5[%dma_start3A_356, %dma_start3A_360, %dma_start3A_361] : memref<4x2048x1024xf32, #tpu.memory_space<hbm>> -> memref<1x2048x1024xf32, #tpu.memory_space<hbm>>
      %dma_start3A_363 = tpu.memref_squeeze %dma_start3A_362 : memref<1x2048x1024xf32, #tpu.memory_space<hbm>> -> memref<2048x1024xf32, #tpu.memory_space<hbm>>
      %dma_start3A_364 = arith.constant 0 : i32
      %dma_start3A_365 = arith.constant 0 : i32
      %dma_start3A_366 = tpu.memref_slice %dma_start3A_363[%dma_start3A_364, %dma_start3A_365] : memref<2048x1024xf32, #tpu.memory_space<hbm>> -> memref<2048x1024xf32, #tpu.memory_space<hbm>>
      tpu.enqueue_indirect_dma source(%dma_start3A_359 : memref<16x1024xf32, #tpu.memory_space<vmem>>) target(%dma_start3A_366 : memref<2048x1024xf32, #tpu.memory_space<hbm>>) offsets(%add3A_355 : vector<16xi32>) semaphore(%arg17 : memref<!tpu.dma_semaphore, #tpu.memory_space<semaphore_mem>>)
      %add3A_367 = arith.constant 8 : i32
      %add3A_368 = vector.broadcast %add3A_367 : i32 to vector<16xi32>
      %add3A_369 = arith.addi %iota3A, %add3A_368 : vector<16xi32>
      %min3A_370 = arith.constant 19 : i32
      %min3A_371 = vector.broadcast %min3A_370 : i32 to vector<16xi32>
      %min3A_372 = arith.minsi %add3A_369, %min3A_371 : vector<16xi32>
      %add3A_373 = arith.constant 1 : i32
      %add3A_374 = vector.broadcast %add3A_373 : i32 to vector<16xi32>
      %add3A_375 = arith.addi %add3A_374, %min3A_372 : vector<16xi32>
      %dma_start3A_376 = arith.constant 3 : i32
      %dma_start3A_377 = arith.constant 8 : i32
      %dma_start3A_378 = arith.constant 0 : i32
      %dma_start3A_379 = tpu.memref_slice %arg9[%dma_start3A_377, %dma_start3A_378] : memref<24x1024xf32, #tpu.memory_space<vmem>> -> memref<16x1024xf32, #tpu.memory_space<vmem>>
      %dma_start3A_380 = arith.constant 0 : i32
      %dma_start3A_381 = arith.constant 0 : i32
      %dma_start3A_382 = tpu.memref_slice %arg5[%dma_start3A_376, %dma_start3A_380, %dma_start3A_381] : memref<4x2048x1024xf32, #tpu.memory_space<hbm>> -> memref<1x2048x1024xf32, #tpu.memory_space<hbm>>
      %dma_start3A_383 = tpu.memref_squeeze %dma_start3A_382 : memref<1x2048x1024xf32, #tpu.memory_space<hbm>> -> memref<2048x1024xf32, #tpu.memory_space<hbm>>
      %dma_start3A_384 = arith.constant 0 : i32
      %dma_start3A_385 = arith.constant 0 : i32
      %dma_start3A_386 = tpu.memref_slice %dma_start3A_383[%dma_start3A_384, %dma_start3A_385] : memref<2048x1024xf32, #tpu.memory_space<hbm>> -> memref<2048x1024xf32, #tpu.memory_space<hbm>>
      tpu.enqueue_indirect_dma source(%dma_start3A_379 : memref<16x1024xf32, #tpu.memory_space<vmem>>) target(%dma_start3A_386 : memref<2048x1024xf32, #tpu.memory_space<hbm>>) offsets(%add3A_375 : vector<16xi32>) semaphore(%arg18 : memref<!tpu.dma_semaphore, #tpu.memory_space<semaphore_mem>>)
      %get3A = arith.constant 0 : index
      %get3A_387 = tpu.vector_load %arg6[%get3A] {strides = array<i32>} : memref<256xi32, #tpu.memory_space<vmem>>, vector<16xi32>,
      %get3A_388 = vector.shape_cast %get3A_387 : vector<16xi32> to vector<16xi32>
      %get3A_389 = arith.constant 16 : index
      %get3A_390 = tpu.vector_load %arg6[%get3A_389] {strides = array<i32>} : memref<256xi32, #tpu.memory_space<vmem>>, vector<16xi32>,
      %get3A_391 = vector.shape_cast %get3A_390 : vector<16xi32> to vector<16xi32>
      %eq3A_392 = arith.constant 0 : i32
      %eq3A_393 = vector.broadcast %eq3A_392 : i32 to vector<16xi32>
      %eq3A_394 = arith.cmpi eq, %iota3A, %eq3A_393 : vector<16xi32>
      %slice3A = vector.extract_strided_slice %get3A_388 {offsets = [0], sizes = [1], strides = [1]} : vector<16xi32> to vector<1xi32>
      %squeeze3A = vector.extract %slice3A[0] : i32 from vector<1xi32>
      %slice3A_395 = vector.extract_strided_slice %get3A_391 {offsets = [15], sizes = [1], strides = [1]} : vector<16xi32> to vector<1xi32>
      %squeeze3A_396 = vector.extract %slice3A_395[0] : i32 from vector<1xi32>
      %broadcast_in_dim3A = vector.broadcast %squeeze3A : i32 to vector<16xi32>
      %broadcast_in_dim3A_397 = vector.broadcast %squeeze3A_396 : i32 to vector<16xi32>
      %select_n3A_398 = arith.select %eq3A_394, %broadcast_in_dim3A, %broadcast_in_dim3A_397 : vector<16xi1>, vector<16xi32>
      %eq3A_399 = arith.constant 1 : i32
      %eq3A_400 = vector.broadcast %eq3A_399 : i32 to vector<16xi32>
      %eq3A_401 = arith.cmpi eq, %iota3A, %eq3A_400 : vector<16xi32>
      %slice3A_402 = vector.extract_strided_slice %get3A_391 {offsets = [5], sizes = [1], strides = [1]} : vector<16xi32> to vector<1xi32>
      %squeeze3A_403 = vector.extract %slice3A_402[0] : i32 from vector<1xi32>
      %broadcast_in_dim3A_404 = vector.broadcast %squeeze3A_403 : i32 to vector<16xi32>
      %select_n3A_405 = arith.select %eq3A_401, %broadcast_in_dim3A_404, %select_n3A_398 : vector<16xi1>, vector<16xi32>
      %eq3A_406 = arith.constant 2 : i32
      %eq3A_407 = vector.broadcast %eq3A_406 : i32 to vector<16xi32>
      %eq3A_408 = arith.cmpi eq, %iota3A, %eq3A_407 : vector<16xi32>
      %slice3A_409 = vector.extract_strided_slice %get3A_391 {offsets = [6], sizes = [1], strides = [1]} : vector<16xi32> to vector<1xi32>
      %squeeze3A_410 = vector.extract %slice3A_409[0] : i32 from vector<1xi32>
      %broadcast_in_dim3A_411 = vector.broadcast %squeeze3A_410 : i32 to vector<16xi32>
      %select_n3A_412 = arith.select %eq3A_408, %broadcast_in_dim3A_411, %select_n3A_405 : vector<16xi1>, vector<16xi32>
      %eq3A_413 = arith.constant 3 : i32
      %eq3A_414 = vector.broadcast %eq3A_413 : i32 to vector<16xi32>
      %eq3A_415 = arith.cmpi eq, %iota3A, %eq3A_414 : vector<16xi32>
      %slice3A_416 = vector.extract_strided_slice %get3A_391 {offsets = [7], sizes = [1], strides = [1]} : vector<16xi32> to vector<1xi32>
      %squeeze3A_417 = vector.extract %slice3A_416[0] : i32 from vector<1xi32>
      %broadcast_in_dim3A_418 = vector.broadcast %squeeze3A_417 : i32 to vector<16xi32>
      %select_n3A_419 = arith.select %eq3A_415, %broadcast_in_dim3A_418, %select_n3A_412 : vector<16xi1>, vector<16xi32>
      %eq3A_420 = arith.constant 4 : i32
      %eq3A_421 = vector.broadcast %eq3A_420 : i32 to vector<16xi32>
      %eq3A_422 = arith.cmpi eq, %iota3A, %eq3A_421 : vector<16xi32>
      %slice3A_423 = vector.extract_strided_slice %get3A_391 {offsets = [8], sizes = [1], strides = [1]} : vector<16xi32> to vector<1xi32>
      %squeeze3A_424 = vector.extract %slice3A_423[0] : i32 from vector<1xi32>
      %broadcast_in_dim3A_425 = vector.broadcast %squeeze3A_424 : i32 to vector<16xi32>
      %select_n3A_426 = arith.select %eq3A_422, %broadcast_in_dim3A_425, %select_n3A_419 : vector<16xi1>, vector<16xi32>
      %eq3A_427 = arith.constant 5 : i32
      %eq3A_428 = vector.broadcast %eq3A_427 : i32 to vector<16xi32>
      %eq3A_429 = arith.cmpi eq, %iota3A, %eq3A_428 : vector<16xi32>
      %slice3A_430 = vector.extract_strided_slice %get3A_391 {offsets = [9], sizes = [1], strides = [1]} : vector<16xi32> to vector<1xi32>
      %squeeze3A_431 = vector.extract %slice3A_430[0] : i32 from vector<1xi32>
      %broadcast_in_dim3A_432 = vector.broadcast %squeeze3A_431 : i32 to vector<16xi32>
      %select_n3A_433 = arith.select %eq3A_429, %broadcast_in_dim3A_432, %select_n3A_426 : vector<16xi1>, vector<16xi32>
      %eq3A_434 = arith.constant 6 : i32
      %eq3A_435 = vector.broadcast %eq3A_434 : i32 to vector<16xi32>
      %eq3A_436 = arith.cmpi eq, %iota3A, %eq3A_435 : vector<16xi32>
      %slice3A_437 = vector.extract_strided_slice %get3A_391 {offsets = [10], sizes = [1], strides = [1]} : vector<16xi32> to vector<1xi32>
      %squeeze3A_438 = vector.extract %slice3A_437[0] : i32 from vector<1xi32>
      %broadcast_in_dim3A_439 = vector.broadcast %squeeze3A_438 : i32 to vector<16xi32>
      %select_n3A_440 = arith.select %eq3A_436, %broadcast_in_dim3A_439, %select_n3A_433 : vector<16xi1>, vector<16xi32>
      %eq3A_441 = arith.constant 7 : i32
      %eq3A_442 = vector.broadcast %eq3A_441 : i32 to vector<16xi32>
      %eq3A_443 = arith.cmpi eq, %iota3A, %eq3A_442 : vector<16xi32>
      %slice3A_444 = vector.extract_strided_slice %get3A_391 {offsets = [11], sizes = [1], strides = [1]} : vector<16xi32> to vector<1xi32>
      %squeeze3A_445 = vector.extract %slice3A_444[0] : i32 from vector<1xi32>
      %broadcast_in_dim3A_446 = vector.broadcast %squeeze3A_445 : i32 to vector<16xi32>
      %select_n3A_447 = arith.select %eq3A_443, %broadcast_in_dim3A_446, %select_n3A_440 : vector<16xi1>, vector<16xi32>
      %eq3A_448 = arith.constant 8 : i32
      %eq3A_449 = vector.broadcast %eq3A_448 : i32 to vector<16xi32>
      %eq3A_450 = arith.cmpi eq, %iota3A, %eq3A_449 : vector<16xi32>
      %slice3A_451 = vector.extract_strided_slice %get3A_391 {offsets = [12], sizes = [1], strides = [1]} : vector<16xi32> to vector<1xi32>
      %squeeze3A_452 = vector.extract %slice3A_451[0] : i32 from vector<1xi32>
      %broadcast_in_dim3A_453 = vector.broadcast %squeeze3A_452 : i32 to vector<16xi32>
      %select_n3A_454 = arith.select %eq3A_450, %broadcast_in_dim3A_453, %select_n3A_447 : vector<16xi1>, vector<16xi32>
      %eq3A_455 = arith.constant 9 : i32
      %eq3A_456 = vector.broadcast %eq3A_455 : i32 to vector<16xi32>
      %eq3A_457 = arith.cmpi eq, %iota3A, %eq3A_456 : vector<16xi32>
      %slice3A_458 = vector.extract_strided_slice %get3A_391 {offsets = [13], sizes = [1], strides = [1]} : vector<16xi32> to vector<1xi32>
      %squeeze3A_459 = vector.extract %slice3A_458[0] : i32 from vector<1xi32>
      %broadcast_in_dim3A_460 = vector.broadcast %squeeze3A_459 : i32 to vector<16xi32>
      %select_n3A_461 = arith.select %eq3A_457, %broadcast_in_dim3A_460, %select_n3A_454 : vector<16xi1>, vector<16xi32>
      %eq3A_462 = arith.constant 10 : i32
      %eq3A_463 = vector.broadcast %eq3A_462 : i32 to vector<16xi32>
      %eq3A_464 = arith.cmpi eq, %iota3A, %eq3A_463 : vector<16xi32>
      %slice3A_465 = vector.extract_strided_slice %get3A_391 {offsets = [14], sizes = [1], strides = [1]} : vector<16xi32> to vector<1xi32>
      %squeeze3A_466 = vector.extract %slice3A_465[0] : i32 from vector<1xi32>
      %broadcast_in_dim3A_467 = vector.broadcast %squeeze3A_466 : i32 to vector<16xi32>
      %select_n3A_468 = arith.select %eq3A_464, %broadcast_in_dim3A_467, %select_n3A_461 : vector<16xi1>, vector<16xi32>
      %eq3A_469 = arith.constant 11 : i32
      %eq3A_470 = vector.broadcast %eq3A_469 : i32 to vector<16xi32>
      %eq3A_471 = arith.cmpi eq, %iota3A, %eq3A_470 : vector<16xi32>
      %slice3A_472 = vector.extract_strided_slice %get3A_391 {offsets = [15], sizes = [1], strides = [1]} : vector<16xi32> to vector<1xi32>
      %squeeze3A_473 = vector.extract %slice3A_472[0] : i32 from vector<1xi32>
      %broadcast_in_dim3A_474 = vector.broadcast %squeeze3A_473 : i32 to vector<16xi32>
      %select_n3A_475 = arith.select %eq3A_471, %broadcast_in_dim3A_474, %select_n3A_468 : vector<16xi1>, vector<16xi32>
      %dma_wait3A_476 = arith.constant 0 : i32
      %dma_wait3A_477 = arith.constant 0 : i32
      %dma_wait3A_478 = tpu.memref_slice %arg3[%dma_wait3A_476, %dma_wait3A_477] : memref<100000x1024xf32, #tpu.memory_space<hbm>> -> memref<100000x1024xf32, #tpu.memory_space<hbm>>
      tpu.wait_indirect_dma semaphore(%arg19 : memref<!tpu.dma_semaphore, #tpu.memory_space<semaphore_mem>>) src(%dma_wait3A_478 : memref<100000x1024xf32, #tpu.memory_space<hbm>>) dst(%arg10 : memref<16x1024xf32, #tpu.memory_space<vmem>>)
      %eq3A_479 = arith.constant 0 : i32
      %eq3A_480 = vector.broadcast %eq3A_479 : i32 to vector<16xi32>
      %eq3A_481 = arith.cmpi eq, %iota3A, %eq3A_480 : vector<16xi32>
      %add3A_482 = arith.constant 20 : i32
      %add3A_483 = vector.broadcast %add3A_482 : i32 to vector<16xi32>
      %add3A_484 = arith.addi %iota3A, %add3A_483 : vector<16xi32>
      %min3A_485 = arith.constant 31 : i32
      %min3A_486 = vector.broadcast %min3A_485 : i32 to vector<16xi32>
      %min3A_487 = arith.minsi %add3A_484, %min3A_486 : vector<16xi32>
      %jit3A_488 = arith.constant 0 : i32
      %broadcast_in_dim3A_489 = vector.broadcast %jit3A_488 : i32 to vector<16xi32>
      %select_n3A_490 = arith.select %eq3A_481, %broadcast_in_dim3A_489, %min3A_487 : vector<16xi1>, vector<16xi32>
      %dma_start3A_491 = arith.constant 3 : i32
      %dma_start3A_492 = arith.constant 0 : i32
      %dma_start3A_493 = arith.constant 0 : i32
      %dma_start3A_494 = tpu.memref_slice %arg5[%dma_start3A_491, %dma_start3A_492, %dma_start3A_493] : memref<4x2048x1024xf32, #tpu.memory_space<hbm>> -> memref<1x2048x1024xf32, #tpu.memory_space<hbm>>
      %dma_start3A_495 = tpu.memref_squeeze %dma_start3A_494 : memref<1x2048x1024xf32, #tpu.memory_space<hbm>> -> memref<2048x1024xf32, #tpu.memory_space<hbm>>
      %dma_start3A_496 = arith.constant 0 : i32
      %dma_start3A_497 = arith.constant 0 : i32
      %dma_start3A_498 = tpu.memref_slice %dma_start3A_495[%dma_start3A_496, %dma_start3A_497] : memref<2048x1024xf32, #tpu.memory_space<hbm>> -> memref<2048x1024xf32, #tpu.memory_space<hbm>>
      tpu.enqueue_indirect_dma source(%arg10 : memref<16x1024xf32, #tpu.memory_space<vmem>>) target(%dma_start3A_498 : memref<2048x1024xf32, #tpu.memory_space<hbm>>) offsets(%select_n3A_490 : vector<16xi32>) semaphore(%arg20 : memref<!tpu.dma_semaphore, #tpu.memory_space<semaphore_mem>>)
    } else {
    }
    %dma_wait3A_129 = arith.constant 0 : i32
    %dma_wait3A_130 = tpu.memref_slice %arg5[%select_n3A, %add3A_102, %dma_wait3A_129] : memref<4x2048x1024xf32, #tpu.memory_space<hbm>> -> memref<1x32x1024xf32, #tpu.memory_space<hbm>>
    %dma_wait3A_131 = tpu.memref_squeeze %dma_wait3A_130 : memref<1x32x1024xf32, #tpu.memory_space<hbm>> -> memref<32x1024xf32, #tpu.memory_space<hbm>>
    %dma_wait3A_132 = arith.constant 0 : i32
    %dma_wait3A_133 = tpu.memref_slice %arg5[%select_n3A, %add3A_102, %dma_wait3A_132] : memref<4x2048x1024xf32, #tpu.memory_space<hbm>> -> memref<1x32x1024xf32, #tpu.memory_space<hbm>>
    %dma_wait3A_134 = tpu.memref_squeeze %dma_wait3A_133 : memref<1x32x1024xf32, #tpu.memory_space<hbm>> -> memref<32x1024xf32, #tpu.memory_space<hbm>>
    tpu.wait_dma2 semaphore(%arg14 : memref<!tpu.dma_semaphore, #tpu.memory_space<semaphore_mem>>) src(%arg8 : memref<32x1024xf32, #tpu.memory_space<vmem>>) dst(%dma_wait3A_134 : memref<32x1024xf32, #tpu.memory_space<hbm>>)
    %dma_start3A_135 = arith.constant 96 : i32
    %dma_start3A_136 = tpu.memref_slice %arg6[%dma_start3A_135] : memref<256xi32, #tpu.memory_space<vmem>> -> memref<32xi32, #tpu.memory_space<vmem>>
    %dma_start3A_137 = arith.constant 0 : i32
    %dma_start3A_138 = arith.constant 0 : i32
    %dma_start3A_139 = tpu.memref_slice %arg3[%dma_start3A_137, %dma_start3A_138] : memref<100000x1024xf32, #tpu.memory_space<hbm>> -> memref<100000x1024xf32, #tpu.memory_space<hbm>>
    tpu.enqueue_indirect_dma source(%dma_start3A_139 : memref<100000x1024xf32, #tpu.memory_space<hbm>>) target(%arg8 : memref<32x1024xf32, #tpu.memory_space<vmem>>) offsets(%dma_start3A_136 : memref<32xi32, #tpu.memory_space<vmem>>) semaphore(%arg12 : memref<!tpu.dma_semaphore, #tpu.memory_space<semaphore_mem>>)
    %dma_wait3A_140 = arith.constant 64 : i32
    %dma_wait3A_141 = tpu.memref_slice %arg6[%dma_wait3A_140] : memref<256xi32, #tpu.memory_space<vmem>> -> memref<32xi32, #tpu.memory_space<vmem>>
    %dma_wait3A_142 = arith.constant 0 : i32
    %dma_wait3A_143 = arith.constant 0 : i32
    %dma_wait3A_144 = tpu.memref_slice %arg3[%dma_wait3A_142, %dma_wait3A_143] : memref<100000x1024xf32, #tpu.memory_space<hbm>> -> memref<100000x1024xf32, #tpu.memory_space<hbm>>
    tpu.wait_indirect_dma semaphore(%arg11 : memref<!tpu.dma_semaphore, #tpu.memory_space<semaphore_mem>>) src(%dma_wait3A_144 : memref<100000x1024xf32, #tpu.memory_space<hbm>>) dst(%arg7 : memref<32x1024xf32, #tpu.memory_space<vmem>>)
    %add3A_145 = arith.constant 64 : i32
    %add3A_146 = arith.addi %mul3A_32, %add3A_145 : i32
    %dma_start3A_147 = arith.constant 0 : i32
    %dma_start3A_148 = tpu.memref_slice %arg5[%select_n3A, %add3A_146, %dma_start3A_147] : memref<4x2048x1024xf32, #tpu.memory_space<hbm>> -> memref<1x32x1024xf32, #tpu.memory_space<hbm>>
    %dma_start3A_149 = tpu.memref_squeeze %dma_start3A_148 : memref<1x32x1024xf32, #tpu.memory_space<hbm>> -> memref<32x1024xf32, #tpu.memory_space<hbm>>
    %dma_start3A_150 = arith.constant 0 : i32
    %dma_start3A_151 = tpu.memref_slice %arg5[%select_n3A, %add3A_146, %dma_start3A_150] : memref<4x2048x1024xf32, #tpu.memory_space<hbm>> -> memref<1x32x1024xf32, #tpu.memory_space<hbm>>
    %dma_start3A_152 = tpu.memref_squeeze %dma_start3A_151 : memref<1x32x1024xf32, #tpu.memory_space<hbm>> -> memref<32x1024xf32, #tpu.memory_space<hbm>>
    tpu.enqueue_dma source(%arg7 : memref<32x1024xf32, #tpu.memory_space<vmem>>) target(%dma_start3A_152 : memref<32x1024xf32, #tpu.memory_space<hbm>>) target_semaphore(%arg13 : memref<!tpu.dma_semaphore, #tpu.memory_space<semaphore_mem>>)
    %dma_wait3A_153 = arith.constant 0 : i32
    %dma_wait3A_154 = tpu.memref_slice %arg5[%select_n3A, %add3A_146, %dma_wait3A_153] : memref<4x2048x1024xf32, #tpu.memory_space<hbm>> -> memref<1x32x1024xf32, #tpu.memory_space<hbm>>
    %dma_wait3A_155 = tpu.memref_squeeze %dma_wait3A_154 : memref<1x32x1024xf32, #tpu.memory_space<hbm>> -> memref<32x1024xf32, #tpu.memory_space<hbm>>
    %dma_wait3A_156 = arith.constant 0 : i32
    %dma_wait3A_157 = tpu.memref_slice %arg5[%select_n3A, %add3A_146, %dma_wait3A_156] : memref<4x2048x1024xf32, #tpu.memory_space<hbm>> -> memref<1x32x1024xf32, #tpu.memory_space<hbm>>
    %dma_wait3A_158 = tpu.memref_squeeze %dma_wait3A_157 : memref<1x32x1024xf32, #tpu.memory_space<hbm>> -> memref<32x1024xf32, #tpu.memory_space<hbm>>
    tpu.wait_dma2 semaphore(%arg13 : memref<!tpu.dma_semaphore, #tpu.memory_space<semaphore_mem>>) src(%arg7 : memref<32x1024xf32, #tpu.memory_space<vmem>>) dst(%dma_wait3A_158 : memref<32x1024xf32, #tpu.memory_space<hbm>>)
    %dma_start3A_159 = arith.constant 128 : i32
    %dma_start3A_160 = tpu.memref_slice %arg6[%dma_start3A_159] : memref<256xi32, #tpu.memory_space<vmem>> -> memref<32xi32, #tpu.memory_space<vmem>>
    %dma_start3A_161 = arith.constant 0 : i32
    %dma_start3A_162 = arith.constant 0 : i32
    %dma_start3A_163 = tpu.memref_slice %arg3[%dma_start3A_161, %dma_start3A_162] : memref<100000x1024xf32, #tpu.memory_space<hbm>> -> memref<100000x1024xf32, #tpu.memory_space<hbm>>
    tpu.enqueue_indirect_dma source(%dma_start3A_163 : memref<100000x1024xf32, #tpu.memory_space<hbm>>) target(%arg7 : memref<32x1024xf32, #tpu.memory_space<vmem>>) offsets(%dma_start3A_160 : memref<32xi32, #tpu.memory_space<vmem>>) semaphore(%arg11 : memref<!tpu.dma_semaphore, #tpu.memory_space<semaphore_mem>>)
    %dma_wait3A_164 = arith.constant 96 : i32
    %dma_wait3A_165 = tpu.memref_slice %arg6[%dma_wait3A_164] : memref<256xi32, #tpu.memory_space<vmem>> -> memref<32xi32, #tpu.memory_space<vmem>>
    %dma_wait3A_166 = arith.constant 0 : i32
    %dma_wait3A_167 = arith.constant 0 : i32
    %dma_wait3A_168 = tpu.memref_slice %arg3[%dma_wait3A_166, %dma_wait3A_167] : memref<100000x1024xf32, #tpu.memory_space<hbm>> -> memref<100000x1024xf32, #tpu.memory_space<hbm>>
    tpu.wait_indirect_dma semaphore(%arg12 : memref<!tpu.dma_semaphore, #tpu.memory_space<semaphore_mem>>) src(%dma_wait3A_168 : memref<100000x1024xf32, #tpu.memory_space<hbm>>) dst(%arg8 : memref<32x1024xf32, #tpu.memory_space<vmem>>)
    %add3A_169 = arith.constant 96 : i32
    %add3A_170 = arith.addi %mul3A_32, %add3A_169 : i32
    %dma_start3A_171 = arith.constant 0 : i32
    %dma_start3A_172 = tpu.memref_slice %arg5[%select_n3A, %add3A_170, %dma_start3A_171] : memref<4x2048x1024xf32, #tpu.memory_space<hbm>> -> memref<1x32x1024xf32, #tpu.memory_space<hbm>>
    %dma_start3A_173 = tpu.memref_squeeze %dma_start3A_172 : memref<1x32x1024xf32, #tpu.memory_space<hbm>> -> memref<32x1024xf32, #tpu.memory_space<hbm>>
    %dma_start3A_174 = arith.constant 0 : i32
    %dma_start3A_175 = tpu.memref_slice %arg5[%select_n3A, %add3A_170, %dma_start3A_174] : memref<4x2048x1024xf32, #tpu.memory_space<hbm>> -> memref<1x32x1024xf32, #tpu.memory_space<hbm>>
    %dma_start3A_176 = tpu.memref_squeeze %dma_start3A_175 : memref<1x32x1024xf32, #tpu.memory_space<hbm>> -> memref<32x1024xf32, #tpu.memory_space<hbm>>
    tpu.enqueue_dma source(%arg8 : memref<32x1024xf32, #tpu.memory_space<vmem>>) target(%dma_start3A_176 : memref<32x1024xf32, #tpu.memory_space<hbm>>) target_semaphore(%arg14 : memref<!tpu.dma_semaphore, #tpu.memory_space<semaphore_mem>>)
    %dma_wait3A_177 = arith.constant 0 : i32
    %dma_wait3A_178 = tpu.memref_slice %arg5[%select_n3A, %add3A_170, %dma_wait3A_177] : memref<4x2048x1024xf32, #tpu.memory_space<hbm>> -> memref<1x32x1024xf32, #tpu.memory_space<hbm>>
    %dma_wait3A_179 = tpu.memref_squeeze %dma_wait3A_178 : memref<1x32x1024xf32, #tpu.memory_space<hbm>> -> memref<32x1024xf32, #tpu.memory_space<hbm>>
    %dma_wait3A_180 = arith.constant 0 : i32
    %dma_wait3A_181 = tpu.memref_slice %arg5[%select_n3A, %add3A_170, %dma_wait3A_180] : memref<4x2048x1024xf32, #tpu.memory_space<hbm>> -> memref<1x32x1024xf32, #tpu.memory_space<hbm>>
    %dma_wait3A_182 = tpu.memref_squeeze %dma_wait3A_181 : memref<1x32x1024xf32, #tpu.memory_space<hbm>> -> memref<32x1024xf32, #tpu.memory_space<hbm>>
    tpu.wait_dma2 semaphore(%arg14 : memref<!tpu.dma_semaphore, #tpu.memory_space<semaphore_mem>>) src(%arg8 : memref<32x1024xf32, #tpu.memory_space<vmem>>) dst(%dma_wait3A_182 : memref<32x1024xf32, #tpu.memory_space<hbm>>)
    %dma_start3A_183 = arith.constant 160 : i32
    %dma_start3A_184 = tpu.memref_slice %arg6[%dma_start3A_183] : memref<256xi32, #tpu.memory_space<vmem>> -> memref<32xi32, #tpu.memory_space<vmem>>
    %dma_start3A_185 = arith.constant 0 : i32
    %dma_start3A_186 = arith.constant 0 : i32
    %dma_start3A_187 = tpu.memref_slice %arg3[%dma_start3A_185, %dma_start3A_186] : memref<100000x1024xf32, #tpu.memory_space<hbm>> -> memref<100000x1024xf32, #tpu.memory_space<hbm>>
    tpu.enqueue_indirect_dma source(%dma_start3A_187 : memref<100000x1024xf32, #tpu.memory_space<hbm>>) target(%arg8 : memref<32x1024xf32, #tpu.memory_space<vmem>>) offsets(%dma_start3A_184 : memref<32xi32, #tpu.memory_space<vmem>>) semaphore(%arg12 : memref<!tpu.dma_semaphore, #tpu.memory_space<semaphore_mem>>)
    %dma_wait3A_188 = arith.constant 128 : i32
    %dma_wait3A_189 = tpu.memref_slice %arg6[%dma_wait3A_188] : memref<256xi32, #tpu.memory_space<vmem>> -> memref<32xi32, #tpu.memory_space<vmem>>
    %dma_wait3A_190 = arith.constant 0 : i32
    %dma_wait3A_191 = arith.constant 0 : i32
    %dma_wait3A_192 = tpu.memref_slice %arg3[%dma_wait3A_190, %dma_wait3A_191] : memref<100000x1024xf32, #tpu.memory_space<hbm>> -> memref<100000x1024xf32, #tpu.memory_space<hbm>>
    tpu.wait_indirect_dma semaphore(%arg11 : memref<!tpu.dma_semaphore, #tpu.memory_space<semaphore_mem>>) src(%dma_wait3A_192 : memref<100000x1024xf32, #tpu.memory_space<hbm>>) dst(%arg7 : memref<32x1024xf32, #tpu.memory_space<vmem>>)
    %add3A_193 = arith.constant 128 : i32
    %add3A_194 = arith.addi %mul3A_32, %add3A_193 : i32
    %dma_start3A_195 = arith.constant 0 : i32
    %dma_start3A_196 = tpu.memref_slice %arg5[%select_n3A, %add3A_194, %dma_start3A_195] : memref<4x2048x1024xf32, #tpu.memory_space<hbm>> -> memref<1x32x1024xf32, #tpu.memory_space<hbm>>
    %dma_start3A_197 = tpu.memref_squeeze %dma_start3A_196 : memref<1x32x1024xf32, #tpu.memory_space<hbm>> -> memref<32x1024xf32, #tpu.memory_space<hbm>>
    %dma_start3A_198 = arith.constant 0 : i32
    %dma_start3A_199 = tpu.memref_slice %arg5[%select_n3A, %add3A_194, %dma_start3A_198] : memref<4x2048x1024xf32, #tpu.memory_space<hbm>> -> memref<1x32x1024xf32, #tpu.memory_space<hbm>>
    %dma_start3A_200 = tpu.memref_squeeze %dma_start3A_199 : memref<1x32x1024xf32, #tpu.memory_space<hbm>> -> memref<32x1024xf32, #tpu.memory_space<hbm>>
    tpu.enqueue_dma source(%arg7 : memref<32x1024xf32, #tpu.memory_space<vmem>>) target(%dma_start3A_200 : memref<32x1024xf32, #tpu.memory_space<hbm>>) target_semaphore(%arg13 : memref<!tpu.dma_semaphore, #tpu.memory_space<semaphore_mem>>)
    %dma_wait3A_201 = arith.constant 0 : i32
    %dma_wait3A_202 = tpu.memref_slice %arg5[%select_n3A, %add3A_194, %dma_wait3A_201] : memref<4x2048x1024xf32, #tpu.memory_space<hbm>> -> memref<1x32x1024xf32, #tpu.memory_space<hbm>>
    %dma_wait3A_203 = tpu.memref_squeeze %dma_wait3A_202 : memref<1x32x1024xf32, #tpu.memory_space<hbm>> -> memref<32x1024xf32, #tpu.memory_space<hbm>>
    %dma_wait3A_204 = arith.constant 0 : i32
    %dma_wait3A_205 = tpu.memref_slice %arg5[%select_n3A, %add3A_194, %dma_wait3A_204] : memref<4x2048x1024xf32, #tpu.memory_space<hbm>> -> memref<1x32x1024xf32, #tpu.memory_space<hbm>>
    %dma_wait3A_206 = tpu.memref_squeeze %dma_wait3A_205 : memref<1x32x1024xf32, #tpu.memory_space<hbm>> -> memref<32x1024xf32, #tpu.memory_space<hbm>>
    tpu.wait_dma2 semaphore(%arg13 : memref<!tpu.dma_semaphore, #tpu.memory_space<semaphore_mem>>) src(%arg7 : memref<32x1024xf32, #tpu.memory_space<vmem>>) dst(%dma_wait3A_206 : memref<32x1024xf32, #tpu.memory_space<hbm>>)
    %dma_start3A_207 = arith.constant 192 : i32
    %dma_start3A_208 = tpu.memref_slice %arg6[%dma_start3A_207] : memref<256xi32, #tpu.memory_space<vmem>> -> memref<32xi32, #tpu.memory_space<vmem>>
    %dma_start3A_209 = arith.constant 0 : i32
    %dma_start3A_210 = arith.constant 0 : i32
    %dma_start3A_211 = tpu.memref_slice %arg3[%dma_start3A_209, %dma_start3A_210] : memref<100000x1024xf32, #tpu.memory_space<hbm>> -> memref<100000x1024xf32, #tpu.memory_space<hbm>>
    tpu.enqueue_indirect_dma source(%dma_start3A_211 : memref<100000x1024xf32, #tpu.memory_space<hbm>>) target(%arg7 : memref<32x1024xf32, #tpu.memory_space<vmem>>) offsets(%dma_start3A_208 : memref<32xi32, #tpu.memory_space<vmem>>) semaphore(%arg11 : memref<!tpu.dma_semaphore, #tpu.memory_space<semaphore_mem>>)
    %dma_wait3A_212 = arith.constant 160 : i32
    %dma_wait3A_213 = tpu.memref_slice %arg6[%dma_wait3A_212] : memref<256xi32, #tpu.memory_space<vmem>> -> memref<32xi32, #tpu.memory_space<vmem>>
    %dma_wait3A_214 = arith.constant 0 : i32
    %dma_wait3A_215 = arith.constant 0 : i32
    %dma_wait3A_216 = tpu.memref_slice %arg3[%dma_wait3A_214, %dma_wait3A_215] : memref<100000x1024xf32, #tpu.memory_space<hbm>> -> memref<100000x1024xf32, #tpu.memory_space<hbm>>
    tpu.wait_indirect_dma semaphore(%arg12 : memref<!tpu.dma_semaphore, #tpu.memory_space<semaphore_mem>>) src(%dma_wait3A_216 : memref<100000x1024xf32, #tpu.memory_space<hbm>>) dst(%arg8 : memref<32x1024xf32, #tpu.memory_space<vmem>>)
    %add3A_217 = arith.constant 160 : i32
    %add3A_218 = arith.addi %mul3A_32, %add3A_217 : i32
    %dma_start3A_219 = arith.constant 0 : i32
    %dma_start3A_220 = tpu.memref_slice %arg5[%select_n3A, %add3A_218, %dma_start3A_219] : memref<4x2048x1024xf32, #tpu.memory_space<hbm>> -> memref<1x32x1024xf32, #tpu.memory_space<hbm>>
    %dma_start3A_221 = tpu.memref_squeeze %dma_start3A_220 : memref<1x32x1024xf32, #tpu.memory_space<hbm>> -> memref<32x1024xf32, #tpu.memory_space<hbm>>
    %dma_start3A_222 = arith.constant 0 : i32
    %dma_start3A_223 = tpu.memref_slice %arg5[%select_n3A, %add3A_218, %dma_start3A_222] : memref<4x2048x1024xf32, #tpu.memory_space<hbm>> -> memref<1x32x1024xf32, #tpu.memory_space<hbm>>
    %dma_start3A_224 = tpu.memref_squeeze %dma_start3A_223 : memref<1x32x1024xf32, #tpu.memory_space<hbm>> -> memref<32x1024xf32, #tpu.memory_space<hbm>>
    tpu.enqueue_dma source(%arg8 : memref<32x1024xf32, #tpu.memory_space<vmem>>) target(%dma_start3A_224 : memref<32x1024xf32, #tpu.memory_space<hbm>>) target_semaphore(%arg14 : memref<!tpu.dma_semaphore, #tpu.memory_space<semaphore_mem>>)
    %dma_wait3A_225 = arith.constant 0 : i32
    %dma_wait3A_226 = tpu.memref_slice %arg5[%select_n3A, %add3A_218, %dma_wait3A_225] : memref<4x2048x1024xf32, #tpu.memory_space<hbm>> -> memref<1x32x1024xf32, #tpu.memory_space<hbm>>
    %dma_wait3A_227 = tpu.memref_squeeze %dma_wait3A_226 : memref<1x32x1024xf32, #tpu.memory_space<hbm>> -> memref<32x1024xf32, #tpu.memory_space<hbm>>
    %dma_wait3A_228 = arith.constant 0 : i32
    %dma_wait3A_229 = tpu.memref_slice %arg5[%select_n3A, %add3A_218, %dma_wait3A_228] : memref<4x2048x1024xf32, #tpu.memory_space<hbm>> -> memref<1x32x1024xf32, #tpu.memory_space<hbm>>
    %dma_wait3A_230 = tpu.memref_squeeze %dma_wait3A_229 : memref<1x32x1024xf32, #tpu.memory_space<hbm>> -> memref<32x1024xf32, #tpu.memory_space<hbm>>
    tpu.wait_dma2 semaphore(%arg14 : memref<!tpu.dma_semaphore, #tpu.memory_space<semaphore_mem>>) src(%arg8 : memref<32x1024xf32, #tpu.memory_space<vmem>>) dst(%dma_wait3A_230 : memref<32x1024xf32, #tpu.memory_space<hbm>>)
    %dma_start3A_231 = arith.constant 224 : i32
    %dma_start3A_232 = tpu.memref_slice %arg6[%dma_start3A_231] : memref<256xi32, #tpu.memory_space<vmem>> -> memref<32xi32, #tpu.memory_space<vmem>>
    %dma_start3A_233 = arith.constant 0 : i32
    %dma_start3A_234 = arith.constant 0 : i32
    %dma_start3A_235 = tpu.memref_slice %arg3[%dma_start3A_233, %dma_start3A_234] : memref<100000x1024xf32, #tpu.memory_space<hbm>> -> memref<100000x1024xf32, #tpu.memory_space<hbm>>
    tpu.enqueue_indirect_dma source(%dma_start3A_235 : memref<100000x1024xf32, #tpu.memory_space<hbm>>) target(%arg8 : memref<32x1024xf32, #tpu.memory_space<vmem>>) offsets(%dma_start3A_232 : memref<32xi32, #tpu.memory_space<vmem>>) semaphore(%arg12 : memref<!tpu.dma_semaphore, #tpu.memory_space<semaphore_mem>>)
    %dma_wait3A_236 = arith.constant 192 : i32
    %dma_wait3A_237 = tpu.memref_slice %arg6[%dma_wait3A_236] : memref<256xi32, #tpu.memory_space<vmem>> -> memref<32xi32, #tpu.memory_space<vmem>>
    %dma_wait3A_238 = arith.constant 0 : i32
    %dma_wait3A_239 = arith.constant 0 : i32
    %dma_wait3A_240 = tpu.memref_slice %arg3[%dma_wait3A_238, %dma_wait3A_239] : memref<100000x1024xf32, #tpu.memory_space<hbm>> -> memref<100000x1024xf32, #tpu.memory_space<hbm>>
    tpu.wait_indirect_dma semaphore(%arg11 : memref<!tpu.dma_semaphore, #tpu.memory_space<semaphore_mem>>) src(%dma_wait3A_240 : memref<100000x1024xf32, #tpu.memory_space<hbm>>) dst(%arg7 : memref<32x1024xf32, #tpu.memory_space<vmem>>)
    %add3A_241 = arith.constant 192 : i32
    %add3A_242 = arith.addi %mul3A_32, %add3A_241 : i32
    %dma_start3A_243 = arith.constant 0 : i32
    %dma_start3A_244 = tpu.memref_slice %arg5[%select_n3A, %add3A_242, %dma_start3A_243] : memref<4x2048x1024xf32, #tpu.memory_space<hbm>> -> memref<1x32x1024xf32, #tpu.memory_space<hbm>>
    %dma_start3A_245 = tpu.memref_squeeze %dma_start3A_244 : memref<1x32x1024xf32, #tpu.memory_space<hbm>> -> memref<32x1024xf32, #tpu.memory_space<hbm>>
    %dma_start3A_246 = arith.constant 0 : i32
    %dma_start3A_247 = tpu.memref_slice %arg5[%select_n3A, %add3A_242, %dma_start3A_246] : memref<4x2048x1024xf32, #tpu.memory_space<hbm>> -> memref<1x32x1024xf32, #tpu.memory_space<hbm>>
    %dma_start3A_248 = tpu.memref_squeeze %dma_start3A_247 : memref<1x32x1024xf32, #tpu.memory_space<hbm>> -> memref<32x1024xf32, #tpu.memory_space<hbm>>
    tpu.enqueue_dma source(%arg7 : memref<32x1024xf32, #tpu.memory_space<vmem>>) target(%dma_start3A_248 : memref<32x1024xf32, #tpu.memory_space<hbm>>) target_semaphore(%arg13 : memref<!tpu.dma_semaphore, #tpu.memory_space<semaphore_mem>>)
    %dma_wait3A_249 = arith.constant 224 : i32
    %dma_wait3A_250 = tpu.memref_slice %arg6[%dma_wait3A_249] : memref<256xi32, #tpu.memory_space<vmem>> -> memref<32xi32, #tpu.memory_space<vmem>>
    %dma_wait3A_251 = arith.constant 0 : i32
    %dma_wait3A_252 = arith.constant 0 : i32
    %dma_wait3A_253 = tpu.memref_slice %arg3[%dma_wait3A_251, %dma_wait3A_252] : memref<100000x1024xf32, #tpu.memory_space<hbm>> -> memref<100000x1024xf32, #tpu.memory_space<hbm>>
    tpu.wait_indirect_dma semaphore(%arg12 : memref<!tpu.dma_semaphore, #tpu.memory_space<semaphore_mem>>) src(%dma_wait3A_253 : memref<100000x1024xf32, #tpu.memory_space<hbm>>) dst(%arg8 : memref<32x1024xf32, #tpu.memory_space<vmem>>)
    %add3A_254 = arith.constant 224 : i32
    %add3A_255 = arith.addi %mul3A_32, %add3A_254 : i32
    %dma_start3A_256 = arith.constant 0 : i32
    %dma_start3A_257 = tpu.memref_slice %arg5[%select_n3A, %add3A_255, %dma_start3A_256] : memref<4x2048x1024xf32, #tpu.memory_space<hbm>> -> memref<1x32x1024xf32, #tpu.memory_space<hbm>>
    %dma_start3A_258 = tpu.memref_squeeze %dma_start3A_257 : memref<1x32x1024xf32, #tpu.memory_space<hbm>> -> memref<32x1024xf32, #tpu.memory_space<hbm>>
    %dma_start3A_259 = arith.constant 0 : i32
    %dma_start3A_260 = tpu.memref_slice %arg5[%select_n3A, %add3A_255, %dma_start3A_259] : memref<4x2048x1024xf32, #tpu.memory_space<hbm>> -> memref<1x32x1024xf32, #tpu.memory_space<hbm>>
    %dma_start3A_261 = tpu.memref_squeeze %dma_start3A_260 : memref<1x32x1024xf32, #tpu.memory_space<hbm>> -> memref<32x1024xf32, #tpu.memory_space<hbm>>
    tpu.enqueue_dma source(%arg8 : memref<32x1024xf32, #tpu.memory_space<vmem>>) target(%dma_start3A_261 : memref<32x1024xf32, #tpu.memory_space<hbm>>) target_semaphore(%arg14 : memref<!tpu.dma_semaphore, #tpu.memory_space<semaphore_mem>>)
    %dma_wait3A_262 = arith.constant 0 : i32
    %dma_wait3A_263 = tpu.memref_slice %arg5[%select_n3A, %add3A_242, %dma_wait3A_262] : memref<4x2048x1024xf32, #tpu.memory_space<hbm>> -> memref<1x32x1024xf32, #tpu.memory_space<hbm>>
    %dma_wait3A_264 = tpu.memref_squeeze %dma_wait3A_263 : memref<1x32x1024xf32, #tpu.memory_space<hbm>> -> memref<32x1024xf32, #tpu.memory_space<hbm>>
    %dma_wait3A_265 = arith.constant 0 : i32
    %dma_wait3A_266 = tpu.memref_slice %arg5[%select_n3A, %add3A_242, %dma_wait3A_265] : memref<4x2048x1024xf32, #tpu.memory_space<hbm>> -> memref<1x32x1024xf32, #tpu.memory_space<hbm>>
    %dma_wait3A_267 = tpu.memref_squeeze %dma_wait3A_266 : memref<1x32x1024xf32, #tpu.memory_space<hbm>> -> memref<32x1024xf32, #tpu.memory_space<hbm>>
    tpu.wait_dma2 semaphore(%arg13 : memref<!tpu.dma_semaphore, #tpu.memory_space<semaphore_mem>>) src(%arg7 : memref<32x1024xf32, #tpu.memory_space<vmem>>) dst(%dma_wait3A_267 : memref<32x1024xf32, #tpu.memory_space<hbm>>)
    %dma_wait3A_268 = arith.constant 0 : i32
    %dma_wait3A_269 = tpu.memref_slice %arg5[%select_n3A, %add3A_255, %dma_wait3A_268] : memref<4x2048x1024xf32, #tpu.memory_space<hbm>> -> memref<1x32x1024xf32, #tpu.memory_space<hbm>>
    %dma_wait3A_270 = tpu.memref_squeeze %dma_wait3A_269 : memref<1x32x1024xf32, #tpu.memory_space<hbm>> -> memref<32x1024xf32, #tpu.memory_space<hbm>>
    %dma_wait3A_271 = arith.constant 0 : i32
    %dma_wait3A_272 = tpu.memref_slice %arg5[%select_n3A, %add3A_255, %dma_wait3A_271] : memref<4x2048x1024xf32, #tpu.memory_space<hbm>> -> memref<1x32x1024xf32, #tpu.memory_space<hbm>>
    %dma_wait3A_273 = tpu.memref_squeeze %dma_wait3A_272 : memref<1x32x1024xf32, #tpu.memory_space<hbm>> -> memref<32x1024xf32, #tpu.memory_space<hbm>>
    tpu.wait_dma2 semaphore(%arg14 : memref<!tpu.dma_semaphore, #tpu.memory_space<semaphore_mem>>) src(%arg8 : memref<32x1024xf32, #tpu.memory_space<vmem>>) dst(%dma_wait3A_273 : memref<32x1024xf32, #tpu.memory_space<hbm>>)
    %eq3A_274 = arith.constant 0 : i32
    %eq3A_275 = arith.cmpi eq, %add3A, %eq3A_274 : i32
    %convert_element_type3A_276 = arith.extui %eq3A_275 : i1 to i32
    %cond3A_277 = arith.constant 0 : i32
    %cond3A_278 = arith.cmpi ne, %convert_element_type3A_276, %cond3A_277 : i32
    scf.if %cond3A_278 {
      %add3A_314 = arith.constant 0 : i32
      %add3A_315 = vector.broadcast %add3A_314 : i32 to vector<16xi32>
      %add3A_316 = arith.addi %iota3A, %add3A_315 : vector<16xi32>
      %min3A = arith.constant 19 : i32
      %min3A_317 = vector.broadcast %min3A : i32 to vector<16xi32>
      %min3A_318 = arith.minsi %add3A_316, %min3A_317 : vector<16xi32>
      %add3A_319 = arith.constant 1 : i32
      %add3A_320 = vector.broadcast %add3A_319 : i32 to vector<16xi32>
      %add3A_321 = arith.addi %add3A_320, %min3A_318 : vector<16xi32>
      %dma_wait3A_322 = arith.constant 0 : i32
      %dma_wait3A_323 = arith.constant 0 : i32
      %dma_wait3A_324 = arith.constant 0 : i32
      %dma_wait3A_325 = tpu.memref_slice %arg9[%dma_wait3A_323, %dma_wait3A_324] : memref<24x1024xf32, #tpu.memory_space<vmem>> -> memref<16x1024xf32, #tpu.memory_space<vmem>>
      %dma_wait3A_326 = arith.constant 0 : i32
      %dma_wait3A_327 = arith.constant 0 : i32
      %dma_wait3A_328 = tpu.memref_slice %arg5[%dma_wait3A_322, %dma_wait3A_326, %dma_wait3A_327] : memref<4x2048x1024xf32, #tpu.memory_space<hbm>> -> memref<1x2048x1024xf32, #tpu.memory_space<hbm>>
      %dma_wait3A_329 = tpu.memref_squeeze %dma_wait3A_328 : memref<1x2048x1024xf32, #tpu.memory_space<hbm>> -> memref<2048x1024xf32, #tpu.memory_space<hbm>>
      %dma_wait3A_330 = arith.constant 0 : i32
      %dma_wait3A_331 = arith.constant 0 : i32
      %dma_wait3A_332 = tpu.memref_slice %dma_wait3A_329[%dma_wait3A_330, %dma_wait3A_331] : memref<2048x1024xf32, #tpu.memory_space<hbm>> -> memref<2048x1024xf32, #tpu.memory_space<hbm>>
      tpu.wait_indirect_dma semaphore(%arg17 : memref<!tpu.dma_semaphore, #tpu.memory_space<semaphore_mem>>) src(%dma_wait3A_325 : memref<16x1024xf32, #tpu.memory_space<vmem>>) dst(%dma_wait3A_332 : memref<2048x1024xf32, #tpu.memory_space<hbm>>)
      %add3A_333 = arith.constant 8 : i32
      %add3A_334 = vector.broadcast %add3A_333 : i32 to vector<16xi32>
      %add3A_335 = arith.addi %iota3A, %add3A_334 : vector<16xi32>
      %min3A_336 = arith.constant 19 : i32
      %min3A_337 = vector.broadcast %min3A_336 : i32 to vector<16xi32>
      %min3A_338 = arith.minsi %add3A_335, %min3A_337 : vector<16xi32>
      %add3A_339 = arith.constant 1 : i32
      %add3A_340 = vector.broadcast %add3A_339 : i32 to vector<16xi32>
      %add3A_341 = arith.addi %add3A_340, %min3A_338 : vector<16xi32>
      %dma_wait3A_342 = arith.constant 0 : i32
      %dma_wait3A_343 = arith.constant 8 : i32
      %dma_wait3A_344 = arith.constant 0 : i32
      %dma_wait3A_345 = tpu.memref_slice %arg9[%dma_wait3A_343, %dma_wait3A_344] : memref<24x1024xf32, #tpu.memory_space<vmem>> -> memref<16x1024xf32, #tpu.memory_space<vmem>>
      %dma_wait3A_346 = arith.constant 0 : i32
      %dma_wait3A_347 = arith.constant 0 : i32
      %dma_wait3A_348 = tpu.memref_slice %arg5[%dma_wait3A_342, %dma_wait3A_346, %dma_wait3A_347] : memref<4x2048x1024xf32, #tpu.memory_space<hbm>> -> memref<1x2048x1024xf32, #tpu.memory_space<hbm>>
      %dma_wait3A_349 = tpu.memref_squeeze %dma_wait3A_348 : memref<1x2048x1024xf32, #tpu.memory_space<hbm>> -> memref<2048x1024xf32, #tpu.memory_space<hbm>>
      %dma_wait3A_350 = arith.constant 0 : i32
      %dma_wait3A_351 = arith.constant 0 : i32
      %dma_wait3A_352 = tpu.memref_slice %dma_wait3A_349[%dma_wait3A_350, %dma_wait3A_351] : memref<2048x1024xf32, #tpu.memory_space<hbm>> -> memref<2048x1024xf32, #tpu.memory_space<hbm>>
      tpu.wait_indirect_dma semaphore(%arg18 : memref<!tpu.dma_semaphore, #tpu.memory_space<semaphore_mem>>) src(%dma_wait3A_345 : memref<16x1024xf32, #tpu.memory_space<vmem>>) dst(%dma_wait3A_352 : memref<2048x1024xf32, #tpu.memory_space<hbm>>)
    } else {
    }
    %eq3A_279 = arith.constant 8 : i32
    %eq3A_280 = arith.cmpi eq, %add3A, %eq3A_279 : i32
    %convert_element_type3A_281 = arith.extui %eq3A_280 : i1 to i32
    %cond3A_282 = arith.constant 0 : i32
    %cond3A_283 = arith.cmpi ne, %convert_element_type3A_281, %cond3A_282 : i32
    scf.if %cond3A_283 {
      %add3A_314 = arith.constant 0 : i32
      %add3A_315 = vector.broadcast %add3A_314 : i32 to vector<16xi32>
      %add3A_316 = arith.addi %iota3A, %add3A_315 : vector<16xi32>
      %min3A = arith.constant 19 : i32
      %min3A_317 = vector.broadcast %min3A : i32 to vector<16xi32>
      %min3A_318 = arith.minsi %add3A_316, %min3A_317 : vector<16xi32>
      %add3A_319 = arith.constant 1 : i32
      %add3A_320 = vector.broadcast %add3A_319 : i32 to vector<16xi32>
      %add3A_321 = arith.addi %add3A_320, %min3A_318 : vector<16xi32>
      %dma_wait3A_322 = arith.constant 1 : i32
      %dma_wait3A_323 = arith.constant 0 : i32
      %dma_wait3A_324 = arith.constant 0 : i32
      %dma_wait3A_325 = tpu.memref_slice %arg9[%dma_wait3A_323, %dma_wait3A_324] : memref<24x1024xf32, #tpu.memory_space<vmem>> -> memref<16x1024xf32, #tpu.memory_space<vmem>>
      %dma_wait3A_326 = arith.constant 0 : i32
      %dma_wait3A_327 = arith.constant 0 : i32
      %dma_wait3A_328 = tpu.memref_slice %arg5[%dma_wait3A_322, %dma_wait3A_326, %dma_wait3A_327] : memref<4x2048x1024xf32, #tpu.memory_space<hbm>> -> memref<1x2048x1024xf32, #tpu.memory_space<hbm>>
      %dma_wait3A_329 = tpu.memref_squeeze %dma_wait3A_328 : memref<1x2048x1024xf32, #tpu.memory_space<hbm>> -> memref<2048x1024xf32, #tpu.memory_space<hbm>>
      %dma_wait3A_330 = arith.constant 0 : i32
      %dma_wait3A_331 = arith.constant 0 : i32
      %dma_wait3A_332 = tpu.memref_slice %dma_wait3A_329[%dma_wait3A_330, %dma_wait3A_331] : memref<2048x1024xf32, #tpu.memory_space<hbm>> -> memref<2048x1024xf32, #tpu.memory_space<hbm>>
      tpu.wait_indirect_dma semaphore(%arg17 : memref<!tpu.dma_semaphore, #tpu.memory_space<semaphore_mem>>) src(%dma_wait3A_325 : memref<16x1024xf32, #tpu.memory_space<vmem>>) dst(%dma_wait3A_332 : memref<2048x1024xf32, #tpu.memory_space<hbm>>)
      %add3A_333 = arith.constant 8 : i32
      %add3A_334 = vector.broadcast %add3A_333 : i32 to vector<16xi32>
      %add3A_335 = arith.addi %iota3A, %add3A_334 : vector<16xi32>
      %min3A_336 = arith.constant 19 : i32
      %min3A_337 = vector.broadcast %min3A_336 : i32 to vector<16xi32>
      %min3A_338 = arith.minsi %add3A_335, %min3A_337 : vector<16xi32>
      %add3A_339 = arith.constant 1 : i32
      %add3A_340 = vector.broadcast %add3A_339 : i32 to vector<16xi32>
      %add3A_341 = arith.addi %add3A_340, %min3A_338 : vector<16xi32>
      %dma_wait3A_342 = arith.constant 1 : i32
      %dma_wait3A_343 = arith.constant 8 : i32
      %dma_wait3A_344 = arith.constant 0 : i32
      %dma_wait3A_345 = tpu.memref_slice %arg9[%dma_wait3A_343, %dma_wait3A_344] : memref<24x1024xf32, #tpu.memory_space<vmem>> -> memref<16x1024xf32, #tpu.memory_space<vmem>>
      %dma_wait3A_346 = arith.constant 0 : i32
      %dma_wait3A_347 = arith.constant 0 : i32
      %dma_wait3A_348 = tpu.memref_slice %arg5[%dma_wait3A_342, %dma_wait3A_346, %dma_wait3A_347] : memref<4x2048x1024xf32, #tpu.memory_space<hbm>> -> memref<1x2048x1024xf32, #tpu.memory_space<hbm>>
      %dma_wait3A_349 = tpu.memref_squeeze %dma_wait3A_348 : memref<1x2048x1024xf32, #tpu.memory_space<hbm>> -> memref<2048x1024xf32, #tpu.memory_space<hbm>>
      %dma_wait3A_350 = arith.constant 0 : i32
      %dma_wait3A_351 = arith.constant 0 : i32
      %dma_wait3A_352 = tpu.memref_slice %dma_wait3A_349[%dma_wait3A_350, %dma_wait3A_351] : memref<2048x1024xf32, #tpu.memory_space<hbm>> -> memref<2048x1024xf32, #tpu.memory_space<hbm>>
      tpu.wait_indirect_dma semaphore(%arg18 : memref<!tpu.dma_semaphore, #tpu.memory_space<semaphore_mem>>) src(%dma_wait3A_345 : memref<16x1024xf32, #tpu.memory_space<vmem>>) dst(%dma_wait3A_352 : memref<2048x1024xf32, #tpu.memory_space<hbm>>)
    } else {
    }
    %eq3A_284 = arith.constant 16 : i32
    %eq3A_285 = arith.cmpi eq, %add3A, %eq3A_284 : i32
    %convert_element_type3A_286 = arith.extui %eq3A_285 : i1 to i32
    %cond3A_287 = arith.constant 0 : i32
    %cond3A_288 = arith.cmpi ne, %convert_element_type3A_286, %cond3A_287 : i32
    scf.if %cond3A_288 {
      %add3A_314 = arith.constant 0 : i32
      %add3A_315 = vector.broadcast %add3A_314 : i32 to vector<16xi32>
      %add3A_316 = arith.addi %iota3A, %add3A_315 : vector<16xi32>
      %min3A = arith.constant 19 : i32
      %min3A_317 = vector.broadcast %min3A : i32 to vector<16xi32>
      %min3A_318 = arith.minsi %add3A_316, %min3A_317 : vector<16xi32>
      %add3A_319 = arith.constant 1 : i32
      %add3A_320 = vector.broadcast %add3A_319 : i32 to vector<16xi32>
      %add3A_321 = arith.addi %add3A_320, %min3A_318 : vector<16xi32>
      %dma_wait3A_322 = arith.constant 2 : i32
      %dma_wait3A_323 = arith.constant 0 : i32
      %dma_wait3A_324 = arith.constant 0 : i32
      %dma_wait3A_325 = tpu.memref_slice %arg9[%dma_wait3A_323, %dma_wait3A_324] : memref<24x1024xf32, #tpu.memory_space<vmem>> -> memref<16x1024xf32, #tpu.memory_space<vmem>>
      %dma_wait3A_326 = arith.constant 0 : i32
      %dma_wait3A_327 = arith.constant 0 : i32
      %dma_wait3A_328 = tpu.memref_slice %arg5[%dma_wait3A_322, %dma_wait3A_326, %dma_wait3A_327] : memref<4x2048x1024xf32, #tpu.memory_space<hbm>> -> memref<1x2048x1024xf32, #tpu.memory_space<hbm>>
      %dma_wait3A_329 = tpu.memref_squeeze %dma_wait3A_328 : memref<1x2048x1024xf32, #tpu.memory_space<hbm>> -> memref<2048x1024xf32, #tpu.memory_space<hbm>>
      %dma_wait3A_330 = arith.constant 0 : i32
      %dma_wait3A_331 = arith.constant 0 : i32
      %dma_wait3A_332 = tpu.memref_slice %dma_wait3A_329[%dma_wait3A_330, %dma_wait3A_331] : memref<2048x1024xf32, #tpu.memory_space<hbm>> -> memref<2048x1024xf32, #tpu.memory_space<hbm>>
      tpu.wait_indirect_dma semaphore(%arg17 : memref<!tpu.dma_semaphore, #tpu.memory_space<semaphore_mem>>) src(%dma_wait3A_325 : memref<16x1024xf32, #tpu.memory_space<vmem>>) dst(%dma_wait3A_332 : memref<2048x1024xf32, #tpu.memory_space<hbm>>)
      %add3A_333 = arith.constant 8 : i32
      %add3A_334 = vector.broadcast %add3A_333 : i32 to vector<16xi32>
      %add3A_335 = arith.addi %iota3A, %add3A_334 : vector<16xi32>
      %min3A_336 = arith.constant 19 : i32
      %min3A_337 = vector.broadcast %min3A_336 : i32 to vector<16xi32>
      %min3A_338 = arith.minsi %add3A_335, %min3A_337 : vector<16xi32>
      %add3A_339 = arith.constant 1 : i32
      %add3A_340 = vector.broadcast %add3A_339 : i32 to vector<16xi32>
      %add3A_341 = arith.addi %add3A_340, %min3A_338 : vector<16xi32>
      %dma_wait3A_342 = arith.constant 2 : i32
      %dma_wait3A_343 = arith.constant 8 : i32
      %dma_wait3A_344 = arith.constant 0 : i32
      %dma_wait3A_345 = tpu.memref_slice %arg9[%dma_wait3A_343, %dma_wait3A_344] : memref<24x1024xf32, #tpu.memory_space<vmem>> -> memref<16x1024xf32, #tpu.memory_space<vmem>>
      %dma_wait3A_346 = arith.constant 0 : i32
      %dma_wait3A_347 = arith.constant 0 : i32
      %dma_wait3A_348 = tpu.memref_slice %arg5[%dma_wait3A_342, %dma_wait3A_346, %dma_wait3A_347] : memref<4x2048x1024xf32, #tpu.memory_space<hbm>> -> memref<1x2048x1024xf32, #tpu.memory_space<hbm>>
      %dma_wait3A_349 = tpu.memref_squeeze %dma_wait3A_348 : memref<1x2048x1024xf32, #tpu.memory_space<hbm>> -> memref<2048x1024xf32, #tpu.memory_space<hbm>>
      %dma_wait3A_350 = arith.constant 0 : i32
      %dma_wait3A_351 = arith.constant 0 : i32
      %dma_wait3A_352 = tpu.memref_slice %dma_wait3A_349[%dma_wait3A_350, %dma_wait3A_351] : memref<2048x1024xf32, #tpu.memory_space<hbm>> -> memref<2048x1024xf32, #tpu.memory_space<hbm>>
      tpu.wait_indirect_dma semaphore(%arg18 : memref<!tpu.dma_semaphore, #tpu.memory_space<semaphore_mem>>) src(%dma_wait3A_345 : memref<16x1024xf32, #tpu.memory_space<vmem>>) dst(%dma_wait3A_352 : memref<2048x1024xf32, #tpu.memory_space<hbm>>)
    } else {
    }
    %eq3A_289 = arith.constant 24 : i32
    %eq3A_290 = arith.cmpi eq, %add3A, %eq3A_289 : i32
    %convert_element_type3A_291 = arith.extui %eq3A_290 : i1 to i32
    %cond3A_292 = arith.constant 0 : i32
    %cond3A_293 = arith.cmpi ne, %convert_element_type3A_291, %cond3A_292 : i32
    scf.if %cond3A_293 {
      %add3A_314 = arith.constant 0 : i32
      %add3A_315 = vector.broadcast %add3A_314 : i32 to vector<16xi32>
      %add3A_316 = arith.addi %iota3A, %add3A_315 : vector<16xi32>
      %min3A = arith.constant 19 : i32
      %min3A_317 = vector.broadcast %min3A : i32 to vector<16xi32>
      %min3A_318 = arith.minsi %add3A_316, %min3A_317 : vector<16xi32>
      %add3A_319 = arith.constant 1 : i32
      %add3A_320 = vector.broadcast %add3A_319 : i32 to vector<16xi32>
      %add3A_321 = arith.addi %add3A_320, %min3A_318 : vector<16xi32>
      %dma_wait3A_322 = arith.constant 3 : i32
      %dma_wait3A_323 = arith.constant 0 : i32
      %dma_wait3A_324 = arith.constant 0 : i32
      %dma_wait3A_325 = tpu.memref_slice %arg9[%dma_wait3A_323, %dma_wait3A_324] : memref<24x1024xf32, #tpu.memory_space<vmem>> -> memref<16x1024xf32, #tpu.memory_space<vmem>>
      %dma_wait3A_326 = arith.constant 0 : i32
      %dma_wait3A_327 = arith.constant 0 : i32
      %dma_wait3A_328 = tpu.memref_slice %arg5[%dma_wait3A_322, %dma_wait3A_326, %dma_wait3A_327] : memref<4x2048x1024xf32, #tpu.memory_space<hbm>> -> memref<1x2048x1024xf32, #tpu.memory_space<hbm>>
      %dma_wait3A_329 = tpu.memref_squeeze %dma_wait3A_328 : memref<1x2048x1024xf32, #tpu.memory_space<hbm>> -> memref<2048x1024xf32, #tpu.memory_space<hbm>>
      %dma_wait3A_330 = arith.constant 0 : i32
      %dma_wait3A_331 = arith.constant 0 : i32
      %dma_wait3A_332 = tpu.memref_slice %dma_wait3A_329[%dma_wait3A_330, %dma_wait3A_331] : memref<2048x1024xf32, #tpu.memory_space<hbm>> -> memref<2048x1024xf32, #tpu.memory_space<hbm>>
      tpu.wait_indirect_dma semaphore(%arg17 : memref<!tpu.dma_semaphore, #tpu.memory_space<semaphore_mem>>) src(%dma_wait3A_325 : memref<16x1024xf32, #tpu.memory_space<vmem>>) dst(%dma_wait3A_332 : memref<2048x1024xf32, #tpu.memory_space<hbm>>)
      %add3A_333 = arith.constant 8 : i32
      %add3A_334 = vector.broadcast %add3A_333 : i32 to vector<16xi32>
      %add3A_335 = arith.addi %iota3A, %add3A_334 : vector<16xi32>
      %min3A_336 = arith.constant 19 : i32
      %min3A_337 = vector.broadcast %min3A_336 : i32 to vector<16xi32>
      %min3A_338 = arith.minsi %add3A_335, %min3A_337 : vector<16xi32>
      %add3A_339 = arith.constant 1 : i32
      %add3A_340 = vector.broadcast %add3A_339 : i32 to vector<16xi32>
      %add3A_341 = arith.addi %add3A_340, %min3A_338 : vector<16xi32>
      %dma_wait3A_342 = arith.constant 3 : i32
      %dma_wait3A_343 = arith.constant 8 : i32
      %dma_wait3A_344 = arith.constant 0 : i32
      %dma_wait3A_345 = tpu.memref_slice %arg9[%dma_wait3A_343, %dma_wait3A_344] : memref<24x1024xf32, #tpu.memory_space<vmem>> -> memref<16x1024xf32, #tpu.memory_space<vmem>>
      %dma_wait3A_346 = arith.constant 0 : i32
      %dma_wait3A_347 = arith.constant 0 : i32
      %dma_wait3A_348 = tpu.memref_slice %arg5[%dma_wait3A_342, %dma_wait3A_346, %dma_wait3A_347] : memref<4x2048x1024xf32, #tpu.memory_space<hbm>> -> memref<1x2048x1024xf32, #tpu.memory_space<hbm>>
      %dma_wait3A_349 = tpu.memref_squeeze %dma_wait3A_348 : memref<1x2048x1024xf32, #tpu.memory_space<hbm>> -> memref<2048x1024xf32, #tpu.memory_space<hbm>>
      %dma_wait3A_350 = arith.constant 0 : i32
      %dma_wait3A_351 = arith.constant 0 : i32
      %dma_wait3A_352 = tpu.memref_slice %dma_wait3A_349[%dma_wait3A_350, %dma_wait3A_351] : memref<2048x1024xf32, #tpu.memory_space<hbm>> -> memref<2048x1024xf32, #tpu.memory_space<hbm>>
      tpu.wait_indirect_dma semaphore(%arg18 : memref<!tpu.dma_semaphore, #tpu.memory_space<semaphore_mem>>) src(%dma_wait3A_345 : memref<16x1024xf32, #tpu.memory_space<vmem>>) dst(%dma_wait3A_352 : memref<2048x1024xf32, #tpu.memory_space<hbm>>)
    } else {
    }
    %eq3A_294 = arith.constant 0 : i32
    %eq3A_295 = arith.cmpi eq, %add3A, %eq3A_294 : i32
    %convert_element_type3A_296 = arith.extui %eq3A_295 : i1 to i32
    %cond3A_297 = arith.constant 0 : i32
    %cond3A_298 = arith.cmpi ne, %convert_element_type3A_296, %cond3A_297 : i32
    scf.if %cond3A_298 {
      %eq3A_314 = arith.constant 0 : i32
      %eq3A_315 = vector.broadcast %eq3A_314 : i32 to vector<16xi32>
      %eq3A_316 = arith.cmpi eq, %iota3A, %eq3A_315 : vector<16xi32>
      %add3A_317 = arith.constant 20 : i32
      %add3A_318 = vector.broadcast %add3A_317 : i32 to vector<16xi32>
      %add3A_319 = arith.addi %iota3A, %add3A_318 : vector<16xi32>
      %min3A = arith.constant 31 : i32
      %min3A_320 = vector.broadcast %min3A : i32 to vector<16xi32>
      %min3A_321 = arith.minsi %add3A_319, %min3A_320 : vector<16xi32>
      %jit3A_322 = arith.constant 0 : i32
      %broadcast_in_dim3A = vector.broadcast %jit3A_322 : i32 to vector<16xi32>
      %select_n3A_323 = arith.select %eq3A_316, %broadcast_in_dim3A, %min3A_321 : vector<16xi1>, vector<16xi32>
      %dma_wait3A_324 = arith.constant 0 : i32
      %dma_wait3A_325 = arith.constant 0 : i32
      %dma_wait3A_326 = arith.constant 0 : i32
      %dma_wait3A_327 = tpu.memref_slice %arg5[%dma_wait3A_324, %dma_wait3A_325, %dma_wait3A_326] : memref<4x2048x1024xf32, #tpu.memory_space<hbm>> -> memref<1x2048x1024xf32, #tpu.memory_space<hbm>>
      %dma_wait3A_328 = tpu.memref_squeeze %dma_wait3A_327 : memref<1x2048x1024xf32, #tpu.memory_space<hbm>> -> memref<2048x1024xf32, #tpu.memory_space<hbm>>
      %dma_wait3A_329 = arith.constant 0 : i32
      %dma_wait3A_330 = arith.constant 0 : i32
      %dma_wait3A_331 = tpu.memref_slice %dma_wait3A_328[%dma_wait3A_329, %dma_wait3A_330] : memref<2048x1024xf32, #tpu.memory_space<hbm>> -> memref<2048x1024xf32, #tpu.memory_space<hbm>>
      tpu.wait_indirect_dma semaphore(%arg20 : memref<!tpu.dma_semaphore, #tpu.memory_space<semaphore_mem>>) src(%arg10 : memref<16x1024xf32, #tpu.memory_space<vmem>>) dst(%dma_wait3A_331 : memref<2048x1024xf32, #tpu.memory_space<hbm>>)
    } else {
    }
    %eq3A_299 = arith.constant 8 : i32
    %eq3A_300 = arith.cmpi eq, %add3A, %eq3A_299 : i32
    %convert_element_type3A_301 = arith.extui %eq3A_300 : i1 to i32
    %cond3A_302 = arith.constant 0 : i32
    %cond3A_303 = arith.cmpi ne, %convert_element_type3A_301, %cond3A_302 : i32
    scf.if %cond3A_303 {
      %eq3A_314 = arith.constant 0 : i32
      %eq3A_315 = vector.broadcast %eq3A_314 : i32 to vector<16xi32>
      %eq3A_316 = arith.cmpi eq, %iota3A, %eq3A_315 : vector<16xi32>
      %add3A_317 = arith.constant 20 : i32
      %add3A_318 = vector.broadcast %add3A_317 : i32 to vector<16xi32>
      %add3A_319 = arith.addi %iota3A, %add3A_318 : vector<16xi32>
      %min3A = arith.constant 31 : i32
      %min3A_320 = vector.broadcast %min3A : i32 to vector<16xi32>
      %min3A_321 = arith.minsi %add3A_319, %min3A_320 : vector<16xi32>
      %jit3A_322 = arith.constant 0 : i32
      %broadcast_in_dim3A = vector.broadcast %jit3A_322 : i32 to vector<16xi32>
      %select_n3A_323 = arith.select %eq3A_316, %broadcast_in_dim3A, %min3A_321 : vector<16xi1>, vector<16xi32>
      %dma_wait3A_324 = arith.constant 1 : i32
      %dma_wait3A_325 = arith.constant 0 : i32
      %dma_wait3A_326 = arith.constant 0 : i32
      %dma_wait3A_327 = tpu.memref_slice %arg5[%dma_wait3A_324, %dma_wait3A_325, %dma_wait3A_326] : memref<4x2048x1024xf32, #tpu.memory_space<hbm>> -> memref<1x2048x1024xf32, #tpu.memory_space<hbm>>
      %dma_wait3A_328 = tpu.memref_squeeze %dma_wait3A_327 : memref<1x2048x1024xf32, #tpu.memory_space<hbm>> -> memref<2048x1024xf32, #tpu.memory_space<hbm>>
      %dma_wait3A_329 = arith.constant 0 : i32
      %dma_wait3A_330 = arith.constant 0 : i32
      %dma_wait3A_331 = tpu.memref_slice %dma_wait3A_328[%dma_wait3A_329, %dma_wait3A_330] : memref<2048x1024xf32, #tpu.memory_space<hbm>> -> memref<2048x1024xf32, #tpu.memory_space<hbm>>
      tpu.wait_indirect_dma semaphore(%arg20 : memref<!tpu.dma_semaphore, #tpu.memory_space<semaphore_mem>>) src(%arg10 : memref<16x1024xf32, #tpu.memory_space<vmem>>) dst(%dma_wait3A_331 : memref<2048x1024xf32, #tpu.memory_space<hbm>>)
    } else {
    }
    %eq3A_304 = arith.constant 16 : i32
    %eq3A_305 = arith.cmpi eq, %add3A, %eq3A_304 : i32
    %convert_element_type3A_306 = arith.extui %eq3A_305 : i1 to i32
    %cond3A_307 = arith.constant 0 : i32
    %cond3A_308 = arith.cmpi ne, %convert_element_type3A_306, %cond3A_307 : i32
    scf.if %cond3A_308 {
      %eq3A_314 = arith.constant 0 : i32
      %eq3A_315 = vector.broadcast %eq3A_314 : i32 to vector<16xi32>
      %eq3A_316 = arith.cmpi eq, %iota3A, %eq3A_315 : vector<16xi32>
      %add3A_317 = arith.constant 20 : i32
      %add3A_318 = vector.broadcast %add3A_317 : i32 to vector<16xi32>
      %add3A_319 = arith.addi %iota3A, %add3A_318 : vector<16xi32>
      %min3A = arith.constant 31 : i32
      %min3A_320 = vector.broadcast %min3A : i32 to vector<16xi32>
      %min3A_321 = arith.minsi %add3A_319, %min3A_320 : vector<16xi32>
      %jit3A_322 = arith.constant 0 : i32
      %broadcast_in_dim3A = vector.broadcast %jit3A_322 : i32 to vector<16xi32>
      %select_n3A_323 = arith.select %eq3A_316, %broadcast_in_dim3A, %min3A_321 : vector<16xi1>, vector<16xi32>
      %dma_wait3A_324 = arith.constant 2 : i32
      %dma_wait3A_325 = arith.constant 0 : i32
      %dma_wait3A_326 = arith.constant 0 : i32
      %dma_wait3A_327 = tpu.memref_slice %arg5[%dma_wait3A_324, %dma_wait3A_325, %dma_wait3A_326] : memref<4x2048x1024xf32, #tpu.memory_space<hbm>> -> memref<1x2048x1024xf32, #tpu.memory_space<hbm>>
      %dma_wait3A_328 = tpu.memref_squeeze %dma_wait3A_327 : memref<1x2048x1024xf32, #tpu.memory_space<hbm>> -> memref<2048x1024xf32, #tpu.memory_space<hbm>>
      %dma_wait3A_329 = arith.constant 0 : i32
      %dma_wait3A_330 = arith.constant 0 : i32
      %dma_wait3A_331 = tpu.memref_slice %dma_wait3A_328[%dma_wait3A_329, %dma_wait3A_330] : memref<2048x1024xf32, #tpu.memory_space<hbm>> -> memref<2048x1024xf32, #tpu.memory_space<hbm>>
      tpu.wait_indirect_dma semaphore(%arg20 : memref<!tpu.dma_semaphore, #tpu.memory_space<semaphore_mem>>) src(%arg10 : memref<16x1024xf32, #tpu.memory_space<vmem>>) dst(%dma_wait3A_331 : memref<2048x1024xf32, #tpu.memory_space<hbm>>)
    } else {
    }
    %eq3A_309 = arith.constant 24 : i32
    %eq3A_310 = arith.cmpi eq, %add3A, %eq3A_309 : i32
    %convert_element_type3A_311 = arith.extui %eq3A_310 : i1 to i32
    %cond3A_312 = arith.constant 0 : i32
    %cond3A_313 = arith.cmpi ne, %convert_element_type3A_311, %cond3A_312 : i32
    scf.if %cond3A_313 {
      %eq3A_314 = arith.constant 0 : i32
      %eq3A_315 = vector.broadcast %eq3A_314 : i32 to vector<16xi32>
      %eq3A_316 = arith.cmpi eq, %iota3A, %eq3A_315 : vector<16xi32>
      %add3A_317 = arith.constant 20 : i32
      %add3A_318 = vector.broadcast %add3A_317 : i32 to vector<16xi32>
      %add3A_319 = arith.addi %iota3A, %add3A_318 : vector<16xi32>
      %min3A = arith.constant 31 : i32
      %min3A_320 = vector.broadcast %min3A : i32 to vector<16xi32>
      %min3A_321 = arith.minsi %add3A_319, %min3A_320 : vector<16xi32>
      %jit3A_322 = arith.constant 0 : i32
      %broadcast_in_dim3A = vector.broadcast %jit3A_322 : i32 to vector<16xi32>
      %select_n3A_323 = arith.select %eq3A_316, %broadcast_in_dim3A, %min3A_321 : vector<16xi1>, vector<16xi32>
      %dma_wait3A_324 = arith.constant 3 : i32
      %dma_wait3A_325 = arith.constant 0 : i32
      %dma_wait3A_326 = arith.constant 0 : i32
      %dma_wait3A_327 = tpu.memref_slice %arg5[%dma_wait3A_324, %dma_wait3A_325, %dma_wait3A_326] : memref<4x2048x1024xf32, #tpu.memory_space<hbm>> -> memref<1x2048x1024xf32, #tpu.memory_space<hbm>>
      %dma_wait3A_328 = tpu.memref_squeeze %dma_wait3A_327 : memref<1x2048x1024xf32, #tpu.memory_space<hbm>> -> memref<2048x1024xf32, #tpu.memory_space<hbm>>
      %dma_wait3A_329 = arith.constant 0 : i32
      %dma_wait3A_330 = arith.constant 0 : i32
      %dma_wait3A_331 = tpu.memref_slice %dma_wait3A_328[%dma_wait3A_329, %dma_wait3A_330] : memref<2048x1024xf32, #tpu.memory_space<hbm>> -> memref<2048x1024xf32, #tpu.memory_space<hbm>>
      tpu.wait_indirect_dma semaphore(%arg20 : memref<!tpu.dma_semaphore, #tpu.memory_space<semaphore_mem>>) src(%arg10 : memref<16x1024xf32, #tpu.memory_space<vmem>>) dst(%dma_wait3A_331 : memref<2048x1024xf32, #tpu.memory_space<hbm>>)
    } else {
    }
    return
  }
}

</mosaic_0001>

<sc_bundles>
// kernel: kernel.3.cloned.1.call-start
scs
__scs_entry_jumppad:
0x0: {  	(pc) =	sbr.rel $0x88, $3  }
0x1: {  	(tag) =	ssettag $0x0;
	lr =	simm.s32 $0x1  }
0x2: {  	[smem:$0x3F9E] =	sst lr;
	_ =	strace $0xD0000000  }
0x3: {  	_ = 	snop  }
0x4: {  	_ = 	snop  }
0x5: {  	_ = 	snop  }
0x6: {  	_ = 	snop  }
0x7: {  	_ = 	snop  }
__scs_overlays_trampoline_lowered:
0x8: {  	[smem:$0x3FAD] =	sst s0  }
0x9: {  	[smem:$0x3FAE] =	sst s1  }
0xa: {  	[smem:$0x3FAF] =	sst s2  }
0xb: {  	[smem:$0x3FB0] =	sst s3  }
0xc: {  	[smem:$0x3FB1] =	sst s4  }
0xd: {  	[smem:$0x3FB2] =	sst s5  }
0xe: {  	[smem:$0x3FB3] =	sst s6  }
0xf: {  	[smem:$0x3FB4] =	sst s7  }
0x10: {  	[smem:$0x3FB5] =	sst s8  }
0x11: {  	[smem:$0x3FB6] =	sst s9;
	s0 =	simm.s32 @!p0 $0x0  }
0x12: {  	s1 =	sld [smem:$0x3F9C];
	s0 =	simm.s32 @p0 $0x1  }
0x13: {  	[smem:$0x3FB7] =	sst s0;
	s0 =	simm.s32 @!p1 $0x0  }
0x14: {  	s2 =	sld [smem:$0x3F9B];
	s0 =	simm.s32 @p1 $0x1  }
0x15: {  	[smem:$0x3FB8] =	sst s0;
	s0 =	simm.s32 @!p2 $0x0  }
0x16: {  	s3 =	sld [smem:$0x3FDB];
	s0 =	simm.s32 @p2 $0x1  }
0x17: {  	s4 =	simm.s32 $0x1BF5;
	[smem:$0x3FBA] =	sst s0  }
0x18: {  	s0 =	sld [smem:$0x3F9D];
	_ =	swait.ge [sflag:s4], $0x0  }
0x19: {  	s7 =	sld [smem:$0x3F9E]  }
0x1a: {  	s8 =	sadd.s32 $0xFFFFE003, lr  }
0x1b: {  	s9 =	sadd.s32 $0xFFFFFEF7, lr;
	s5 =	simm.s32 $0xFFFFFFFF;
	p2 =	slt.u32 s8, $0xFFFFF086  }
0x1c: {  	p1 =	slt.u32 s9, $0xF7A;
	s5 =	simm.s32 @!p2 $0x0  }
0x1d: {  	s5 =	simm.s32 @p1 $0x1;
	p0 =	seq.s32 s7, s2  }
0x1e: {  	s7 =	smul.u32 @!p0 $0xF7A, s2;
	p2 =	seq.s32 @!p0 s5, $0x0  }
0x1f: {  	s9 =	smul.u32 $0xF7A, s1;
	s8 =	simm.s32 @!p0 $0x1BF5;
	p2 =	por !p2, p0  }
0x20: {  	[sflag:s8] =	ssyncset.s32 @!p0 $0xFFFFF086;
	s6 =	sadd.s32 @!p0 s3, s7;
	s7 =	simm.s32 @!p0 $0x108  }
0x21: {  	s3 =	sadd.s32 s3, s9;
	s6 =	sadd.s32 @!p0 $0x88, s6;
	s7 =	simm.s32 @p2 $0x1082  }
0x22: {  	[simem:s7], [sflag:s8] =	dma.local @!p0 [hbm:s6], $0xF7A  }
0x23: {  	s9 =	sor.u32 $0xD0000000, s2;
	s6 =	simm.s32 $0x108;
	_ =	swait.ge @!p0 [sflag:s8], $0x0  }
0x24: {  	s3 =	sadd.s32 $0x88, s3;
	s6 =	simm.s32 @!p1 $0x1082;
	[sflag:s4] =	ssyncset.s32 $0xFFFFF086  }
0x25: {  	[simem:s6], [sflag:s4] =	dma.local [hbm:s3], $0xF7A  }
0x26: {  	[smem:$0x3F9E] =	sst s1;
	(tag) =	ssettag s2;
	_ =	strace s9  }
0x27: {  	s1 =	sld [smem:$0x3FAE]  }
0x28: {  	s2 =	sld [smem:$0x3FAF]  }
0x29: {  	s4 =	sld [smem:$0x3FB1]  }
0x2a: {  	p0 =	seq.s32 s5, $0x0;
	s5 =	sld [smem:$0x3FB2]  }
0x2b: {  	s6 =	sld [smem:$0x3FB3]  }
0x2c: {  	s7 =	sld [smem:$0x3FB4]  }
0x2d: {  	s3 =	simm.s32 $0x108;
	s8 =	sld [smem:$0x3FB5]  }
0x2e: {  	s3 =	simm.s32 @!p0 $0x1082;
	s9 =	sld [smem:$0x3FB6]  }
0x2f: {  	lr =	sadd.s32 s0, s3;
	s0 =	sld [smem:$0x3FAD]  }
0x30: {  	s3 =	sld [smem:$0x3FB0]  }
0x31: {  	[smem:$0x3FB9] =	sst s10  }
0x32: {  	s10 =	sld [smem:$0x3FB7];
	_ =	sdelay $0x3  }
0x33: {  	p0 =	seq.s32 s10, $0x1;
	s10 =	sld [smem:$0x3FB9];
	_ =	sdelay $0x3  }
0x34: {  	[smem:$0x3FB9] =	sst s10  }
0x35: {  	s10 =	sld [smem:$0x3FB8];
	_ =	sdelay $0x3  }
0x36: {  	p1 =	seq.s32 s10, $0x1;
	s10 =	sld [smem:$0x3FB9];
	_ =	sdelay $0x3  }
0x37: {  	[smem:$0x3FB9] =	sst s10  }
0x38: {  	s10 =	sld [smem:$0x3FBA]  }
0x39: {  	_ = 	snop;
	(pc) =	sbr.ind lr, $3  }
0x3a: {  	_ = 	snop  }
0x3b: {  	_ = 	snop  }
0x3c: {  	p2 =	seq.s32 s10, $0x1;
	s10 =	sld [smem:$0x3FB9]  }
0x3d: {  	_ =	shalt  }
0x3e: {  	_ =	shalt  }
0x3f: {  	_ =	shalt  }
0x40: {  	_ =	shalt  }
0x41: {  	_ =	shalt  }
0x42: {  	_ =	shalt  }
0x43: {  	_ =	shalt  }
0x44: {  	_ =	shalt  }
0x45: {  	_ =	shalt  }
0x46: {  	_ =	shalt  }
0x47: {  	_ =	shalt  }
0x48: {  	_ =	shalt  }
0x49: {  	_ =	shalt  }
0x4a: {  	_ =	shalt  }
0x4b: {  	_ =	shalt  }
0x4c: {  	_ =	shalt  }
0x4d: {  	_ =	shalt  }
0x4e: {  	_ =	shalt  }
0x4f: {  	_ =	shalt  }
0x50: {  	_ =	shalt  }
0x51: {  	_ =	shalt  }
0x52: {  	_ =	shalt  }
0x53: {  	_ =	shalt  }
0x54: {  	_ =	shalt  }
0x55: {  	_ =	shalt  }
0x56: {  	_ =	shalt  }
0x57: {  	_ =	shalt  }
0x58: {  	_ =	shalt  }
0x59: {  	_ =	shalt  }
0x5a: {  	_ =	shalt  }
0x5b: {  	_ =	shalt  }
0x5c: {  	_ =	shalt  }
0x5d: {  	_ =	shalt  }
0x5e: {  	_ =	shalt  }
0x5f: {  	_ =	shalt  }
0x60: {  	_ =	shalt  }
0x61: {  	_ =	shalt  }
0x62: {  	_ =	shalt  }
0x63: {  	_ =	shalt  }
0x64: {  	_ =	shalt  }
0x65: {  	_ =	shalt  }
0x66: {  	_ =	shalt  }
0x67: {  	_ =	shalt  }
0x68: {  	_ =	shalt  }
0x69: {  	_ =	shalt  }
0x6a: {  	_ =	shalt  }
0x6b: {  	_ =	shalt  }
0x6c: {  	_ =	shalt  }
0x6d: {  	_ =	shalt  }
0x6e: {  	_ =	shalt  }
0x6f: {  	_ =	shalt  }
0x70: {  	_ =	shalt  }
0x71: {  	_ =	shalt  }
0x72: {  	_ =	shalt  }
0x73: {  	_ =	shalt  }
0x74: {  	_ =	shalt  }
0x75: {  	_ =	shalt  }
0x76: {  	_ =	shalt  }
0x77: {  	_ =	shalt  }
0x78: {  	_ =	shalt  }
0x79: {  	_ =	shalt  }
0x7a: {  	_ =	shalt  }
0x7b: {  	_ =	shalt  }
0x7c: {  	_ =	shalt  }
0x7d: {  	_ =	shalt  }
0x7e: {  	_ =	shalt  }
0x7f: {  	_ =	shalt  }
0x80: {  	_ =	shalt  }
0x81: {  	_ =	shalt  }
0x82: {  	_ =	shalt  }
0x83: {  	_ =	shalt  }
0x84: {  	_ =	shalt  }
0x85: {  	_ =	shalt  }
0x86: {  	_ =	shalt  }
0x87: {  	_ =	shalt  }
.Lfunc_end0:
.L_simem_size_0:
called_computation_lowered:
.L_overlay_start_0:
0x88: {  	s2 =	sld [smem:$0x3FD9]  }
0x89: {  	s3 =	sld [smem:$0x3FFE];
	_ =	sdelay $0x1  }
0x8a: {  	s1 =	srdreg.scid  }
0x8b: {  	s0 =	sand.u32 $0x1, s1  }
0x8c: {  	s17 =	sshll.u32 s0, $0xA;
	s2 =	sadd.s32 s3, s2  }
0x8d: {  	s2 =	sadd.s32 s2, s17  }
0x8e: {  	[smem:$0x3FC5] =	sst s2  }
0x8f: {  	_ = 	snop  }
0x90: {  	s2 =	sld [smem:$0x3FC9]  }
0x91: {  	s18 =	sld [smem:$0x3FC8]  }
0x92: {  	s4 =	sld [smem:$0x3FD0];
	(tm) =	ssettm $0x1  }
0x93: {  	s5 =	sld [smem:$0x3FFB];
	_ =	sdelay $0x3  }
0x94: {  	_ =	strace s5  }
0x95: {  	s5 =	sld [smem:$0x3FFC];
	_ =	sdelay $0x3  }
0x96: {  	_ =	strace s5  }
0x97: {  	s5 =	sld [smem:$0x3FFD];
	_ =	sdelay $0x3  }
0x98: {  	_ =	strace s5  }
0x99: {  	_ =	strace $0x8FFFFFFF  }
0x9a: {  	s19 =	sld [smem:$0x3FDB];
	_ =	sdelay $0x1  }
0x9b: {  	s6 =	simm.s32 $_scs_section_size  }
0x9c: {  	s7 =	simm.s32 $_size__tile_overlayer_lowered;
	s8 =	simm.s32 $_tile_overlayer_lowered  }
0x9d: {  	s22 =	simm.s32 $0x1BFF;
	s21 =	sshll.u32 s8, $0x1;
	s5 =	sadd.s32 s6, s19  }
0x9e: {  	s9 =	simm.s32 $0x0;
	s20 =	sshll.u32 s7, $0x1;
	s7 =	sadd.s32 s21, s5  }
0x9f: {  	[timem:s9], [sflag:s22] =	dma.local [hbm:s7], s20  }
0xa0: {  	_ =	swait.ge [sflag:s22], s20  }
0xa1: {  	s6 =	ssub.s32 $0x0, s20;
	[sflag:s22] =	ssyncset.done $0x0  }
0xa2: {  	[sflag:s22] =	ssyncadd.s32 s6;
	_ =	sdelay $0x1  }
0xa3: {  	s23 =	simm.s32 $0x1B8B  }
0xa4: {  	_ =	swait.ge [sflag:s23], $0x1  }
0xa5: {  	[sflag:s23] =	ssyncset.done $0x0  }
0xa6: {  	s25 =	simm.s32 $0x1B8E;
	s24 =	sld [smem:$0x3FFE];
	[sflag:s23] =	ssyncadd.s32 $0xFFFFFFFF  }
0xa7: {  	s26 =	simm.s32 $execute0_lowered;
	[smem:$0x3FD2] =	sst s25  }
0xa8: {  	s7 =	sshll.u32 s26, $0x1;
	_ =	strace $0x80000046;
	[dreg:$0x1] =	wrdreg $0xFFFFFFFF  }
0xa9: {  	s28 =	simm.s32 $_size_execute0_lowered;
	s5 =	sadd.s32 s5, s7;
	[dreg:$0x0] =	wrdreg $0x0  }
0xaa: {  	s7 =	sshll.u32 s28, $0x1;
	[dreg:$0x2] =	wrdreg s5  }
0xab: {  	[dreg:$0x3] =	wrdreg s7  }
0xac: {  	[dreg:$0x4] =	wrdreg $0xC0  }
0xad: {  	_ =	task [dreg:s9], $0x5FFFF  }
0xae: {  	[dreg:$0x1] =	wrdreg $0xFFFFFFFF  }
0xaf: {  	[dreg:$0x0] =	wrdreg $0x60  }
0xb0: {  	[dreg:$0x2] =	wrdreg s2  }
0xb1: {  	[dreg:$0x3] =	wrdreg s18  }
0xb2: {  	[dreg:$0x4] =	wrdreg s24  }
0xb3: {  	[dreg:$0x5] =	wrdreg s4  }
0xb4: {  	[dreg:$0x6] =	wrdreg $0x9  }
0xb5: {  	_ =	task.clear_ibuf [dreg:s9], $0x7FFFF;
	_ =	strace $0x90000046  }
0xb6: {  	s29 =	simm.s32 $0x9;
	_ =	strace $0x80000048  }
0xb7: {  	_ =	swait.ge [sflag:s29], $0x1  }
0xb8: {  	[sflag:s29] =	ssyncadd.s32 $0xFFFFFFFF  }
0xb9: {  	_ =	strace $0x90000048  }
0xba: {  	_ =	sfence  }
0xbb: {  	s30 =	sld [smem:$0x0];
	_ =	sdelay $0x2  }
0xbc: {  	s31 =	sshll.u32 s1, $0xD;
	s1 =	sshrl.u32 s1, $0x2  }
0xbd: {  	s3 =	sand.u32 $0x4000, s31;
	s1 =	sadd.s32 s1, s30  }
0xbe: {  	s0 =	sor.u32 s3, s0;
	s1 =	sshll.u32 s1, $0x11  }
0xbf: {  	s0 =	sor.u32 s1, s0  }
0xc0: {  	s0 =	sadd.s32 $0x8F2B, s0  }
0xc1: {  	[sflag:s0] =	ssyncadd.remote.s32 $0x1  }
0xc2: {  	_ =	sfence.sel $0xFFFF  }
0xc3: {  	[dreg:$0x0] =	wrdreg $0xFFFFFFFF;
	(pc) =	sbr.abs _section_cstart, $3  }
0xc4: {  	[dreg:$0x1] =	wrdreg $0xFFFFFFFF  }
0xc5: {  	_ =	task.clear_ibuf [dreg:s9], $0x2FFFF;
	_ =	strace $0x9FFFFFFF  }
0xc6: {  	(tm) =	ssettm $0x7FFFFFFF  }
0xc7: {  	_ =	shalt  }
tec
execute0_lowered:
.L_overlay_start_1:
0x0: {  	(tag) =	ssettag $0x1  }
0x1: {  	s2 =	rddreg [dreg:$0x0]  }
0x2: {  	s1 =	rddreg [dreg:$0x1]  }
0x3: {  	s3 =	rddreg [dreg:$0x2]  }
0x4: {  	s0 =	srdreg.scid;
	s12 =	rddreg [dreg:$0x3]  }
0x5: {  	s6 =	stileid.u32;
	s4 =	simm.s32 $0x0;
	s8 =	simm.s32 $0x1  }
0x6: {  	s28 =	simm.s32 $0xB900;
	[smem:$0x7FF] =	sst s4;
	s21 =	sadd.s32 $0x400, s3  }
0x7: {  	s13 =	sadd.s32 $0x2800, s3;
	_ =	strace $0x80000047;
	[dreg:$0x5] =	wrdreg s21  }
0x8: {  	s29 =	simm.s32 $0xC100;
	s24 =	sadd.s32 $0x1C00, s3;
	[dreg:$0x6] =	wrdreg s13  }
0x9: {  	s30 =	simm.s32 $0x100;
	s25 =	sadd.s32 $0x1000, s3;
	[dreg:$0x7] =	wrdreg s24  }
0xa: {  	s5 =	sand.u32 $0x1, s0;
	s3 =	sadd.s32 $0x500, s3;
	[dreg:$0x8] =	wrdreg s25  }
0xb: {  	s7 =	sand.u32 $0x7, s6;
	s15 =	sadd.s32 $0x100, s12;
	[dreg:$0x9] =	wrdreg s3  }
0xc: {  	s14 =	sadd.s32 $0x300, s1;
	s16 =	sadd.s32 $0x200, s12;
	[dreg:$0x13] =	wrdreg s15  }
0xd: {  	s17 =	sadd.s32 $0x300, s12;
	s18 =	sadd.s32 $0x40000, s12;
	[dreg:$0x14] =	wrdreg s16  }
0xe: {  	s19 =	sadd.s32 $0x80000, s12;
	s20 =	sadd.s32 $0xC0000, s12;
	[dreg:$0x15] =	wrdreg s17  }
0xf: {  	v0 =	vimm.s32 $0x76543210;
	v1 =	vimm.s32 $0x43424140;
	v2 =	vimm.s32 $0x47464544;
	s0 =	sshll.u32 s5, $0x4;
	p0 =	sne.s32 s7, $0x0;
	[dreg:$0x16] =	wrdreg s18  }
0x10: {  	vm11 =	vcmask $0x1F10;
	vm12 =	vcmask $0xF00;
	v7 =	vlaneseq.u32;
	s5 =	ssub.s32 $0x2, s5;
	s23 =	sshll.u32 s7, $0x12;
	[dreg:$0x17] =	wrdreg s19  }
0x11: {  	vm13 =	vcmask $0x2F20;
	vm0 =	vmmov $0xffff;
	v0 =	vunpack.c.l.s4.s8 v0;
	s31 =	sshll.u32 s7, $0x7;
	s13 =	sadd.s32 $0x200, s1;
	[dreg:$0x18] =	wrdreg s20  }
0x12: {  	vm1 =	vcmask $0x3F30;
	v1 =	vunpack.c.0.s8.s32 v1;
	v2 =	vunpack.c.0.s8.s32 v2;
	s15 =	simm.s32 $0x11900;
	s19 =	simm.s32 $0x8100;
	s18 =	simm.s32 $0x9900  }
0x13: {  	vm2 =	vcmask $0x330;
	vm3 =	vcmask $0x730;
	s17 =	simm.s32 $0xC900;
	s20 =	simm.s32 $0xE100;
	s0 =	sor.u32 s6, s0;
	v0 =	vunpack.c.0.s8.s32 v0  }
0x14: {  	vm4 =	vcmask $0xB30;
	vm5 =	vcmask $0xF30;
	s16 =	simm.s32 $0xE900;
	s22 =	sshrl.u32 s5, $0x1;
	v3 =	vsel vm11, v2, v1;
	p1 =	seq.s32 s0, $0x0  }
0x15: {  	vm6 =	vcmask $0x1330;
	s9 =	sshrl.u32 s0, $0x3;
	s5 =	ssub.s32 s5, s22;
	p0 =	por !p0, !p1;
	v3 =	vcombine.low v0, v3;
	v0 =	vimm.s32 $0x83828180  }
0x16: {  	vm7 =	vcmask $0x1730;
	v1 =	vnsel vm12, $0x83, v1;
	p2 =	sgt.s32 s0, $0xF;
	s6 =	simm.s32 @!p1 $0x0;
	p0 =	por !p0, !p0;
	v4 =	vunpack.c.0.s8.s32 v0  }
0x17: {  	vm8 =	vcmask $0x1B30;
	v2 =	vsel vm11, v2, v1;
	p4 =	sne.s32 s0, $0x0;
	s6 =	simm.s32 @p1 $0x1;
	v0 =	vand.u32 $0x7, v7;
	s8 =	simm.s32 @!p0 $0x0  }
0x18: {  	v5 =	vshrl.u32 v7, $0x3;
	p1 =	seq.s32 s7, $0x0;
	s7 =	simm.s32 $0x12100;
	v6 =	vor.u32 $0x8, v0;
	s8 =	ssub.s32 s9, s8;
	v4 =	vsel vm13, v4, v2  }
0x19: {  	v2 =	vmul.u32 $0x8, v5;
	s10 =	sshll.u32 s8, $0xB;
	s11 =	sshll.u32 s8, $0x7;
	s8 =	sshll.u32 s8, $0x15;
	v8 =	vand.u32 $0xFF, v4;
	v4 =	vperm.xlane v3, v6  }
0x1a: {  	s10 =	sand.u32 $0xFFFFE000, s10;
	s11 =	sand.u32 $0x180, s11;
	s8 =	sor.u32 s23, s8;
	v5 =	vperm.xlane v8, v0;
	v6 =	vperm.xlane v8, v6;
	v8 =	vimm.s32 $0x7654321  }
0x1b: {  	vm9 =	vcmask $0x1B00;
	v10 =	vimm.s32 $0x44474645;
	[smem:$0x7FA] =	sst s6;
	s10 =	sor.u32 s11, s10;
	s26 =	sshrl.u32 s8, $0x3;
	v8 =	vunpack.c.l.s4.s8 v8  }
0x1c: {  	v9 =	vimm.s32 $0x40434241;
	v11 =	vimm.s32 $0x44434241;
	v10 =	vunpack.c.0.s8.s32 v10;
	p0 =	seq.s32 s0, $0x8;
	s10 =	sshrl.u32 s10, $0x3;
	s3 =	sadd.s32 s12, s26  }
0x1d: {  	vm10 =	vcmask $0x3B2C;
	v12 =	vimm.s32 $0xC3C2C1C0;
	s2 =	sadd.s32 s2, s10;
	s10 =	sadd.s32 $0x1000, s3;
	[dreg:$0xa] =	wrdreg s3;
	v8 =	vunpack.c.0.s8.s32 v8  }
0x1e: {  	v9 =	vunpack.c.0.s8.s32 v9;
	v12 =	vunpack.c.0.s8.s32 v12;
	v10 =	vand.u32 $0xFF, v10;
	s6 =	simm.s32 $0xD900;
	s21 =	sadd.s32 $0x2000, s3;
	[dreg:$0xb] =	wrdreg s10  }
0x1f: {  	v1 =	vperm.xlane v3, v0;
	s9 =	simm.s32 $0x13100;
	s22 =	sadd.s32 $0x3000, s3;
	[dreg:$0xd] =	wrdreg s21;
	v8 =	vnsel vm9, $0x80, v8;
	vm9 =	vcmask $0x2B1C  }
0x20: {  	s11 =	sadd.s32 $0x100, s1;
	s23 =	sadd.s32 $0x4000, s3;
	[dreg:$0xe] =	wrdreg s22;
	v8 =	vsel vm9, v9, v8;
	v9 =	vunpack.c.0.s8.s32 v11;
	v11 =	vimm.s32 $0x80474645  }
0x21: {  	v7 =	vor.u32 $0x8, v7;
	v3 =	vadd.s32 v2, v1;
	s8 =	simm.s32 $0xA900;
	s24 =	sadd.s32 $0x5000, s3;
	[dreg:$0xf] =	wrdreg s23;
	v11 =	vunpack.c.0.s8.s32 v11  }
0x22: {  	v4 =	vadd.s32 v2, v4;
	s26 =	smax.u32 s5, $0x1;
	s25 =	sadd.s32 $0x6000, s3;
	[dreg:$0x10] =	wrdreg s24;
	v8 =	vsel vm10, v10, v8;
	v9 =	vnsel vm12, $0x84, v9  }
0x23: {  	s5 =	simm.s32 $0xA100;
	s2 =	sadd.s32 s31, s2;
	[dreg:$0x11] =	wrdreg s25;
	v10 =	vimm.s32 $0x84838281;
	v9 =	vsel vm11, v11, v9;
	v11 =	vimm.s32 $0x87868500  }
0x24: {  	v5 =	vadd.s32 v2, v5;
	s31 =	sadd.s32 $0x7000, s3;
	[dreg:$0xc] =	wrdreg s2;
	s2 =	simm.s32 @!p0 $0x0;
	v10 =	vunpack.c.0.s8.s32 v10;
	v11 =	vunpack.c.0.s8.s32 v11  }
0x25: {  	v6 =	vadd.s32 v2, v6;
	s21 =	simm.s32 $0x16100;
	s2 =	simm.s32 @p0 $0x1;
	p0 =	seq.s32 s0, $0x10;
	vm9 =	vcmask $0x1F30;
	v63 =	vperm.xlane v8, v0  }
.Ltmp0:
0x26: {  	[smem:$0x7FB] =	sst s2;
	s2 =	simm.s32 @!p0 $0x0;
	v10 =	vsel vm13, v10, v9;
	v9 =	vnsel vm12, $0xC7, v11;
	v11 =	vimm.s32 $0xC7C6C5C4;
	(pc) =	sbr.rel .LBB2_1-.Ltmp0, $4  }
0x27: {  	s10 =	simm.s32 $0xD100;
	vm10 =	vcmask $0x2330;
	s2 =	simm.s32 @p0 $0x1;
	p0 =	seq.s32 s0, $0x18;
	v13 =	vperm.xlane v8, v7;
	v11 =	vunpack.c.0.s8.s32 v11  }
0x28: {  	s3 =	simm.s32 $0xF100;
	[dreg:$0x12] =	wrdreg s31;
	s0 =	simm.s32 @!p0 $0x0;
	v8 =	vadd.s32 v2, v63;
	v10 =	vand.u32 $0xFF, v10;
	v9 =	vsel vm11, v12, v9  }
0x29: {  	s24 =	simm.s32 $0xF900;
	[smem:$0x7FC] =	sst s2;
	s0 =	simm.s32 @p0 $0x1;
	vm12 =	vcmask $0x2B30;
	vm11 =	vcmask $0x2730;
	v11 =	vsel vm13, v11, v9  }
0x2a: {  	s22 =	simm.s32 $0x4;
	s23 =	simm.s32 $0x3;
	[smem:$0x7FD] =	sst s0;
	vm13 =	vmmov @!p1 $0xffff;
	v9 =	vadd.s32 v2, v13;
	v11 =	vand.u32 $0xFF, v11  }
.LBB2_27:
0x2b: {  	_ =	swait.ge [sflag:s22], $0x8000  }
0x2c: {  	[sflag:s22] =	ssyncset.done $0x0  }
0x2d: {  	[sflag:s22] =	ssyncadd.s32 $0xFFFF8000  }
0x2e: {  	v12 =	vld [tilespmem:$0x60];
	_ =	sdelay $0x4  }
0x2f: {  	v13 =	vshll.u32 v12, $0x3  }
0x30: {  	v12 =	vand.u32 $0x7, v12;
	v13 =	vand.u32 $0xFFFFFFC0, v13  }
0x31: {  	v12 =	vor.u32 v12, v13  }
0x32: {  	v13 =	vperm.xlane v12, v0;
	_ =	sdelay $0x1  }
0x33: {  	v13 =	vadd.s32 v2, v13;
	_ =	sdelay $0x4  }
0x34: {  	[tilespmem:s19], [sflag:$0x2] =	stream.indirect_vreg.gather [hbm4b:s1+s4], $0x80, v13, vm0, $0xb8;
	[tilespmem:$0x1A100] =	vst v63  }
0x35: {  	s0 =	simm.s32 $0x8900;
	v12 =	vperm.xlane v12, v7  }
0x36: {  	[tilespmem:s0], [sflag:$0x2] =	stream.indirect_vreg.gather [hbm4b:s11+s4], $0x80, v13, vm0, $0xb8;
	[tilespmem:$0x1A100] =	vst v63  }
0x37: {  	s18 =	simm.s32 $0x9100;
	v12 =	vadd.s32 v2, v12  }
0x38: {  	[tilespmem:s18], [sflag:$0x2] =	stream.indirect_vreg.gather [hbm4b:s13+s4], $0x80, v13, vm0, $0xb8;
	[tilespmem:$0x1A100] =	vst v63  }
0x39: {  	s19 =	simm.s32 $0x9900  }
0x3a: {  	[tilespmem:s19], [sflag:$0x2] =	stream.indirect_vreg.gather [hbm4b:s14+s4], $0x80, v13, vm0, $0xb8;
	[tilespmem:$0x1A100] =	vst v63  }
0x3b: {  	s20 =	simm.s32 $0xA100  }
0x3c: {  	[tilespmem:s20], [sflag:$0x2] =	stream.indirect_vreg.gather [hbm4b:s1+s4], $0x80, v12, vm0, $0xb8;
	[tilespmem:$0x1A100] =	vst v63  }
0x3d: {  	s21 =	simm.s32 $0xA900  }
0x3e: {  	[tilespmem:s21], [sflag:$0x2] =	stream.indirect_vreg.gather [hbm4b:s11+s4], $0x80, v12, vm0, $0xb8;
	[tilespmem:$0x1A100] =	vst v63  }
0x3f: {  	_ = 	snop  }
0x40: {  	[tilespmem:s25], [sflag:$0x2] =	stream.indirect_vreg.gather [hbm4b:s13+s4], $0x80, v12, vm0, $0xb8;
	[tilespmem:$0x1A100] =	vst v63  }
0x41: {  	s29 =	simm.s32 $0xB900  }
0x42: {  	[tilespmem:s29], [sflag:$0x2] =	stream.indirect_vreg.gather [hbm4b:s14+s4], $0x80, v12, vm0, $0xb8;
	[tilespmem:$0x1A100] =	vst v63  }
0x43: {  	v12 =	vld [tilespmem:$0x70];
	_ =	sdelay $0x4  }
0x44: {  	v51 =	vshll.u32 v12, $0x3  }
0x45: {  	v12 =	vand.u32 $0x7, v12;
	v13 =	vand.u32 $0xFFFFFFC0, v51  }
0x46: {  	v12 =	vor.u32 v12, v13  }
0x47: {  	v13 =	vperm.xlane v12, v0;
	_ =	sdelay $0x1  }
0x48: {  	v13 =	vadd.s32 v2, v13;
	_ =	sdelay $0x3  }
0x49: {  	s24 =	simm.s32 $0xC100  }
0x4a: {  	[tilespmem:s24], [sflag:$0x2] =	stream.indirect_vreg.gather [hbm4b:s1+s4], $0x80, v13, vm0, $0xb8;
	[tilespmem:$0x1A100] =	vst v63  }
0x4b: {  	s25 =	simm.s32 $0xC900;
	v12 =	vperm.xlane v12, v7  }
0x4c: {  	[tilespmem:s25], [sflag:$0x2] =	stream.indirect_vreg.gather [hbm4b:s11+s4], $0x80, v13, vm0, $0xb8;
	[tilespmem:$0x1A100] =	vst v63  }
0x4d: {  	s31 =	simm.s32 $0xD100;
	v12 =	vadd.s32 v2, v12  }
0x4e: {  	[tilespmem:s31], [sflag:$0x2] =	stream.indirect_vreg.gather [hbm4b:s13+s4], $0x80, v13, vm0, $0xb8;
	[tilespmem:$0x1A100] =	vst v63  }
0x4f: {  	s2 =	simm.s32 $0xD900  }
0x50: {  	[tilespmem:s2], [sflag:$0x2] =	stream.indirect_vreg.gather [hbm4b:s14+s4], $0x80, v13, vm0, $0xb8;
	[tilespmem:$0x1A100] =	vst v63  }
0x51: {  	s3 =	simm.s32 $0xE100  }
0x52: {  	[tilespmem:s3], [sflag:$0x2] =	stream.indirect_vreg.gather [hbm4b:s1+s4], $0x80, v12, vm0, $0xb8;
	[tilespmem:$0x1A100] =	vst v63  }
0x53: {  	s5 =	simm.s32 $0xE900  }
0x54: {  	[tilespmem:s5], [sflag:$0x2] =	stream.indirect_vreg.gather [hbm4b:s11+s4], $0x80, v12, vm0, $0xb8;
	[tilespmem:$0x1A100] =	vst v63  }
0x55: {  	s6 =	simm.s32 $0xF100  }
0x56: {  	[tilespmem:s6], [sflag:$0x2] =	stream.indirect_vreg.gather [hbm4b:s13+s4], $0x80, v12, vm0, $0xb8;
	[tilespmem:$0x1A100] =	vst v63  }
0x57: {  	s30 =	simm.s32 $0xF900;
	s19 =	simm.s32 $0x1  }
0x58: {  	[tilespmem:s30], [sflag:$0x2] =	stream.indirect_vreg.gather [hbm4b:s14+s4], $0x80, v12, vm0, $0xb8;
	[tilespmem:$0x1A100] =	vst v63  }
0x59: {  	_ =	swait.ge [sflag:s19], $0x8000  }
0x5a: {  	[sflag:s19] =	ssyncset.done $0x0  }
0x5b: {  	s31 =	simm.s32 $0x100;
	s7 =	rddreg [dreg:$0xd];
	[sflag:s19] =	ssyncadd.s32 $0xFFFF8000  }
0x5c: {  	[hbm4b:s7+s4] =	stream.linear.scatter [tilespmem:s31], [sflag:$0x3], $0x8000, $0x38;
	[tilespmem:$0x1A100] =	vst v63  }
0x5d: {  	_ =	swait.ge [sflag:s23], $0x8000  }
0x5e: {  	[sflag:s23] =	ssyncset.done $0x0  }
0x5f: {  	[sflag:s23] =	ssyncadd.s32 $0xFFFF8000  }
0x60: {  	v52 =	vld [tilespmem:$0x80];
	_ =	sdelay $0x4  }
0x61: {  	v53 =	vshll.u32 v52, $0x3  }
0x62: {  	v12 =	vand.u32 $0x7, v52;
	v13 =	vand.u32 $0xFFFFFFC0, v53  }
0x63: {  	v12 =	vor.u32 v12, v13  }
0x64: {  	v13 =	vperm.xlane v12, v0;
	_ =	sdelay $0x1  }
0x65: {  	v13 =	vadd.s32 v2, v13;
	_ =	sdelay $0x4  }
0x66: {  	[tilespmem:s31], [sflag:$0x1] =	stream.indirect_vreg.gather [hbm4b:s1+s4], $0x80, v13, vm0, $0xb8;
	[tilespmem:$0x1A100] =	vst v63  }
0x67: {  	s8 =	simm.s32 $0x900;
	v12 =	vperm.xlane v12, v7  }
0x68: {  	[tilespmem:s8], [sflag:$0x1] =	stream.indirect_vreg.gather [hbm4b:s11+s4], $0x80, v13, vm0, $0xb8;
	[tilespmem:$0x1A100] =	vst v63  }
0x69: {  	s10 =	simm.s32 $0x1100;
	v12 =	vadd.s32 v2, v12  }
0x6a: {  	[tilespmem:s10], [sflag:$0x1] =	stream.indirect_vreg.gather [hbm4b:s13+s4], $0x80, v13, vm0, $0xb8;
	[tilespmem:$0x1A100] =	vst v63  }
0x6b: {  	s16 =	simm.s32 $0x1900  }
0x6c: {  	[tilespmem:s16], [sflag:$0x1] =	stream.indirect_vreg.gather [hbm4b:s14+s4], $0x80, v13, vm0, $0xb8;
	[tilespmem:$0x1A100] =	vst v63  }
0x6d: {  	s17 =	simm.s32 $0x2100  }
0x6e: {  	[tilespmem:s17], [sflag:$0x1] =	stream.indirect_vreg.gather [hbm4b:s1+s4], $0x80, v12, vm0, $0xb8;
	[tilespmem:$0x1A100] =	vst v63  }
0x6f: {  	s18 =	simm.s32 $0x2900  }
0x70: {  	[tilespmem:s18], [sflag:$0x1] =	stream.indirect_vreg.gather [hbm4b:s11+s4], $0x80, v12, vm0, $0xb8;
	[tilespmem:$0x1A100] =	vst v63  }
0x71: {  	s24 =	simm.s32 $0x3100  }
0x72: {  	[tilespmem:s24], [sflag:$0x1] =	stream.indirect_vreg.gather [hbm4b:s13+s4], $0x80, v12, vm0, $0xb8;
	[tilespmem:$0x1A100] =	vst v63  }
0x73: {  	s28 =	simm.s32 $0x3900  }
0x74: {  	[tilespmem:s28], [sflag:$0x1] =	stream.indirect_vreg.gather [hbm4b:s14+s4], $0x80, v12, vm0, $0xb8;
	[tilespmem:$0x1A100] =	vst v63  }
0x75: {  	v12 =	vld [tilespmem:$0x90];
	_ =	sdelay $0x4  }
0x76: {  	v54 =	vshll.u32 v12, $0x3  }
0x77: {  	v12 =	vand.u32 $0x7, v12;
	v13 =	vand.u32 $0xFFFFFFC0, v54  }
0x78: {  	v12 =	vor.u32 v12, v13  }
0x79: {  	v13 =	vperm.xlane v12, v0;
	_ =	sdelay $0x1  }
0x7a: {  	v13 =	vadd.s32 v2, v13;
	_ =	sdelay $0x3  }
0x7b: {  	s2 =	simm.s32 $0x4100  }
0x7c: {  	[tilespmem:s2], [sflag:$0x1] =	stream.indirect_vreg.gather [hbm4b:s1+s4], $0x80, v13, vm0, $0xb8;
	[tilespmem:$0x1A100] =	vst v63  }
0x7d: {  	s3 =	simm.s32 $0x4900;
	v12 =	vperm.xlane v12, v7  }
0x7e: {  	[tilespmem:s3], [sflag:$0x1] =	stream.indirect_vreg.gather [hbm4b:s11+s4], $0x80, v13, vm0, $0xb8;
	[tilespmem:$0x1A100] =	vst v63  }
0x7f: {  	s6 =	simm.s32 $0x5100;
	v12 =	vadd.s32 v2, v12  }
0x80: {  	[tilespmem:s6], [sflag:$0x1] =	stream.indirect_vreg.gather [hbm4b:s13+s4], $0x80, v13, vm0, $0xb8;
	[tilespmem:$0x1A100] =	vst v63  }
0x81: {  	s7 =	simm.s32 $0x5900  }
0x82: {  	[tilespmem:s7], [sflag:$0x1] =	stream.indirect_vreg.gather [hbm4b:s14+s4], $0x80, v13, vm0, $0xb8;
	[tilespmem:$0x1A100] =	vst v63  }
0x83: {  	s9 =	simm.s32 $0x6100  }
0x84: {  	[tilespmem:s9], [sflag:$0x1] =	stream.indirect_vreg.gather [hbm4b:s1+s4], $0x80, v12, vm0, $0xb8;
	[tilespmem:$0x1A100] =	vst v63  }
0x85: {  	s12 =	simm.s32 $0x6900  }
0x86: {  	[tilespmem:s12], [sflag:$0x1] =	stream.indirect_vreg.gather [hbm4b:s11+s4], $0x80, v12, vm0, $0xb8;
	[tilespmem:$0x1A100] =	vst v63  }
0x87: {  	s15 =	simm.s32 $0x7100  }
0x88: {  	[tilespmem:s15], [sflag:$0x1] =	stream.indirect_vreg.gather [hbm4b:s13+s4], $0x80, v12, vm0, $0xb8;
	[tilespmem:$0x1A100] =	vst v63  }
0x89: {  	s20 =	simm.s32 $0x7900;
	s25 =	simm.s32 $0x2  }
0x8a: {  	[tilespmem:s20], [sflag:$0x1] =	stream.indirect_vreg.gather [hbm4b:s14+s4], $0x80, v12, vm0, $0xb8;
	[tilespmem:$0x1A100] =	vst v63  }
0x8b: {  	_ =	swait.ge [sflag:s25], $0x8000  }
0x8c: {  	[sflag:s25] =	ssyncset.done $0x0  }
0x8d: {  	s5 =	simm.s32 $0x8100;
	s0 =	rddreg [dreg:$0xe];
	[sflag:s25] =	ssyncadd.s32 $0xFFFF8000  }
0x8e: {  	[hbm4b:s0+s4] =	stream.linear.scatter [tilespmem:s5], [sflag:$0x4], $0x8000, $0x38;
	[tilespmem:$0x1A100] =	vst v63  }
0x8f: {  	_ =	swait.ge [sflag:s22], $0x8000  }
0x90: {  	[sflag:s22] =	ssyncset.done $0x0  }
0x91: {  	[sflag:s22] =	ssyncadd.s32 $0xFFFF8000  }
0x92: {  	v55 =	vld [tilespmem:$0xA0];
	_ =	sdelay $0x4  }
0x93: {  	v56 =	vshll.u32 v55, $0x3  }
0x94: {  	v12 =	vand.u32 $0x7, v55;
	v13 =	vand.u32 $0xFFFFFFC0, v56  }
0x95: {  	v12 =	vor.u32 v12, v13  }
0x96: {  	v13 =	vperm.xlane v12, v0;
	_ =	sdelay $0x1  }
0x97: {  	v13 =	vadd.s32 v2, v13;
	_ =	sdelay $0x4  }
0x98: {  	[tilespmem:s5], [sflag:$0x2] =	stream.indirect_vreg.gather [hbm4b:s1+s4], $0x80, v13, vm0, $0xb8;
	[tilespmem:$0x1A100] =	vst v63  }
0x99: {  	s0 =	simm.s32 $0x8900;
	v12 =	vperm.xlane v12, v7  }
0x9a: {  	[tilespmem:s0], [sflag:$0x2] =	stream.indirect_vreg.gather [hbm4b:s11+s4], $0x80, v13, vm0, $0xb8;
	[tilespmem:$0x1A100] =	vst v63  }
0x9b: {  	v12 =	vadd.s32 v2, v12;
	s0 =	simm.s32 $0x9100  }
0x9c: {  	[tilespmem:s0], [sflag:$0x2] =	stream.indirect_vreg.gather [hbm4b:s13+s4], $0x80, v13, vm0, $0xb8;
	[tilespmem:$0x1A100] =	vst v63  }
0x9d: {  	s0 =	simm.s32 $0x9900  }
0x9e: {  	[tilespmem:s0], [sflag:$0x2] =	stream.indirect_vreg.gather [hbm4b:s14+s4], $0x80, v13, vm0, $0xb8;
	[tilespmem:$0x1A100] =	vst v63  }
0x9f: {  	s0 =	simm.s32 $0xA100  }
0xa0: {  	[tilespmem:s0], [sflag:$0x2] =	stream.indirect_vreg.gather [hbm4b:s1+s4], $0x80, v12, vm0, $0xb8;
	[tilespmem:$0x1A100] =	vst v63  }
0xa1: {  	s0 =	simm.s32 $0xA900  }
0xa2: {  	[tilespmem:s0], [sflag:$0x2] =	stream.indirect_vreg.gather [hbm4b:s11+s4], $0x80, v12, vm0, $0xb8;
	[tilespmem:$0x1A100] =	vst v63  }
0xa3: {  	s21 =	simm.s32 $0xB100  }
0xa4: {  	[tilespmem:s21], [sflag:$0x2] =	stream.indirect_vreg.gather [hbm4b:s13+s4], $0x80, v12, vm0, $0xb8;
	[tilespmem:$0x1A100] =	vst v63  }
0xa5: {  	_ = 	snop  }
0xa6: {  	[tilespmem:s29], [sflag:$0x2] =	stream.indirect_vreg.gather [hbm4b:s14+s4], $0x80, v12, vm0, $0xb8;
	[tilespmem:$0x1A100] =	vst v63  }
0xa7: {  	v12 =	vld [tilespmem:$0xB0];
	_ =	sdelay $0x4  }
0xa8: {  	v57 =	vshll.u32 v12, $0x3  }
0xa9: {  	v12 =	vand.u32 $0x7, v12;
	v13 =	vand.u32 $0xFFFFFFC0, v57  }
0xaa: {  	v12 =	vor.u32 v12, v13  }
0xab: {  	v13 =	vperm.xlane v12, v0;
	_ =	sdelay $0x1  }
0xac: {  	v13 =	vadd.s32 v2, v13;
	_ =	sdelay $0x3  }
0xad: {  	s0 =	simm.s32 $0xC100  }
0xae: {  	[tilespmem:s0], [sflag:$0x2] =	stream.indirect_vreg.gather [hbm4b:s1+s4], $0x80, v13, vm0, $0xb8;
	[tilespmem:$0x1A100] =	vst v63  }
0xaf: {  	v12 =	vperm.xlane v12, v7;
	s0 =	simm.s32 $0xC900  }
0xb0: {  	[tilespmem:s0], [sflag:$0x2] =	stream.indirect_vreg.gather [hbm4b:s11+s4], $0x80, v13, vm0, $0xb8;
	[tilespmem:$0x1A100] =	vst v63  }
0xb1: {  	v12 =	vadd.s32 v2, v12;
	s0 =	simm.s32 $0xD100  }
0xb2: {  	[tilespmem:s0], [sflag:$0x2] =	stream.indirect_vreg.gather [hbm4b:s13+s4], $0x80, v13, vm0, $0xb8;
	[tilespmem:$0x1A100] =	vst v63  }
0xb3: {  	s0 =	simm.s32 $0xD900  }
0xb4: {  	[tilespmem:s0], [sflag:$0x2] =	stream.indirect_vreg.gather [hbm4b:s14+s4], $0x80, v13, vm0, $0xb8;
	[tilespmem:$0x1A100] =	vst v63  }
0xb5: {  	s0 =	simm.s32 $0xE100  }
0xb6: {  	[tilespmem:s0], [sflag:$0x2] =	stream.indirect_vreg.gather [hbm4b:s1+s4], $0x80, v12, vm0, $0xb8;
	[tilespmem:$0x1A100] =	vst v63  }
0xb7: {  	s0 =	simm.s32 $0xE900  }
0xb8: {  	[tilespmem:s0], [sflag:$0x2] =	stream.indirect_vreg.gather [hbm4b:s11+s4], $0x80, v12, vm0, $0xb8;
	[tilespmem:$0x1A100] =	vst v63  }
0xb9: {  	s0 =	simm.s32 $0xF100  }
0xba: {  	[tilespmem:s0], [sflag:$0x2] =	stream.indirect_vreg.gather [hbm4b:s13+s4], $0x80, v12, vm0, $0xb8;
	[tilespmem:$0x1A100] =	vst v63  }
0xbb: {  	_ = 	snop  }
0xbc: {  	[tilespmem:s30], [sflag:$0x2] =	stream.indirect_vreg.gather [hbm4b:s14+s4], $0x80, v12, vm0, $0xb8;
	[tilespmem:$0x1A100] =	vst v63  }
0xbd: {  	_ =	swait.ge [sflag:s19], $0x8000  }
0xbe: {  	[sflag:s19] =	ssyncset.done $0x0  }
0xbf: {  	s0 =	rddreg [dreg:$0xf];
	[sflag:s19] =	ssyncadd.s32 $0xFFFF8000  }
0xc0: {  	[hbm4b:s0+s4] =	stream.linear.scatter [tilespmem:s31], [sflag:$0x3], $0x8000, $0x38;
	[tilespmem:$0x1A100] =	vst v63  }
0xc1: {  	_ =	swait.ge [sflag:s23], $0x8000  }
0xc2: {  	[sflag:s23] =	ssyncset.done $0x0  }
0xc3: {  	[sflag:s23] =	ssyncadd.s32 $0xFFFF8000  }
0xc4: {  	v58 =	vld [tilespmem:$0xC0];
	_ =	sdelay $0x4  }
0xc5: {  	v59 =	vshll.u32 v58, $0x3  }
0xc6: {  	v12 =	vand.u32 $0x7, v58;
	v13 =	vand.u32 $0xFFFFFFC0, v59  }
0xc7: {  	v12 =	vor.u32 v12, v13  }
0xc8: {  	v13 =	vperm.xlane v12, v0;
	_ =	sdelay $0x1  }
0xc9: {  	v13 =	vadd.s32 v2, v13;
	_ =	sdelay $0x4  }
0xca: {  	[tilespmem:s31], [sflag:$0x1] =	stream.indirect_vreg.gather [hbm4b:s1+s4], $0x80, v13, vm0, $0xb8;
	[tilespmem:$0x1A100] =	vst v63  }
0xcb: {  	v12 =	vperm.xlane v12, v7  }
0xcc: {  	[tilespmem:s8], [sflag:$0x1] =	stream.indirect_vreg.gather [hbm4b:s11+s4], $0x80, v13, vm0, $0xb8;
	[tilespmem:$0x1A100] =	vst v63  }
0xcd: {  	v12 =	vadd.s32 v2, v12  }
0xce: {  	[tilespmem:s10], [sflag:$0x1] =	stream.indirect_vreg.gather [hbm4b:s13+s4], $0x80, v13, vm0, $0xb8;
	[tilespmem:$0x1A100] =	vst v63  }
0xcf: {  	_ = 	snop  }
0xd0: {  	[tilespmem:s16], [sflag:$0x1] =	stream.indirect_vreg.gather [hbm4b:s14+s4], $0x80, v13, vm0, $0xb8;
	[tilespmem:$0x1A100] =	vst v63  }
0xd1: {  	_ = 	snop  }
0xd2: {  	[tilespmem:s17], [sflag:$0x1] =	stream.indirect_vreg.gather [hbm4b:s1+s4], $0x80, v12, vm0, $0xb8;
	[tilespmem:$0x1A100] =	vst v63  }
0xd3: {  	_ = 	snop  }
0xd4: {  	[tilespmem:s18], [sflag:$0x1] =	stream.indirect_vreg.gather [hbm4b:s11+s4], $0x80, v12, vm0, $0xb8;
	[tilespmem:$0x1A100] =	vst v63  }
0xd5: {  	_ = 	snop  }
0xd6: {  	[tilespmem:s24], [sflag:$0x1] =	stream.indirect_vreg.gather [hbm4b:s13+s4], $0x80, v12, vm0, $0xb8;
	[tilespmem:$0x1A100] =	vst v63  }
0xd7: {  	_ = 	snop  }
0xd8: {  	[tilespmem:s28], [sflag:$0x1] =	stream.indirect_vreg.gather [hbm4b:s14+s4], $0x80, v12, vm0, $0xb8;
	[tilespmem:$0x1A100] =	vst v63  }
0xd9: {  	v12 =	vld [tilespmem:$0xD0];
	_ =	sdelay $0x4  }
0xda: {  	v60 =	vshll.u32 v12, $0x3  }
0xdb: {  	v12 =	vand.u32 $0x7, v12;
	v13 =	vand.u32 $0xFFFFFFC0, v60  }
0xdc: {  	v12 =	vor.u32 v12, v13  }
0xdd: {  	v13 =	vperm.xlane v12, v0;
	_ =	sdelay $0x1  }
0xde: {  	v13 =	vadd.s32 v2, v13;
	_ =	sdelay $0x4  }
0xdf: {  	[tilespmem:s2], [sflag:$0x1] =	stream.indirect_vreg.gather [hbm4b:s1+s4], $0x80, v13, vm0, $0xb8;
	[tilespmem:$0x1A100] =	vst v63  }
0xe0: {  	v12 =	vperm.xlane v12, v7  }
0xe1: {  	[tilespmem:s3], [sflag:$0x1] =	stream.indirect_vreg.gather [hbm4b:s11+s4], $0x80, v13, vm0, $0xb8;
	[tilespmem:$0x1A100] =	vst v63  }
0xe2: {  	v12 =	vadd.s32 v2, v12  }
0xe3: {  	[tilespmem:s6], [sflag:$0x1] =	stream.indirect_vreg.gather [hbm4b:s13+s4], $0x80, v13, vm0, $0xb8;
	[tilespmem:$0x1A100] =	vst v63  }
0xe4: {  	_ = 	snop  }
0xe5: {  	[tilespmem:s7], [sflag:$0x1] =	stream.indirect_vreg.gather [hbm4b:s14+s4], $0x80, v13, vm0, $0xb8;
	[tilespmem:$0x1A100] =	vst v63  }
0xe6: {  	_ = 	snop  }
0xe7: {  	[tilespmem:s9], [sflag:$0x1] =	stream.indirect_vreg.gather [hbm4b:s1+s4], $0x80, v12, vm0, $0xb8;
	[tilespmem:$0x1A100] =	vst v63  }
0xe8: {  	_ = 	snop  }
0xe9: {  	[tilespmem:s12], [sflag:$0x1] =	stream.indirect_vreg.gather [hbm4b:s11+s4], $0x80, v12, vm0, $0xb8;
	[tilespmem:$0x1A100] =	vst v63  }
0xea: {  	_ = 	snop  }
0xeb: {  	[tilespmem:s15], [sflag:$0x1] =	stream.indirect_vreg.gather [hbm4b:s13+s4], $0x80, v12, vm0, $0xb8;
	[tilespmem:$0x1A100] =	vst v63  }
0xec: {  	_ = 	snop  }
0xed: {  	[tilespmem:s20], [sflag:$0x1] =	stream.indirect_vreg.gather [hbm4b:s14+s4], $0x80, v12, vm0, $0xb8;
	[tilespmem:$0x1A100] =	vst v63  }
0xee: {  	_ =	swait.ge [sflag:s25], $0x8000  }
0xef: {  	[sflag:s25] =	ssyncset.done $0x0  }
0xf0: {  	s8 =	rddreg [dreg:$0x10];
	[sflag:s25] =	ssyncadd.s32 $0xFFFF8000  }
0xf1: {  	[hbm4b:s8+s4] =	stream.linear.scatter [tilespmem:s5], [sflag:$0x4], $0x8000, $0x38;
	[tilespmem:$0x1A100] =	vst v63  }
0xf2: {  	_ =	swait.ge [sflag:s22], $0x8000  }
0xf3: {  	[sflag:s22] =	ssyncset.done $0x0  }
0xf4: {  	[sflag:s22] =	ssyncadd.s32 $0xFFFF8000  }
0xf5: {  	v61 =	vld [tilespmem:$0xE0];
	_ =	sdelay $0x4  }
0xf6: {  	v62 =	vshll.u32 v61, $0x3  }
0xf7: {  	v12 =	vand.u32 $0x7, v61;
	v13 =	vand.u32 $0xFFFFFFC0, v62  }
0xf8: {  	v12 =	vor.u32 v12, v13  }
0xf9: {  	v13 =	vperm.xlane v12, v0;
	_ =	sdelay $0x1  }
0xfa: {  	v13 =	vadd.s32 v2, v13;
	_ =	sdelay $0x4  }
0xfb: {  	[tilespmem:s5], [sflag:$0x2] =	stream.indirect_vreg.gather [hbm4b:s1+s4], $0x80, v13, vm0, $0xb8;
	[tilespmem:$0x1A100] =	vst v63  }
0xfc: {  	s9 =	simm.s32 $0x8900;
	v12 =	vperm.xlane v12, v7  }
0xfd: {  	[tilespmem:s9], [sflag:$0x2] =	stream.indirect_vreg.gather [hbm4b:s11+s4], $0x80, v13, vm0, $0xb8;
	[tilespmem:$0x1A100] =	vst v63  }
0xfe: {  	s10 =	simm.s32 $0x9100;
	v12 =	vadd.s32 v2, v12  }
0xff: {  	[tilespmem:s10], [sflag:$0x2] =	stream.indirect_vreg.gather [hbm4b:s13+s4], $0x80, v13, vm0, $0xb8;
	[tilespmem:$0x1A100] =	vst v63  }
0x100: {  	s12 =	simm.s32 $0x9900  }
0x101: {  	[tilespmem:s12], [sflag:$0x2] =	stream.indirect_vreg.gather [hbm4b:s14+s4], $0x80, v13, vm0, $0xb8;
	[tilespmem:$0x1A100] =	vst v63  }
0x102: {  	s15 =	simm.s32 $0xA100  }
0x103: {  	[tilespmem:s15], [sflag:$0x2] =	stream.indirect_vreg.gather [hbm4b:s1+s4], $0x80, v12, vm0, $0xb8;
	[tilespmem:$0x1A100] =	vst v63  }
0x104: {  	s16 =	simm.s32 $0xA900  }
0x105: {  	[tilespmem:s16], [sflag:$0x2] =	stream.indirect_vreg.gather [hbm4b:s11+s4], $0x80, v12, vm0, $0xb8;
	[tilespmem:$0x1A100] =	vst v63  }
0x106: {  	_ = 	snop  }
0x107: {  	[tilespmem:s21], [sflag:$0x2] =	stream.indirect_vreg.gather [hbm4b:s13+s4], $0x80, v12, vm0, $0xb8;
	[tilespmem:$0x1A100] =	vst v63  }
0x108: {  	_ = 	snop  }
0x109: {  	[tilespmem:s29], [sflag:$0x2] =	stream.indirect_vreg.gather [hbm4b:s14+s4], $0x80, v12, vm0, $0xb8;
	[tilespmem:$0x1A100] =	vst v63  }
0x10a: {  	v12 =	vld [tilespmem:$0xF0];
	_ =	sdelay $0x4  }
0x10b: {  	v63 =	vshll.u32 v12, $0x3  }
0x10c: {  	v12 =	vand.u32 $0x7, v12;
	v13 =	vand.u32 $0xFFFFFFC0, v63  }
0x10d: {  	v12 =	vor.u32 v12, v13  }
0x10e: {  	v13 =	vperm.xlane v12, v0;
	_ =	sdelay $0x1  }
0x10f: {  	v13 =	vadd.s32 v2, v13;
	_ =	sdelay $0x3  }
0x110: {  	s17 =	simm.s32 $0xC100  }
0x111: {  	[tilespmem:s17], [sflag:$0x2] =	stream.indirect_vreg.gather [hbm4b:s1+s4], $0x80, v13, vm0, $0xb8;
	[tilespmem:$0x1A100] =	vst v63  }
0x112: {  	s20 =	simm.s32 $0xC900;
	v12 =	vperm.xlane v12, v7  }
0x113: {  	[tilespmem:s20], [sflag:$0x2] =	stream.indirect_vreg.gather [hbm4b:s11+s4], $0x80, v13, vm0, $0xb8;
	[tilespmem:$0x1A100] =	vst v63  }
0x114: {  	s21 =	simm.s32 $0xD100;
	v12 =	vadd.s32 v2, v12  }
0x115: {  	[tilespmem:s21], [sflag:$0x2] =	stream.indirect_vreg.gather [hbm4b:s13+s4], $0x80, v13, vm0, $0xb8;
	[tilespmem:$0x1A100] =	vst v63  }
0x116: {  	s24 =	simm.s32 $0xD900  }
0x117: {  	[tilespmem:s24], [sflag:$0x2] =	stream.indirect_vreg.gather [hbm4b:s14+s4], $0x80, v13, vm0, $0xb8;
	[tilespmem:$0x1A100] =	vst v63  }
0x118: {  	s2 =	simm.s32 $0xE100  }
0x119: {  	[tilespmem:s2], [sflag:$0x2] =	stream.indirect_vreg.gather [hbm4b:s1+s4], $0x80, v12, vm0, $0xb8;
	[tilespmem:$0x1A100] =	vst v63  }
0x11a: {  	s3 =	simm.s32 $0xE900  }
0x11b: {  	[tilespmem:s3], [sflag:$0x2] =	stream.indirect_vreg.gather [hbm4b:s11+s4], $0x80, v12, vm0, $0xb8;
	[tilespmem:$0x1A100] =	vst v63  }
0x11c: {  	s12 =	simm.s32 $0xF100  }
0x11d: {  	[tilespmem:s12], [sflag:$0x2] =	stream.indirect_vreg.gather [hbm4b:s13+s4], $0x80, v12, vm0, $0xb8;
	[tilespmem:$0x1A100] =	vst v63  }
0x11e: {  	_ = 	snop  }
0x11f: {  	[tilespmem:s30], [sflag:$0x2] =	stream.indirect_vreg.gather [hbm4b:s14+s4], $0x80, v12, vm0, $0xb8;
	[tilespmem:$0x1A100] =	vst v63  }
0x120: {  	_ =	swait.ge [sflag:s19], $0x8000  }
0x121: {  	[sflag:s19] =	ssyncset.done $0x0  }
0x122: {  	s21 =	rddreg [dreg:$0x11];
	[sflag:s19] =	ssyncadd.s32 $0xFFFF8000  }
0x123: {  	[hbm4b:s21+s4] =	stream.linear.scatter [tilespmem:s31], [sflag:$0x3], $0x8000, $0x38;
	[tilespmem:$0x1A100] =	vst v63  }
0x124: {  	_ =	swait.ge [sflag:s25], $0x8000  }
0x125: {  	[sflag:s25] =	ssyncset.done $0x0  }
0x126: {  	s19 =	simm.s32 $0x8100;
	s31 =	rddreg [dreg:$0x12];
	[sflag:s25] =	ssyncadd.s32 $0xFFFF8000  }
0x127: {  	[hbm4b:s31+s4] =	stream.linear.scatter [tilespmem:s19], [sflag:$0x4], $0x8000, $0x38;
	[tilespmem:$0x1A100] =	vst v63  }
0x128: {  	_ =	swait.ge [sflag:s23], $0x8000  }
0x129: {  	[sflag:s23] =	ssyncset.done $0x0  }
0x12a: {  	[sflag:s23] =	ssyncadd.s32 $0xFFFF8000  }
0x12b: {  	_ =	swait.ge [sflag:s22], $0x8000  }
0x12c: {  	[sflag:s22] =	ssyncset.done $0x0  }
0x12d: {  	s0 =	simm.s32 @!p4 $0x7;
	[sflag:s22] =	ssyncadd.s32 $0xFFFF8000  }
0x12e: {  	_ =	swait.ge @!p4 [sflag:s0], $0x4000  }
0x12f: {  	[sflag:s0] =	ssyncset.done @!p4 $0x0  }
0x130: {  	[sflag:s0] =	ssyncadd.s32 @!p4 $0xFFFFC000;
	s0 =	simm.s32 @!p4 $0x8  }
0x131: {  	_ =	swait.ge @!p4 [sflag:s0], $0x4000  }
0x132: {  	[sflag:s0] =	ssyncset.done @!p4 $0x0  }
0x133: {  	[sflag:s0] =	ssyncadd.s32 @!p4 $0xFFFFC000;
	s0 =	simm.s32 @p6 $0x7  }
0x134: {  	_ =	swait.ge @p6 [sflag:s0], $0x4000  }
0x135: {  	[sflag:s0] =	ssyncset.done @p6 $0x0  }
0x136: {  	[sflag:s0] =	ssyncadd.s32 @p6 $0xFFFFC000;
	s0 =	simm.s32 @p6 $0x8  }
0x137: {  	_ =	swait.ge @p6 [sflag:s0], $0x4000  }
0x138: {  	[sflag:s0] =	ssyncset.done @p6 $0x0  }
0x139: {  	[sflag:s0] =	ssyncadd.s32 @p6 $0xFFFFC000;
	s0 =	simm.s32 @p0 $0x7  }
0x13a: {  	_ =	swait.ge @p0 [sflag:s0], $0x4000  }
0x13b: {  	[sflag:s0] =	ssyncset.done @p0 $0x0  }
0x13c: {  	[sflag:s0] =	ssyncadd.s32 @p0 $0xFFFFC000;
	s0 =	simm.s32 @p0 $0x8  }
0x13d: {  	_ =	swait.ge @p0 [sflag:s0], $0x4000  }
0x13e: {  	[sflag:s0] =	ssyncset.done @p0 $0x0  }
0x13f: {  	[sflag:s0] =	ssyncadd.s32 @p0 $0xFFFFC000;
	s0 =	simm.s32 @p3 $0x7  }
0x140: {  	_ =	swait.ge @p3 [sflag:s0], $0x4000  }
0x141: {  	[sflag:s0] =	ssyncset.done @p3 $0x0  }
0x142: {  	[sflag:s0] =	ssyncadd.s32 @p3 $0xFFFFC000;
	s0 =	simm.s32 @p3 $0x8  }
0x143: {  	_ =	swait.ge @p3 [sflag:s0], $0x4000  }
0x144: {  	[sflag:s0] =	ssyncset.done @p3 $0x0  }
0x145: {  	[sflag:s0] =	ssyncadd.s32 @p3 $0xFFFFC000;
	s0 =	simm.s32 @!p4 $0xA  }
0x146: {  	_ =	swait.ge @!p4 [sflag:s0], $0x4000  }
0x147: {  	[sflag:s0] =	ssyncset.done @!p4 $0x0  }
0x148: {  	[sflag:s0] =	ssyncadd.s32 @!p4 $0xFFFFC000;
	s0 =	simm.s32 @p6 $0xA  }
0x149: {  	_ =	swait.ge @p6 [sflag:s0], $0x4000  }
0x14a: {  	s26 =	sadd.s32 $0xFFFFFFFF, s26;
	s18 =	simm.s32 $0x9900;
	[sflag:s0] =	ssyncset.done @p6 $0x0  }
0x14b: {  	s28 =	simm.s32 $0xB900;
	[sflag:s0] =	ssyncadd.s32 @p6 $0xFFFFC000;
	s0 =	simm.s32 @p0 $0xA  }
0x14c: {  	s6 =	simm.s32 $0xD900;
	s7 =	simm.s32 $0x12100;
	_ =	swait.ge @p0 [sflag:s0], $0x4000  }
0x14d: {  	s8 =	simm.s32 $0xA900;
	s5 =	simm.s32 $0xA100;
	[sflag:s0] =	ssyncset.done @p0 $0x0  }
0x14e: {  	s9 =	simm.s32 $0x13100;
	[sflag:s0] =	ssyncadd.s32 @p0 $0xFFFFC000;
	p0 =	sne.s32 s26, $0x0  }
.Ltmp1:
0x14f: {  	s10 =	simm.s32 $0xD100;
	s15 =	simm.s32 $0x11900;
	(pc) =	sbr.rel @!p0 .LBB2_28-.Ltmp1, $4  }
0x150: {  	s16 =	simm.s32 $0xE900;
	s29 =	simm.s32 $0xC100;
	s0 =	simm.s32 @p3 $0xA  }
0x151: {  	s17 =	simm.s32 $0xC900;
	s20 =	simm.s32 $0xE100;
	_ =	swait.ge @p3 [sflag:s0], $0x4000  }
0x152: {  	s24 =	simm.s32 $0xF900;
	s3 =	simm.s32 $0xF100;
	[sflag:s0] =	ssyncset.done @p3 $0x0  }
0x153: {  	s30 =	simm.s32 $0x100;
	s21 =	simm.s32 $0x16100;
	[sflag:s0] =	ssyncadd.s32 @p3 $0xFFFFC000  }
.LBB2_1:
.Ltmp2:
0x154: {  	(pc) =	sbr.rel @p2 .LBB2_5-.Ltmp2, $2  }
0x155: {  	_ =	sdelay $0x2  }
0x156: {  	p3 =	por $0x0, $0x0;
	[dreg:$0x19] =	wrdreg s26  }
0x157: {  	s0 =	sld [smem:$0x7FA];
	_ =	sdelay $0x2  }
0x158: {  	p0 =	seq.s32 s0, $0x1  }
.Ltmp3:
0x159: {  	_ = 	snop;
	(pc) =	sbr.rel @p0 .LBB2_8-.Ltmp3, $1  }
0x15a: {  	_ =	sdelay $0x3  }
0x15b: {  	s0 =	sld [smem:$0x7FB];
	_ =	sdelay $0x2  }
0x15c: {  	p5 =	seq.s32 s0, $0x1  }
.Ltmp4:
0x15d: {  	_ = 	snop;
	(pc) =	sbr.rel @!p5 .LBB2_11-.Ltmp4, $2  }
0x15e: {  	_ =	sdelay $0x2  }
0x15f: {  	p6 =	por $0x0, $0x0;
	p0 =	por $0x0, $0x0;
	s25 =	simm.s32 $0xB100  }
0x160: {  	_ =	sdelay $0x1  }
.Ltmp5:
0x161: {  	s31 =	rddreg [dreg:$0x8];
	s0 =	simm.s32 $0x10100;
	(pc) =	sbr.rel .LBB2_10-.Ltmp5, $4  }
0x162: {  	s26 =	simm.s32 $0x10900;
	p6 =	por $0x1, $0x1;
	p3 =	por $0x0, $0x0  }
0x163: {  	[tilespmem:s0], [sflag:$0x5] =	stream.indirect_vreg.gather [hbm4b:s31+s4], $0x80, v3, vm0, $0xb8;
	[tilespmem:$0x1A100] =	vst v63  }
0x164: {  	p0 =	por $0x0, $0x0;
	s12 =	sadd.s32 $0x100, s31;
	s0 =	smov.u32 s31  }
0x165: {  	v12 =	vmov v3;
	[tilespmem:s26], [sflag:$0x5] =	stream.indirect_vreg.gather [hbm4b:s12+s4], $0x80, v3, vm0, $0xb8;
	[tilespmem:$0x1A100] =	vst v63  }
.LBB2_5:
0x166: {  	s0 =	sld [smem:$0x7FC];
	_ =	sdelay $0x2  }
0x167: {  	p0 =	seq.s32 s0, $0x1  }
.Ltmp6:
0x168: {  	_ = 	snop;
	(pc) =	sbr.rel @p0 .LBB2_9-.Ltmp6, $1  }
0x169: {  	_ =	sdelay $0x3  }
0x16a: {  	s0 =	sld [smem:$0x7FD];
	_ =	sdelay $0x2  }
0x16b: {  	p5 =	seq.s32 s0, $0x1  }
.Ltmp7:
0x16c: {  	_ = 	snop;
	(pc) =	sbr.rel @!p5 .LBB2_11-.Ltmp7, $2  }
0x16d: {  	_ =	sdelay $0x2  }
0x16e: {  	p6 =	por $0x0, $0x0;
	p0 =	por $0x0, $0x0;
	s25 =	simm.s32 $0xB100  }
0x16f: {  	v12 =	vadd.s32 v2, v1;
	_ =	sdelay $0x2  }
.Ltmp8:
0x170: {  	s31 =	rddreg [dreg:$0x6];
	s0 =	simm.s32 $0x10100;
	(pc) =	sbr.rel .LBB2_10-.Ltmp8, $4  }
0x171: {  	s26 =	simm.s32 $0x10900;
	p6 =	por $0x0, $0x0;
	p3 =	por $0x1, $0x1  }
0x172: {  	[tilespmem:s0], [sflag:$0x5] =	stream.indirect_vreg.gather [hbm4b:s31+s4], $0x80, v12, vm0, $0xb8;
	[tilespmem:$0x1A100] =	vst v63  }
0x173: {  	p0 =	por $0x0, $0x0;
	s12 =	sadd.s32 $0x100, s31;
	s0 =	smov.u32 s31  }
0x174: {  	[tilespmem:s26], [sflag:$0x5] =	stream.indirect_vreg.gather [hbm4b:s12+s4], $0x80, v12, vm0, $0xb8;
	[tilespmem:$0x1A100] =	vst v63  }
.LBB2_8:
0x175: {  	_ =	sdelay $0x1  }
.Ltmp9:
0x176: {  	s31 =	rddreg [dreg:$0x5];
	s0 =	simm.s32 $0x10100;
	(pc) =	sbr.rel .LBB2_10-.Ltmp9, $4  }
0x177: {  	s12 =	rddreg [dreg:$0x9];
	s26 =	simm.s32 $0x10900;
	p3 =	por $0x0, $0x0  }
0x178: {  	[tilespmem:s0], [sflag:$0x5] =	stream.indirect_vreg.gather [hbm4b:s31+s4], $0x80, v3, vm0, $0xb8;
	[tilespmem:$0x1A100] =	vst v63  }
0x179: {  	p6 =	por $0x0, $0x0;
	p0 =	por $0x0, $0x0;
	s0 =	smov.u32 s31  }
0x17a: {  	v12 =	vmov v3;
	[tilespmem:s26], [sflag:$0x5] =	stream.indirect_vreg.gather [hbm4b:s12+s4], $0x80, v3, vm0, $0xb8;
	[tilespmem:$0x1A100] =	vst v63  }
.LBB2_9:
0x17b: {  	v12 =	vadd.s32 v2, v1;
	_ =	sdelay $0x2  }
0x17c: {  	s31 =	rddreg [dreg:$0x7];
	s0 =	simm.s32 $0x10100  }
0x17d: {  	s26 =	simm.s32 $0x10900;
	p0 =	por $0x1, $0x1;
	p3 =	por $0x0, $0x0  }
0x17e: {  	[tilespmem:s0], [sflag:$0x5] =	stream.indirect_vreg.gather [hbm4b:s31+s4], $0x80, v12, vm0, $0xb8;
	[tilespmem:$0x1A100] =	vst v63  }
0x17f: {  	p6 =	por $0x0, $0x0;
	s12 =	sadd.s32 $0x100, s31;
	s0 =	smov.u32 s31  }
0x180: {  	[tilespmem:s26], [sflag:$0x5] =	stream.indirect_vreg.gather [hbm4b:s12+s4], $0x80, v12, vm0, $0xb8;
	[tilespmem:$0x1A100] =	vst v63  }
.LBB2_10:
0x181: {  	_ =	sdelay $0x2  }
0x182: {  	s2 =	sadd.s32 $0x200, s0;
	s15 =	simm.s32 $0x11100  }
0x183: {  	[tilespmem:s15], [sflag:$0x5] =	stream.indirect_vreg.gather [hbm4b:s2+s4], $0x80, v12, vm0, $0xb8;
	[tilespmem:$0x1A100] =	vst v63  }
0x184: {  	s0 =	sadd.s32 $0x300, s0;
	s15 =	simm.s32 $0x11900  }
0x185: {  	[tilespmem:s15], [sflag:$0x5] =	stream.indirect_vreg.gather [hbm4b:s0+s4], $0x80, v12, vm0, $0xb8;
	[tilespmem:$0x1A100] =	vst v63  }
0x186: {  	_ = 	snop  }
0x187: {  	[tilespmem:s7], [sflag:$0x5] =	stream.indirect_vreg.gather [hbm4b:s31+s4], $0x80, v4, vm0, $0xb8;
	[tilespmem:$0x1A100] =	vst v63  }
0x188: {  	s21 =	simm.s32 $0x12900  }
0x189: {  	[tilespmem:s21], [sflag:$0x5] =	stream.indirect_vreg.gather [hbm4b:s12+s4], $0x80, v4, vm0, $0xb8;
	[tilespmem:$0x1A100] =	vst v63  }
0x18a: {  	_ = 	snop  }
0x18b: {  	[tilespmem:s9], [sflag:$0x5] =	stream.indirect_vreg.gather [hbm4b:s2+s4], $0x80, v4, vm0, $0xb8;
	[tilespmem:$0x1A100] =	vst v63  }
0x18c: {  	s26 =	simm.s32 $0x13900  }
0x18d: {  	[tilespmem:s26], [sflag:$0x5] =	stream.indirect_vreg.gather [hbm4b:s0+s4], $0x80, v4, vm0, $0xb8;
	[tilespmem:$0x1A100] =	vst v63  }
0x18e: {  	_ = 	snop  }
0x18f: {  	[tilespmem:s7], [sflag:$0x6] =	stream.indirect_vreg.gather [hbm4b:s31+s4], $0x80, v5, vm0, $0xb8;
	[tilespmem:$0x1A100] =	vst v63  }
0x190: {  	_ = 	snop  }
0x191: {  	[tilespmem:s21], [sflag:$0x6] =	stream.indirect_vreg.gather [hbm4b:s12+s4], $0x80, v5, vm0, $0xb8;
	[tilespmem:$0x1A100] =	vst v63  }
0x192: {  	_ = 	snop  }
0x193: {  	[tilespmem:s9], [sflag:$0x6] =	stream.indirect_vreg.gather [hbm4b:s2+s4], $0x80, v5, vm0, $0xb8;
	[tilespmem:$0x1A100] =	vst v63  }
0x194: {  	_ = 	snop  }
0x195: {  	[tilespmem:s26], [sflag:$0x6] =	stream.indirect_vreg.gather [hbm4b:s0+s4], $0x80, v5, vm0, $0xb8;
	[tilespmem:$0x1A100] =	vst v63  }
0x196: {  	s26 =	simm.s32 $0x14100  }
0x197: {  	[tilespmem:s26], [sflag:$0x6] =	stream.indirect_vreg.gather [hbm4b:s31+s4], $0x80, v6, vm0, $0xb8;
	[tilespmem:$0x1A100] =	vst v63  }
0x198: {  	s25 =	simm.s32 $0x14900  }
0x199: {  	[tilespmem:s25], [sflag:$0x6] =	stream.indirect_vreg.gather [hbm4b:s12+s4], $0x80, v6, vm0, $0xb8;
	[tilespmem:$0x1A100] =	vst v63  }
0x19a: {  	s26 =	simm.s32 $0x15100  }
0x19b: {  	[tilespmem:s26], [sflag:$0x6] =	stream.indirect_vreg.gather [hbm4b:s2+s4], $0x80, v6, vm0, $0xb8;
	[tilespmem:$0x1A100] =	vst v63  }
0x19c: {  	s21 =	simm.s32 $0x16100;
	s31 =	simm.s32 $0x15900;
	s25 =	simm.s32 $0xB100  }
0x19d: {  	[tilespmem:s31], [sflag:$0x6] =	stream.indirect_vreg.gather [hbm4b:s0+s4], $0x80, v6, vm0, $0xb8;
	[tilespmem:$0x1A100] =	vst v63  }
.LBB2_11:
0x19e: {  	s0 =	rddreg [dreg:$0xc];
	s2 =	simm.s32 $0x80  }
.Ltmp10:
0x19f: {  	s12 =	simm.s32 $0x200;
	s31 =	simm.s32 $0xB;
	(pc) =	sbr.rel @p4 .LBB2_13-.Ltmp10, $4  }
0x1a0: {  	[tilespmem:s4], [sflag:$0xB] =	stream.strided.gather [hbm4b:s0+s2], $0x100, s12, s2, $0x38;
	[tilespmem:$0x1A100] =	vst v63  }
0x1a1: {  	_ =	swait.ge [sflag:s31], $0x100  }
0x1a2: {  	[sflag:s31] =	ssyncset.done $0x0  }
0x1a3: {  	[sflag:s31] =	ssyncadd.s32 $0xFFFFFF00  }
0x1a4: {  	v12 =	vld [tilespmem:$0x10];
	_ =	sdelay $0x1  }
0x1a5: {  	v13 =	vld [tilespmem:$0x0];
	_ =	sdelay $0x2  }
0x1a6: {  	v14 =	vbroadcast v12, $0xF  }
0x1a7: {  	v15 =	vbroadcast v12, $0x5  }
0x1a8: {  	v16 =	vbroadcast v12, $0x6;
	v13 =	vsel vm1, v14, v13  }
0x1a9: {  	v56 =	vbroadcast v12, $0x7;
	v13 =	vsel vm2, v13, v15  }
0x1aa: {  	v57 =	vbroadcast v12, $0x8;
	v13 =	vsel vm3, v13, v16  }
0x1ab: {  	v58 =	vbroadcast v12, $0x9;
	v13 =	vsel vm4, v13, v56  }
0x1ac: {  	v59 =	vbroadcast v12, $0xA;
	v13 =	vsel vm5, v13, v57  }
0x1ad: {  	v60 =	vbroadcast v12, $0xB;
	v13 =	vsel vm6, v13, v58  }
0x1ae: {  	v61 =	vbroadcast v12, $0xC;
	v13 =	vsel vm7, v13, v59  }
0x1af: {  	v62 =	vbroadcast v12, $0xD;
	v13 =	vsel vm8, v13, v60  }
0x1b0: {  	v12 =	vbroadcast v12, $0xE;
	v13 =	vsel vm9, v13, v61  }
0x1b1: {  	v13 =	vsel vm10, v13, v62  }
0x1b2: {  	v12 =	vsel vm11, v13, v12  }
0x1b3: {  	v12 =	vsel vm12, v12, v14  }
0x1b4: {  	v63 =	vshll.u32 v12, $0x3  }
0x1b5: {  	v12 =	vand.u32 $0x7, v12;
	v13 =	vand.u32 $0xFFFFFFC0, v63  }
0x1b6: {  	v12 =	vor.u32 v12, v13  }
0x1b7: {  	v13 =	vperm.xlane v12, v0;
	_ =	sdelay $0x1  }
0x1b8: {  	v13 =	vadd.s32 v2, v13;
	_ =	sdelay $0x4  }
0x1b9: {  	[tilespmem:s21], [sflag:$0x9] =	stream.indirect_vreg.gather [hbm4b:s1+s4], $0x80, v13, vm0, $0xb8;
	[tilespmem:$0x1A100] =	vst v63  }
0x1ba: {  	s0 =	simm.s32 $0x16900;
	v12 =	vperm.xlane v12, v7  }
0x1bb: {  	[tilespmem:s0], [sflag:$0x9] =	stream.indirect_vreg.gather [hbm4b:s11+s4], $0x80, v13, vm0, $0xb8;
	[tilespmem:$0x1A100] =	vst v63  }
0x1bc: {  	s26 =	simm.s32 $0x17100;
	v12 =	vadd.s32 v2, v12  }
0x1bd: {  	[tilespmem:s26], [sflag:$0x9] =	stream.indirect_vreg.gather [hbm4b:s13+s4], $0x80, v13, vm0, $0xb8;
	[tilespmem:$0x1A100] =	vst v63  }
0x1be: {  	s31 =	simm.s32 $0x17900  }
0x1bf: {  	[tilespmem:s31], [sflag:$0x9] =	stream.indirect_vreg.gather [hbm4b:s14+s4], $0x80, v13, vm0, $0xb8;
	[tilespmem:$0x1A100] =	vst v63  }
0x1c0: {  	s2 =	simm.s32 $0x18100  }
0x1c1: {  	[tilespmem:s2], [sflag:$0x9] =	stream.indirect_vreg.gather [hbm4b:s1+s4], $0x80, v12, vm0, $0xb8;
	[tilespmem:$0x1A100] =	vst v63  }
0x1c2: {  	s12 =	simm.s32 $0x18900  }
0x1c3: {  	[tilespmem:s12], [sflag:$0x9] =	stream.indirect_vreg.gather [hbm4b:s11+s4], $0x80, v12, vm0, $0xb8;
	[tilespmem:$0x1A100] =	vst v63  }
0x1c4: {  	s26 =	simm.s32 $0x19100  }
0x1c5: {  	[tilespmem:s26], [sflag:$0x9] =	stream.indirect_vreg.gather [hbm4b:s13+s4], $0x80, v12, vm0, $0xb8;
	[tilespmem:$0x1A100] =	vst v63  }
0x1c6: {  	s31 =	simm.s32 $0x19900  }
0x1c7: {  	[tilespmem:s31], [sflag:$0x9] =	stream.indirect_vreg.gather [hbm4b:s14+s4], $0x80, v12, vm0, $0xb8;
	[tilespmem:$0x1A100] =	vst v63  }
.LBB2_13:
.Ltmp11:
0x1c8: {  	(pc) =	sbr.rel @!p6 .LBB2_15-.Ltmp11, $1  }
0x1c9: {  	_ =	sdelay $0x3  }
0x1ca: {  	v12 =	vld [tilespmem:$0x10];
	_ =	sdelay $0x1  }
0x1cb: {  	v13 =	vld [tilespmem:$0x0];
	_ =	sdelay $0x2  }
0x1cc: {  	v14 =	vbroadcast v12, $0xF  }
0x1cd: {  	v15 =	vbroadcast v12, $0x5  }
0x1ce: {  	v16 =	vbroadcast v12, $0x6;
	v13 =	vsel vm1, v14, v13  }
0x1cf: {  	v56 =	vbroadcast v12, $0x7;
	v13 =	vsel vm2, v13, v15  }
0x1d0: {  	v57 =	vbroadcast v12, $0x8;
	v13 =	vsel vm3, v13, v16  }
0x1d1: {  	v58 =	vbroadcast v12, $0x9;
	v13 =	vsel vm4, v13, v56  }
0x1d2: {  	v59 =	vbroadcast v12, $0xA;
	v13 =	vsel vm5, v13, v57  }
0x1d3: {  	v60 =	vbroadcast v12, $0xB;
	v13 =	vsel vm6, v13, v58  }
0x1d4: {  	v61 =	vbroadcast v12, $0xC;
	v13 =	vsel vm7, v13, v59  }
0x1d5: {  	v62 =	vbroadcast v12, $0xD;
	v13 =	vsel vm8, v13, v60  }
0x1d6: {  	v12 =	vbroadcast v12, $0xE;
	v13 =	vsel vm9, v13, v61  }
0x1d7: {  	v13 =	vsel vm10, v13, v62  }
0x1d8: {  	v12 =	vsel vm11, v13, v12  }
0x1d9: {  	v12 =	vsel vm12, v12, v14  }
0x1da: {  	v63 =	vshll.u32 v12, $0x3  }
0x1db: {  	v12 =	vand.u32 $0x7, v12;
	v13 =	vand.u32 $0xFFFFFFC0, v63  }
0x1dc: {  	v12 =	vor.u32 v12, v13  }
0x1dd: {  	v13 =	vperm.xlane v12, v0;
	_ =	sdelay $0x1  }
0x1de: {  	v13 =	vadd.s32 v2, v13;
	_ =	sdelay $0x4  }
0x1df: {  	[tilespmem:s21], [sflag:$0x9] =	stream.indirect_vreg.gather [hbm4b:s1+s4], $0x80, v13, vm0, $0xb8;
	[tilespmem:$0x1A100] =	vst v63  }
0x1e0: {  	s0 =	simm.s32 $0x16900;
	v12 =	vperm.xlane v12, v7  }
0x1e1: {  	[tilespmem:s0], [sflag:$0x9] =	stream.indirect_vreg.gather [hbm4b:s11+s4], $0x80, v13, vm0, $0xb8;
	[tilespmem:$0x1A100] =	vst v63  }
0x1e2: {  	s26 =	simm.s32 $0x17100;
	v12 =	vadd.s32 v2, v12  }
0x1e3: {  	[tilespmem:s26], [sflag:$0x9] =	stream.indirect_vreg.gather [hbm4b:s13+s4], $0x80, v13, vm0, $0xb8;
	[tilespmem:$0x1A100] =	vst v63  }
0x1e4: {  	s31 =	simm.s32 $0x17900  }
0x1e5: {  	[tilespmem:s31], [sflag:$0x9] =	stream.indirect_vreg.gather [hbm4b:s14+s4], $0x80, v13, vm0, $0xb8;
	[tilespmem:$0x1A100] =	vst v63  }
0x1e6: {  	s2 =	simm.s32 $0x18100  }
0x1e7: {  	[tilespmem:s2], [sflag:$0x9] =	stream.indirect_vreg.gather [hbm4b:s1+s4], $0x80, v12, vm0, $0xb8;
	[tilespmem:$0x1A100] =	vst v63  }
0x1e8: {  	s12 =	simm.s32 $0x18900  }
0x1e9: {  	[tilespmem:s12], [sflag:$0x9] =	stream.indirect_vreg.gather [hbm4b:s11+s4], $0x80, v12, vm0, $0xb8;
	[tilespmem:$0x1A100] =	vst v63  }
0x1ea: {  	s26 =	simm.s32 $0x19100  }
0x1eb: {  	[tilespmem:s26], [sflag:$0x9] =	stream.indirect_vreg.gather [hbm4b:s13+s4], $0x80, v12, vm0, $0xb8;
	[tilespmem:$0x1A100] =	vst v63  }
0x1ec: {  	s31 =	simm.s32 $0x19900  }
0x1ed: {  	[tilespmem:s31], [sflag:$0x9] =	stream.indirect_vreg.gather [hbm4b:s14+s4], $0x80, v12, vm0, $0xb8;
	[tilespmem:$0x1A100] =	vst v63  }
.LBB2_15:
.Ltmp12:
0x1ee: {  	(pc) =	sbr.rel @!p0 .LBB2_17-.Ltmp12, $1  }
0x1ef: {  	_ =	sdelay $0x3  }
0x1f0: {  	v12 =	vld [tilespmem:$0x10];
	_ =	sdelay $0x1  }
0x1f1: {  	v13 =	vld [tilespmem:$0x0];
	_ =	sdelay $0x2  }
0x1f2: {  	v14 =	vbroadcast v12, $0xF  }
0x1f3: {  	v15 =	vbroadcast v12, $0x5  }
0x1f4: {  	v16 =	vbroadcast v12, $0x6;
	v13 =	vsel vm1, v14, v13  }
0x1f5: {  	v56 =	vbroadcast v12, $0x7;
	v13 =	vsel vm2, v13, v15  }
0x1f6: {  	v57 =	vbroadcast v12, $0x8;
	v13 =	vsel vm3, v13, v16  }
0x1f7: {  	v58 =	vbroadcast v12, $0x9;
	v13 =	vsel vm4, v13, v56  }
0x1f8: {  	v59 =	vbroadcast v12, $0xA;
	v13 =	vsel vm5, v13, v57  }
0x1f9: {  	v60 =	vbroadcast v12, $0xB;
	v13 =	vsel vm6, v13, v58  }
0x1fa: {  	v61 =	vbroadcast v12, $0xC;
	v13 =	vsel vm7, v13, v59  }
0x1fb: {  	v62 =	vbroadcast v12, $0xD;
	v13 =	vsel vm8, v13, v60  }
0x1fc: {  	v12 =	vbroadcast v12, $0xE;
	v13 =	vsel vm9, v13, v61  }
0x1fd: {  	v13 =	vsel vm10, v13, v62  }
0x1fe: {  	v12 =	vsel vm11, v13, v12  }
0x1ff: {  	v12 =	vsel vm12, v12, v14  }
0x200: {  	v63 =	vshll.u32 v12, $0x3  }
0x201: {  	v12 =	vand.u32 $0x7, v12;
	v13 =	vand.u32 $0xFFFFFFC0, v63  }
0x202: {  	v12 =	vor.u32 v12, v13  }
0x203: {  	v13 =	vperm.xlane v12, v0;
	_ =	sdelay $0x1  }
0x204: {  	v13 =	vadd.s32 v2, v13;
	_ =	sdelay $0x4  }
0x205: {  	[tilespmem:s21], [sflag:$0x9] =	stream.indirect_vreg.gather [hbm4b:s1+s4], $0x80, v13, vm0, $0xb8;
	[tilespmem:$0x1A100] =	vst v63  }
0x206: {  	s0 =	simm.s32 $0x16900;
	v12 =	vperm.xlane v12, v7  }
0x207: {  	[tilespmem:s0], [sflag:$0x9] =	stream.indirect_vreg.gather [hbm4b:s11+s4], $0x80, v13, vm0, $0xb8;
	[tilespmem:$0x1A100] =	vst v63  }
0x208: {  	s26 =	simm.s32 $0x17100;
	v12 =	vadd.s32 v2, v12  }
0x209: {  	[tilespmem:s26], [sflag:$0x9] =	stream.indirect_vreg.gather [hbm4b:s13+s4], $0x80, v13, vm0, $0xb8;
	[tilespmem:$0x1A100] =	vst v63  }
0x20a: {  	s31 =	simm.s32 $0x17900  }
0x20b: {  	[tilespmem:s31], [sflag:$0x9] =	stream.indirect_vreg.gather [hbm4b:s14+s4], $0x80, v13, vm0, $0xb8;
	[tilespmem:$0x1A100] =	vst v63  }
0x20c: {  	s2 =	simm.s32 $0x18100  }
0x20d: {  	[tilespmem:s2], [sflag:$0x9] =	stream.indirect_vreg.gather [hbm4b:s1+s4], $0x80, v12, vm0, $0xb8;
	[tilespmem:$0x1A100] =	vst v63  }
0x20e: {  	s12 =	simm.s32 $0x18900  }
0x20f: {  	[tilespmem:s12], [sflag:$0x9] =	stream.indirect_vreg.gather [hbm4b:s11+s4], $0x80, v12, vm0, $0xb8;
	[tilespmem:$0x1A100] =	vst v63  }
0x210: {  	s26 =	simm.s32 $0x19100  }
0x211: {  	[tilespmem:s26], [sflag:$0x9] =	stream.indirect_vreg.gather [hbm4b:s13+s4], $0x80, v12, vm0, $0xb8;
	[tilespmem:$0x1A100] =	vst v63  }
0x212: {  	s31 =	simm.s32 $0x19900  }
0x213: {  	[tilespmem:s31], [sflag:$0x9] =	stream.indirect_vreg.gather [hbm4b:s14+s4], $0x80, v12, vm0, $0xb8;
	[tilespmem:$0x1A100] =	vst v63  }
.LBB2_17:
.Ltmp13:
0x214: {  	(pc) =	sbr.rel @!p3 .LBB2_19-.Ltmp13, $1  }
0x215: {  	_ =	sdelay $0x3  }
0x216: {  	v12 =	vld [tilespmem:$0x10];
	_ =	sdelay $0x1  }
0x217: {  	v13 =	vld [tilespmem:$0x0];
	_ =	sdelay $0x2  }
0x218: {  	v14 =	vbroadcast v12, $0xF  }
0x219: {  	v15 =	vbroadcast v12, $0x5  }
0x21a: {  	v16 =	vbroadcast v12, $0x6;
	v13 =	vsel vm1, v14, v13  }
0x21b: {  	v56 =	vbroadcast v12, $0x7;
	v13 =	vsel vm2, v13, v15  }
0x21c: {  	v57 =	vbroadcast v12, $0x8;
	v13 =	vsel vm3, v13, v16  }
0x21d: {  	v58 =	vbroadcast v12, $0x9;
	v13 =	vsel vm4, v13, v56  }
0x21e: {  	v59 =	vbroadcast v12, $0xA;
	v13 =	vsel vm5, v13, v57  }
0x21f: {  	v60 =	vbroadcast v12, $0xB;
	v13 =	vsel vm6, v13, v58  }
0x220: {  	v61 =	vbroadcast v12, $0xC;
	v13 =	vsel vm7, v13, v59  }
0x221: {  	v62 =	vbroadcast v12, $0xD;
	v13 =	vsel vm8, v13, v60  }
0x222: {  	v12 =	vbroadcast v12, $0xE;
	v13 =	vsel vm9, v13, v61  }
0x223: {  	v13 =	vsel vm10, v13, v62  }
0x224: {  	v12 =	vsel vm11, v13, v12  }
0x225: {  	v12 =	vsel vm12, v12, v14  }
0x226: {  	v63 =	vshll.u32 v12, $0x3  }
0x227: {  	v12 =	vand.u32 $0x7, v12;
	v13 =	vand.u32 $0xFFFFFFC0, v63  }
0x228: {  	v12 =	vor.u32 v12, v13  }
0x229: {  	v13 =	vperm.xlane v12, v0;
	_ =	sdelay $0x1  }
0x22a: {  	v13 =	vadd.s32 v2, v13;
	_ =	sdelay $0x4  }
0x22b: {  	[tilespmem:s21], [sflag:$0x9] =	stream.indirect_vreg.gather [hbm4b:s1+s4], $0x80, v13, vm0, $0xb8;
	[tilespmem:$0x1A100] =	vst v63  }
0x22c: {  	s0 =	simm.s32 $0x16900;
	v12 =	vperm.xlane v12, v7  }
0x22d: {  	[tilespmem:s0], [sflag:$0x9] =	stream.indirect_vreg.gather [hbm4b:s11+s4], $0x80, v13, vm0, $0xb8;
	[tilespmem:$0x1A100] =	vst v63  }
0x22e: {  	s31 =	simm.s32 $0x17100;
	v12 =	vadd.s32 v2, v12  }
0x22f: {  	[tilespmem:s31], [sflag:$0x9] =	stream.indirect_vreg.gather [hbm4b:s13+s4], $0x80, v13, vm0, $0xb8;
	[tilespmem:$0x1A100] =	vst v63  }
0x230: {  	s2 =	simm.s32 $0x17900  }
0x231: {  	[tilespmem:s2], [sflag:$0x9] =	stream.indirect_vreg.gather [hbm4b:s14+s4], $0x80, v13, vm0, $0xb8;
	[tilespmem:$0x1A100] =	vst v63  }
0x232: {  	s12 =	simm.s32 $0x18100  }
0x233: {  	[tilespmem:s12], [sflag:$0x9] =	stream.indirect_vreg.gather [hbm4b:s1+s4], $0x80, v12, vm0, $0xb8;
	[tilespmem:$0x1A100] =	vst v63  }
0x234: {  	s21 =	simm.s32 $0x18900  }
0x235: {  	[tilespmem:s21], [sflag:$0x9] =	stream.indirect_vreg.gather [hbm4b:s11+s4], $0x80, v12, vm0, $0xb8;
	[tilespmem:$0x1A100] =	vst v63  }
0x236: {  	s26 =	simm.s32 $0x19100  }
0x237: {  	[tilespmem:s26], [sflag:$0x9] =	stream.indirect_vreg.gather [hbm4b:s13+s4], $0x80, v12, vm0, $0xb8;
	[tilespmem:$0x1A100] =	vst v63  }
0x238: {  	s31 =	simm.s32 $0x19900  }
0x239: {  	[tilespmem:s31], [sflag:$0x9] =	stream.indirect_vreg.gather [hbm4b:s14+s4], $0x80, v12, vm0, $0xb8;
	[tilespmem:$0x1A100] =	vst v63  }
.LBB2_19:
0x23a: {  	v12 =	vld @!p1 [tilespmem:$0x0];
	_ =	sdelay $0x4  }
0x23b: {  	v13 =	vshll.u32 @!p1 v12, $0x3  }
0x23c: {  	v14 =	vlaneseq.u32 @!p1;
	v12 =	vand.u32 @!p1 $0x7, v12;
	v13 =	vand.u32 @!p1 $0xFFFFFFC0, v13  }
0x23d: {  	v15 =	vshrl.u32 @!p1 v14, $0x3;
	v12 =	vor.u32 @!p1 v12, v13;
	v13 =	vand.u32 @!p1 $0x7, v14  }
0x23e: {  	v15 =	vmul.u32 @!p1 $0x8, v15;
	v16 =	vperm.xlane @!p1 v12, v13;
	_ =	sdelay $0x1  }
0x23f: {  	v16 =	vadd.s32 @!p1 v15, v16;
	_ =	sdelay $0x3  }
0x240: {  	s12 =	simm.s32 @!p1 $0x0;
	s31 =	simm.s32 @!p1 $0x100  }
0x241: {  	v14 =	vor.u32 @!p1 $0x8, v14;
	[tilespmem:s31], [sflag:$0x1] =	stream.indirect_vreg.gather @!p1 [hbm4b:s1+s12], $0x80, v16, vm13, $0xb8;
	[tilespmem:$0x1A100] =	vst v63  }
0x242: {  	s0 =	simm.s32 @!p1 $0x900;
	v12 =	vperm.xlane @!p1 v12, v14  }
0x243: {  	[tilespmem:s0], [sflag:$0x1] =	stream.indirect_vreg.gather @!p1 [hbm4b:s11+s12], $0x80, v16, vm13, $0xb8;
	[tilespmem:$0x1A100] =	vst v63  }
0x244: {  	v12 =	vadd.s32 @!p1 v15, v12;
	s0 =	simm.s32 @!p1 $0x1100  }
0x245: {  	[tilespmem:s0], [sflag:$0x1] =	stream.indirect_vreg.gather @!p1 [hbm4b:s13+s12], $0x80, v16, vm13, $0xb8;
	[tilespmem:$0x1A100] =	vst v63  }
0x246: {  	s0 =	simm.s32 @!p1 $0x1900  }
0x247: {  	[tilespmem:s0], [sflag:$0x1] =	stream.indirect_vreg.gather @!p1 [hbm4b:s14+s12], $0x80, v16, vm13, $0xb8;
	[tilespmem:$0x1A100] =	vst v63  }
0x248: {  	s0 =	simm.s32 @!p1 $0x2100  }
0x249: {  	[tilespmem:s0], [sflag:$0x1] =	stream.indirect_vreg.gather @!p1 [hbm4b:s1+s12], $0x80, v12, vm13, $0xb8;
	[tilespmem:$0x1A100] =	vst v63  }
0x24a: {  	s0 =	simm.s32 @!p1 $0x2900  }
0x24b: {  	[tilespmem:s0], [sflag:$0x1] =	stream.indirect_vreg.gather @!p1 [hbm4b:s11+s12], $0x80, v12, vm13, $0xb8;
	[tilespmem:$0x1A100] =	vst v63  }
0x24c: {  	s0 =	simm.s32 @!p1 $0x3100  }
0x24d: {  	[tilespmem:s0], [sflag:$0x1] =	stream.indirect_vreg.gather @!p1 [hbm4b:s13+s12], $0x80, v12, vm13, $0xb8;
	[tilespmem:$0x1A100] =	vst v63  }
0x24e: {  	s0 =	simm.s32 @!p1 $0x3900  }
0x24f: {  	[tilespmem:s0], [sflag:$0x1] =	stream.indirect_vreg.gather @!p1 [hbm4b:s14+s12], $0x80, v12, vm13, $0xb8;
	[tilespmem:$0x1A100] =	vst v63  }
0x250: {  	v12 =	vld @!p1 [tilespmem:$0x10];
	_ =	sdelay $0x4  }
0x251: {  	v16 =	vshll.u32 @!p1 v12, $0x3  }
0x252: {  	v12 =	vand.u32 @!p1 $0x7, v12;
	v16 =	vand.u32 @!p1 $0xFFFFFFC0, v16  }
0x253: {  	v12 =	vor.u32 @!p1 v12, v16  }
0x254: {  	v13 =	vperm.xlane @!p1 v12, v13;
	_ =	sdelay $0x1  }
0x255: {  	v13 =	vadd.s32 @!p1 v15, v13;
	_ =	sdelay $0x3  }
0x256: {  	s0 =	simm.s32 @!p1 $0x4100  }
0x257: {  	[tilespmem:s0], [sflag:$0x1] =	stream.indirect_vreg.gather @!p1 [hbm4b:s1+s12], $0x80, v13, vm13, $0xb8;
	[tilespmem:$0x1A100] =	vst v63  }
0x258: {  	v12 =	vperm.xlane @!p1 v12, v14;
	s0 =	simm.s32 @!p1 $0x4900  }
0x259: {  	[tilespmem:s0], [sflag:$0x1] =	stream.indirect_vreg.gather @!p1 [hbm4b:s11+s12], $0x80, v13, vm13, $0xb8;
	[tilespmem:$0x1A100] =	vst v63  }
0x25a: {  	v12 =	vadd.s32 @!p1 v15, v12;
	s0 =	simm.s32 @!p1 $0x5100  }
0x25b: {  	[tilespmem:s0], [sflag:$0x1] =	stream.indirect_vreg.gather @!p1 [hbm4b:s13+s12], $0x80, v13, vm13, $0xb8;
	[tilespmem:$0x1A100] =	vst v63  }
0x25c: {  	s0 =	simm.s32 @!p1 $0x5900  }
0x25d: {  	[tilespmem:s0], [sflag:$0x1] =	stream.indirect_vreg.gather @!p1 [hbm4b:s14+s12], $0x80, v13, vm13, $0xb8;
	[tilespmem:$0x1A100] =	vst v63  }
0x25e: {  	s0 =	simm.s32 @!p1 $0x6100  }
0x25f: {  	[tilespmem:s0], [sflag:$0x1] =	stream.indirect_vreg.gather @!p1 [hbm4b:s1+s12], $0x80, v12, vm13, $0xb8;
	[tilespmem:$0x1A100] =	vst v63  }
0x260: {  	s0 =	simm.s32 @!p1 $0x6900  }
0x261: {  	[tilespmem:s0], [sflag:$0x1] =	stream.indirect_vreg.gather @!p1 [hbm4b:s11+s12], $0x80, v12, vm13, $0xb8;
	[tilespmem:$0x1A100] =	vst v63  }
0x262: {  	s0 =	simm.s32 @!p1 $0x7100  }
0x263: {  	[tilespmem:s0], [sflag:$0x1] =	stream.indirect_vreg.gather @!p1 [hbm4b:s13+s12], $0x80, v12, vm13, $0xb8;
	[tilespmem:$0x1A100] =	vst v63  }
0x264: {  	s0 =	simm.s32 @!p1 $0x7900  }
0x265: {  	[tilespmem:s0], [sflag:$0x1] =	stream.indirect_vreg.gather @!p1 [hbm4b:s14+s12], $0x80, v12, vm13, $0xb8;
	[tilespmem:$0x1A100] =	vst v63  }
0x266: {  	v12 =	vld [tilespmem:$0x20];
	_ =	sdelay $0x4  }
0x267: {  	v59 =	vshll.u32 v12, $0x3  }
0x268: {  	v12 =	vand.u32 $0x7, v12;
	v13 =	vand.u32 $0xFFFFFFC0, v59  }
0x269: {  	v12 =	vor.u32 v12, v13  }
0x26a: {  	v13 =	vperm.xlane v12, v0;
	_ =	sdelay $0x1  }
0x26b: {  	v13 =	vadd.s32 v2, v13;
	_ =	sdelay $0x4  }
0x26c: {  	[tilespmem:s19], [sflag:$0x2] =	stream.indirect_vreg.gather [hbm4b:s1+s4], $0x80, v13, vm0, $0xb8;
	[tilespmem:$0x1A100] =	vst v63  }
0x26d: {  	s21 =	simm.s32 $0x8900;
	v12 =	vperm.xlane v12, v7  }
0x26e: {  	[tilespmem:s21], [sflag:$0x2] =	stream.indirect_vreg.gather [hbm4b:s11+s4], $0x80, v13, vm0, $0xb8;
	[tilespmem:$0x1A100] =	vst v63  }
0x26f: {  	s26 =	simm.s32 $0x9100;
	v12 =	vadd.s32 v2, v12  }
0x270: {  	[tilespmem:s26], [sflag:$0x2] =	stream.indirect_vreg.gather [hbm4b:s13+s4], $0x80, v13, vm0, $0xb8;
	[tilespmem:$0x1A100] =	vst v63  }
0x271: {  	_ = 	snop  }
0x272: {  	[tilespmem:s18], [sflag:$0x2] =	stream.indirect_vreg.gather [hbm4b:s14+s4], $0x80, v13, vm0, $0xb8;
	[tilespmem:$0x1A100] =	vst v63  }
0x273: {  	_ = 	snop  }
0x274: {  	[tilespmem:s5], [sflag:$0x2] =	stream.indirect_vreg.gather [hbm4b:s1+s4], $0x80, v12, vm0, $0xb8;
	[tilespmem:$0x1A100] =	vst v63  }
0x275: {  	_ = 	snop  }
0x276: {  	[tilespmem:s8], [sflag:$0x2] =	stream.indirect_vreg.gather [hbm4b:s11+s4], $0x80, v12, vm0, $0xb8;
	[tilespmem:$0x1A100] =	vst v63  }
0x277: {  	_ = 	snop  }
0x278: {  	[tilespmem:s25], [sflag:$0x2] =	stream.indirect_vreg.gather [hbm4b:s13+s4], $0x80, v12, vm0, $0xb8;
	[tilespmem:$0x1A100] =	vst v63  }
0x279: {  	_ = 	snop  }
0x27a: {  	[tilespmem:s28], [sflag:$0x2] =	stream.indirect_vreg.gather [hbm4b:s14+s4], $0x80, v12, vm0, $0xb8;
	[tilespmem:$0x1A100] =	vst v63  }
0x27b: {  	v12 =	vld [tilespmem:$0x30];
	_ =	sdelay $0x4  }
0x27c: {  	v60 =	vshll.u32 v12, $0x3  }
0x27d: {  	v12 =	vand.u32 $0x7, v12;
	v13 =	vand.u32 $0xFFFFFFC0, v60  }
0x27e: {  	v12 =	vor.u32 v12, v13  }
0x27f: {  	v13 =	vperm.xlane v12, v0;
	_ =	sdelay $0x1  }
0x280: {  	v13 =	vadd.s32 v2, v13;
	_ =	sdelay $0x4  }
0x281: {  	[tilespmem:s29], [sflag:$0x2] =	stream.indirect_vreg.gather [hbm4b:s1+s4], $0x80, v13, vm0, $0xb8;
	[tilespmem:$0x1A100] =	vst v63  }
0x282: {  	v12 =	vperm.xlane v12, v7  }
0x283: {  	[tilespmem:s17], [sflag:$0x2] =	stream.indirect_vreg.gather [hbm4b:s11+s4], $0x80, v13, vm0, $0xb8;
	[tilespmem:$0x1A100] =	vst v63  }
0x284: {  	v12 =	vadd.s32 v2, v12  }
0x285: {  	[tilespmem:s10], [sflag:$0x2] =	stream.indirect_vreg.gather [hbm4b:s13+s4], $0x80, v13, vm0, $0xb8;
	[tilespmem:$0x1A100] =	vst v63  }
0x286: {  	_ = 	snop  }
0x287: {  	[tilespmem:s6], [sflag:$0x2] =	stream.indirect_vreg.gather [hbm4b:s14+s4], $0x80, v13, vm0, $0xb8;
	[tilespmem:$0x1A100] =	vst v63  }
0x288: {  	_ = 	snop  }
0x289: {  	[tilespmem:s20], [sflag:$0x2] =	stream.indirect_vreg.gather [hbm4b:s1+s4], $0x80, v12, vm0, $0xb8;
	[tilespmem:$0x1A100] =	vst v63  }
0x28a: {  	_ = 	snop  }
0x28b: {  	[tilespmem:s16], [sflag:$0x2] =	stream.indirect_vreg.gather [hbm4b:s11+s4], $0x80, v12, vm0, $0xb8;
	[tilespmem:$0x1A100] =	vst v63  }
0x28c: {  	_ = 	snop  }
0x28d: {  	[tilespmem:s3], [sflag:$0x2] =	stream.indirect_vreg.gather [hbm4b:s13+s4], $0x80, v12, vm0, $0xb8;
	[tilespmem:$0x1A100] =	vst v63  }
0x28e: {  	s0 =	simm.s32 @!p1 $0x1  }
0x28f: {  	[tilespmem:s24], [sflag:$0x2] =	stream.indirect_vreg.gather [hbm4b:s14+s4], $0x80, v12, vm0, $0xb8;
	[tilespmem:$0x1A100] =	vst v63  }
0x290: {  	_ =	swait.ge @!p1 [sflag:s0], $0x8000  }
0x291: {  	[sflag:s0] =	ssyncset.done @!p1 $0x0  }
0x292: {  	[sflag:s0] =	ssyncadd.s32 @!p1 $0xFFFF8000;
	s0 =	rddreg [dreg:$0xa]  }
0x293: {  	[hbm4b:s0+s12] =	stream.linear.scatter @!p1 [tilespmem:s31], [sflag:$0x3], $0x8000, $0x38;
	[tilespmem:$0x1A100] =	vst v63  }
0x294: {  	s0 =	simm.s32 @!p1 $0x3  }
0x295: {  	_ =	swait.ge @!p1 [sflag:s0], $0x8000  }
0x296: {  	[sflag:s0] =	ssyncset.done @!p1 $0x0  }
0x297: {  	[sflag:s0] =	ssyncadd.s32 @!p1 $0xFFFF8000  }
0x298: {  	v61 =	vld [tilespmem:$0x40];
	_ =	sdelay $0x4  }
0x299: {  	v62 =	vshll.u32 v61, $0x3  }
0x29a: {  	v12 =	vand.u32 $0x7, v61;
	v13 =	vand.u32 $0xFFFFFFC0, v62  }
0x29b: {  	v12 =	vor.u32 v12, v13  }
0x29c: {  	v13 =	vperm.xlane v12, v0;
	_ =	sdelay $0x1  }
0x29d: {  	v13 =	vadd.s32 v2, v13;
	_ =	sdelay $0x4  }
0x29e: {  	[tilespmem:s30], [sflag:$0x1] =	stream.indirect_vreg.gather [hbm4b:s1+s4], $0x80, v13, vm0, $0xb8;
	[tilespmem:$0x1A100] =	vst v63  }
0x29f: {  	s2 =	simm.s32 $0x900;
	v12 =	vperm.xlane v12, v7  }
0x2a0: {  	[tilespmem:s2], [sflag:$0x1] =	stream.indirect_vreg.gather [hbm4b:s11+s4], $0x80, v13, vm0, $0xb8;
	[tilespmem:$0x1A100] =	vst v63  }
0x2a1: {  	s3 =	simm.s32 $0x1100;
	v12 =	vadd.s32 v2, v12  }
0x2a2: {  	[tilespmem:s3], [sflag:$0x1] =	stream.indirect_vreg.gather [hbm4b:s13+s4], $0x80, v13, vm0, $0xb8;
	[tilespmem:$0x1A100] =	vst v63  }
0x2a3: {  	s5 =	simm.s32 $0x1900  }
0x2a4: {  	[tilespmem:s5], [sflag:$0x1] =	stream.indirect_vreg.gather [hbm4b:s14+s4], $0x80, v13, vm0, $0xb8;
	[tilespmem:$0x1A100] =	vst v63  }
0x2a5: {  	s6 =	simm.s32 $0x2100  }
0x2a6: {  	[tilespmem:s6], [sflag:$0x1] =	stream.indirect_vreg.gather [hbm4b:s1+s4], $0x80, v12, vm0, $0xb8;
	[tilespmem:$0x1A100] =	vst v63  }
0x2a7: {  	s8 =	simm.s32 $0x2900  }
0x2a8: {  	[tilespmem:s8], [sflag:$0x1] =	stream.indirect_vreg.gather [hbm4b:s11+s4], $0x80, v12, vm0, $0xb8;
	[tilespmem:$0x1A100] =	vst v63  }
0x2a9: {  	s12 =	simm.s32 $0x3100  }
0x2aa: {  	[tilespmem:s12], [sflag:$0x1] =	stream.indirect_vreg.gather [hbm4b:s13+s4], $0x80, v12, vm0, $0xb8;
	[tilespmem:$0x1A100] =	vst v63  }
0x2ab: {  	s16 =	simm.s32 $0x3900  }
0x2ac: {  	[tilespmem:s16], [sflag:$0x1] =	stream.indirect_vreg.gather [hbm4b:s14+s4], $0x80, v12, vm0, $0xb8;
	[tilespmem:$0x1A100] =	vst v63  }
0x2ad: {  	v12 =	vld [tilespmem:$0x50];
	_ =	sdelay $0x4  }
0x2ae: {  	v63 =	vshll.u32 v12, $0x3  }
0x2af: {  	v12 =	vand.u32 $0x7, v12;
	v13 =	vand.u32 $0xFFFFFFC0, v63  }
0x2b0: {  	v12 =	vor.u32 v12, v13  }
0x2b1: {  	v13 =	vperm.xlane v12, v0;
	_ =	sdelay $0x1  }
0x2b2: {  	v13 =	vadd.s32 v2, v13;
	_ =	sdelay $0x3  }
0x2b3: {  	s17 =	simm.s32 $0x4100  }
0x2b4: {  	[tilespmem:s17], [sflag:$0x1] =	stream.indirect_vreg.gather [hbm4b:s1+s4], $0x80, v13, vm0, $0xb8;
	[tilespmem:$0x1A100] =	vst v63  }
0x2b5: {  	s18 =	simm.s32 $0x4900;
	v12 =	vperm.xlane v12, v7  }
0x2b6: {  	[tilespmem:s18], [sflag:$0x1] =	stream.indirect_vreg.gather [hbm4b:s11+s4], $0x80, v13, vm0, $0xb8;
	[tilespmem:$0x1A100] =	vst v63  }
0x2b7: {  	s20 =	simm.s32 $0x5100;
	v12 =	vadd.s32 v2, v12  }
0x2b8: {  	[tilespmem:s20], [sflag:$0x1] =	stream.indirect_vreg.gather [hbm4b:s13+s4], $0x80, v13, vm0, $0xb8;
	[tilespmem:$0x1A100] =	vst v63  }
0x2b9: {  	s21 =	simm.s32 $0x5900  }
0x2ba: {  	[tilespmem:s21], [sflag:$0x1] =	stream.indirect_vreg.gather [hbm4b:s14+s4], $0x80, v13, vm0, $0xb8;
	[tilespmem:$0x1A100] =	vst v63  }
0x2bb: {  	s24 =	simm.s32 $0x6100  }
0x2bc: {  	[tilespmem:s24], [sflag:$0x1] =	stream.indirect_vreg.gather [hbm4b:s1+s4], $0x80, v12, vm0, $0xb8;
	[tilespmem:$0x1A100] =	vst v63  }
0x2bd: {  	s26 =	simm.s32 $0x6900  }
0x2be: {  	[tilespmem:s26], [sflag:$0x1] =	stream.indirect_vreg.gather [hbm4b:s11+s4], $0x80, v12, vm0, $0xb8;
	[tilespmem:$0x1A100] =	vst v63  }
0x2bf: {  	s28 =	simm.s32 $0x7100  }
0x2c0: {  	[tilespmem:s28], [sflag:$0x1] =	stream.indirect_vreg.gather [hbm4b:s13+s4], $0x80, v12, vm0, $0xb8;
	[tilespmem:$0x1A100] =	vst v63  }
0x2c1: {  	s29 =	simm.s32 $0x7900  }
0x2c2: {  	[tilespmem:s29], [sflag:$0x1] =	stream.indirect_vreg.gather [hbm4b:s14+s4], $0x80, v12, vm0, $0xb8;
	[tilespmem:$0x1A100] =	vst v63  }
.Ltmp14:
0x2c3: {  	s30 =	simm.s32 $0x2;
	(pc) =	sbr.rel @p4 .LBB2_21-.Ltmp14, $4  }
0x2c4: {  	_ =	swait.ge [sflag:s30], $0x8000  }
0x2c5: {  	[sflag:s30] =	ssyncset.done $0x0  }
0x2c6: {  	s10 =	simm.s32 $0x16100;
	s31 =	rddreg [dreg:$0xb];
	[sflag:s30] =	ssyncadd.s32 $0xFFFF8000  }
0x2c7: {  	[hbm4b:s31+s4] =	stream.linear.scatter [tilespmem:s19], [sflag:$0x4], $0x8000, $0x38;
	[tilespmem:$0x1A100] =	vst v63  }
0x2c8: {  	s0 =	simm.s32 $0x5  }
0x2c9: {  	_ =	swait.ge [sflag:s0], $0x4000  }
0x2ca: {  	[sflag:s0] =	ssyncset.done $0x0  }
0x2cb: {  	s29 =	simm.s32 $0x6;
	[sflag:s0] =	ssyncadd.s32 $0xFFFFC000  }
0x2cc: {  	_ =	swait.ge [sflag:s29], $0x4000  }
0x2cd: {  	[sflag:s29] =	ssyncset.done $0x0  }
0x2ce: {  	[sflag:s29] =	ssyncadd.s32 $0xFFFFC000  }
0x2cf: {  	s2 =	simm.s32 $0x10100;
	s0 =	rddreg [dreg:$0x3]  }
0x2d0: {  	[hbm4b:s0+s4] =	stream.indirect_vreg.scatter [tilespmem:s2], [sflag:$0x7], $0x80, v8, vm0, $0xb8;
	[tilespmem:$0x1A100] =	vst v63  }
0x2d1: {  	s30 =	simm.s32 $0x10900;
	s12 =	rddreg [dreg:$0x13]  }
0x2d2: {  	[hbm4b:s12+s4] =	stream.indirect_vreg.scatter [tilespmem:s30], [sflag:$0x7], $0x80, v8, vm0, $0xb8;
	[tilespmem:$0x1A100] =	vst v63  }
0x2d3: {  	s31 =	simm.s32 $0x11100;
	s16 =	rddreg [dreg:$0x14]  }
0x2d4: {  	[hbm4b:s16+s4] =	stream.indirect_vreg.scatter [tilespmem:s31], [sflag:$0x7], $0x80, v8, vm0, $0xb8;
	[tilespmem:$0x1A100] =	vst v63  }
0x2d5: {  	s17 =	rddreg [dreg:$0x15]  }
0x2d6: {  	[hbm4b:s17+s4] =	stream.indirect_vreg.scatter [tilespmem:s15], [sflag:$0x7], $0x80, v8, vm0, $0xb8;
	[tilespmem:$0x1A100] =	vst v63  }
0x2d7: {  	_ = 	snop  }
0x2d8: {  	[hbm4b:s0+s4] =	stream.indirect_vreg.scatter [tilespmem:s7], [sflag:$0x7], $0x80, v9, vm0, $0xb8;
	[tilespmem:$0x1A100] =	vst v63  }
0x2d9: {  	v12 =	vperm.xlane v10, v0;
	s3 =	simm.s32 $0x12900  }
0x2da: {  	[hbm4b:s12+s4] =	stream.indirect_vreg.scatter [tilespmem:s3], [sflag:$0x7], $0x80, v9, vm0, $0xb8;
	[tilespmem:$0x1A100] =	vst v63  }
0x2db: {  	v12 =	vadd.s32 v2, v12  }
0x2dc: {  	[hbm4b:s16+s4] =	stream.indirect_vreg.scatter [tilespmem:s9], [sflag:$0x7], $0x80, v9, vm0, $0xb8;
	[tilespmem:$0x1A100] =	vst v63  }
0x2dd: {  	s5 =	simm.s32 $0x13900  }
0x2de: {  	[hbm4b:s17+s4] =	stream.indirect_vreg.scatter [tilespmem:s5], [sflag:$0x7], $0x80, v9, vm0, $0xb8;
	[tilespmem:$0x1A100] =	vst v63  }
0x2df: {  	_ = 	snop  }
0x2e0: {  	[hbm4b:s0+s4] =	stream.indirect_vreg.scatter [tilespmem:s7], [sflag:$0x8], $0x80, v12, vm0, $0xb8;
	[tilespmem:$0x1A100] =	vst v63  }
0x2e1: {  	v13 =	vperm.xlane v10, v7  }
0x2e2: {  	[hbm4b:s12+s4] =	stream.indirect_vreg.scatter [tilespmem:s3], [sflag:$0x8], $0x80, v12, vm0, $0xb8;
	[tilespmem:$0x1A100] =	vst v63  }
0x2e3: {  	v13 =	vadd.s32 v2, v13  }
0x2e4: {  	[hbm4b:s16+s4] =	stream.indirect_vreg.scatter [tilespmem:s9], [sflag:$0x8], $0x80, v12, vm0, $0xb8;
	[tilespmem:$0x1A100] =	vst v63  }
0x2e5: {  	_ = 	snop  }
0x2e6: {  	[hbm4b:s17+s4] =	stream.indirect_vreg.scatter [tilespmem:s5], [sflag:$0x8], $0x80, v12, vm0, $0xb8;
	[tilespmem:$0x1A100] =	vst v63  }
0x2e7: {  	s5 =	simm.s32 $0x14100  }
0x2e8: {  	[hbm4b:s0+s4] =	stream.indirect_vreg.scatter [tilespmem:s5], [sflag:$0x8], $0x80, v13, vm0, $0xb8;
	[tilespmem:$0x1A100] =	vst v63  }
0x2e9: {  	s6 =	simm.s32 $0x14900  }
0x2ea: {  	[hbm4b:s12+s4] =	stream.indirect_vreg.scatter [tilespmem:s6], [sflag:$0x8], $0x80, v13, vm0, $0xb8;
	[tilespmem:$0x1A100] =	vst v63  }
0x2eb: {  	v62 =	vperm.xlane v11, v0;
	s8 =	simm.s32 $0x15100  }
0x2ec: {  	[hbm4b:s16+s4] =	stream.indirect_vreg.scatter [tilespmem:s8], [sflag:$0x8], $0x80, v13, vm0, $0xb8;
	[tilespmem:$0x1A100] =	vst v63  }
0x2ed: {  	s18 =	simm.s32 $0x15900;
	s20 =	simm.s32 $0x9;
	v12 =	vadd.s32 v2, v62  }
0x2ee: {  	[hbm4b:s17+s4] =	stream.indirect_vreg.scatter [tilespmem:s18], [sflag:$0x8], $0x80, v13, vm0, $0xb8;
	[tilespmem:$0x1A100] =	vst v63  }
0x2ef: {  	_ =	swait.ge [sflag:s20], $0x4000  }
0x2f0: {  	[sflag:s20] =	ssyncset.done $0x0  }
0x2f1: {  	[sflag:s20] =	ssyncadd.s32 $0xFFFFC000  }
0x2f2: {  	[hbm4b:s0+s4] =	stream.indirect_vreg.scatter [tilespmem:s10], [sflag:$0xA], $0x80, v12, vm0, $0xb8;
	[tilespmem:$0x1A100] =	vst v63  }
0x2f3: {  	v63 =	vperm.xlane v11, v7;
	s21 =	simm.s32 $0x16900  }
0x2f4: {  	[hbm4b:s12+s4] =	stream.indirect_vreg.scatter [tilespmem:s21], [sflag:$0xA], $0x80, v12, vm0, $0xb8;
	[tilespmem:$0x1A100] =	vst v63  }
0x2f5: {  	s24 =	simm.s32 $0x17100;
	v13 =	vadd.s32 v2, v63  }
0x2f6: {  	[hbm4b:s16+s4] =	stream.indirect_vreg.scatter [tilespmem:s24], [sflag:$0xA], $0x80, v12, vm0, $0xb8;
	[tilespmem:$0x1A100] =	vst v63  }
0x2f7: {  	s26 =	simm.s32 $0x17900  }
0x2f8: {  	[hbm4b:s17+s4] =	stream.indirect_vreg.scatter [tilespmem:s26], [sflag:$0xA], $0x80, v12, vm0, $0xb8;
	[tilespmem:$0x1A100] =	vst v63  }
0x2f9: {  	s28 =	simm.s32 $0x18100  }
0x2fa: {  	[hbm4b:s0+s4] =	stream.indirect_vreg.scatter [tilespmem:s28], [sflag:$0xA], $0x80, v13, vm0, $0xb8;
	[tilespmem:$0x1A100] =	vst v63  }
0x2fb: {  	s29 =	simm.s32 $0x18900  }
0x2fc: {  	[hbm4b:s12+s4] =	stream.indirect_vreg.scatter [tilespmem:s29], [sflag:$0xA], $0x80, v13, vm0, $0xb8;
	[tilespmem:$0x1A100] =	vst v63  }
0x2fd: {  	s30 =	simm.s32 $0x19100  }
0x2fe: {  	[hbm4b:s16+s4] =	stream.indirect_vreg.scatter [tilespmem:s30], [sflag:$0xA], $0x80, v13, vm0, $0xb8;
	[tilespmem:$0x1A100] =	vst v63  }
0x2ff: {  	s31 =	simm.s32 $0x19900  }
0x300: {  	[hbm4b:s17+s4] =	stream.indirect_vreg.scatter [tilespmem:s31], [sflag:$0xA], $0x80, v13, vm0, $0xb8;
	[tilespmem:$0x1A100] =	vst v63  }
.LBB2_21:
.Ltmp15:
0x301: {  	(pc) =	sbr.rel @!p6 .LBB2_23-.Ltmp15, $1  }
0x302: {  	_ =	sdelay $0x3  }
0x303: {  	s0 =	simm.s32 $0x5  }
0x304: {  	_ =	swait.ge [sflag:s0], $0x4000  }
0x305: {  	[sflag:s0] =	ssyncset.done $0x0  }
0x306: {  	s28 =	simm.s32 $0x6;
	[sflag:s0] =	ssyncadd.s32 $0xFFFFC000  }
0x307: {  	_ =	swait.ge [sflag:s28], $0x4000  }
0x308: {  	[sflag:s28] =	ssyncset.done $0x0  }
0x309: {  	s29 =	simm.s32 $0x10100;
	s6 =	rddreg [dreg:$0x16];
	[sflag:s28] =	ssyncadd.s32 $0xFFFFC000  }
0x30a: {  	[hbm4b:s6+s4] =	stream.indirect_vreg.scatter [tilespmem:s29], [sflag:$0x7], $0x80, v8, vm0, $0xb8;
	[tilespmem:$0x1A100] =	vst v63  }
0x30b: {  	s2 =	simm.s32 $0x10900;
	s30 =	sadd.s32 $0x100, s6  }
0x30c: {  	[hbm4b:s30+s4] =	stream.indirect_vreg.scatter [tilespmem:s2], [sflag:$0x7], $0x80, v8, vm0, $0xb8;
	[tilespmem:$0x1A100] =	vst v63  }
0x30d: {  	s12 =	simm.s32 $0x11100;
	s31 =	sadd.s32 $0x200, s6  }
0x30e: {  	[hbm4b:s31+s4] =	stream.indirect_vreg.scatter [tilespmem:s12], [sflag:$0x7], $0x80, v8, vm0, $0xb8;
	[tilespmem:$0x1A100] =	vst v63  }
0x30f: {  	s12 =	sadd.s32 $0x300, s6  }
0x310: {  	[hbm4b:s12+s4] =	stream.indirect_vreg.scatter [tilespmem:s15], [sflag:$0x7], $0x80, v8, vm0, $0xb8;
	[tilespmem:$0x1A100] =	vst v63  }
0x311: {  	_ = 	snop  }
0x312: {  	[hbm4b:s6+s4] =	stream.indirect_vreg.scatter [tilespmem:s7], [sflag:$0x7], $0x80, v9, vm0, $0xb8;
	[tilespmem:$0x1A100] =	vst v63  }
0x313: {  	v12 =	vperm.xlane v10, v0;
	s5 =	simm.s32 $0x12900  }
0x314: {  	[hbm4b:s30+s4] =	stream.indirect_vreg.scatter [tilespmem:s5], [sflag:$0x7], $0x80, v9, vm0, $0xb8;
	[tilespmem:$0x1A100] =	vst v63  }
0x315: {  	v12 =	vadd.s32 v2, v12  }
0x316: {  	[hbm4b:s31+s4] =	stream.indirect_vreg.scatter [tilespmem:s9], [sflag:$0x7], $0x80, v9, vm0, $0xb8;
	[tilespmem:$0x1A100] =	vst v63  }
0x317: {  	s8 =	simm.s32 $0x13900  }
0x318: {  	[hbm4b:s12+s4] =	stream.indirect_vreg.scatter [tilespmem:s8], [sflag:$0x7], $0x80, v9, vm0, $0xb8;
	[tilespmem:$0x1A100] =	vst v63  }
0x319: {  	_ = 	snop  }
0x31a: {  	[hbm4b:s6+s4] =	stream.indirect_vreg.scatter [tilespmem:s7], [sflag:$0x8], $0x80, v12, vm0, $0xb8;
	[tilespmem:$0x1A100] =	vst v63  }
0x31b: {  	v13 =	vperm.xlane v10, v7  }
0x31c: {  	[hbm4b:s30+s4] =	stream.indirect_vreg.scatter [tilespmem:s5], [sflag:$0x8], $0x80, v12, vm0, $0xb8;
	[tilespmem:$0x1A100] =	vst v63  }
0x31d: {  	v13 =	vadd.s32 v2, v13  }
0x31e: {  	[hbm4b:s31+s4] =	stream.indirect_vreg.scatter [tilespmem:s9], [sflag:$0x8], $0x80, v12, vm0, $0xb8;
	[tilespmem:$0x1A100] =	vst v63  }
0x31f: {  	_ = 	snop  }
0x320: {  	[hbm4b:s12+s4] =	stream.indirect_vreg.scatter [tilespmem:s8], [sflag:$0x8], $0x80, v12, vm0, $0xb8;
	[tilespmem:$0x1A100] =	vst v63  }
0x321: {  	s21 =	simm.s32 $0x14100  }
0x322: {  	[hbm4b:s6+s4] =	stream.indirect_vreg.scatter [tilespmem:s21], [sflag:$0x8], $0x80, v13, vm0, $0xb8;
	[tilespmem:$0x1A100] =	vst v63  }
0x323: {  	s16 =	simm.s32 $0x14900  }
0x324: {  	[hbm4b:s30+s4] =	stream.indirect_vreg.scatter [tilespmem:s16], [sflag:$0x8], $0x80, v13, vm0, $0xb8;
	[tilespmem:$0x1A100] =	vst v63  }
0x325: {  	v62 =	vperm.xlane v11, v0;
	s17 =	simm.s32 $0x15100  }
0x326: {  	[hbm4b:s31+s4] =	stream.indirect_vreg.scatter [tilespmem:s17], [sflag:$0x8], $0x80, v13, vm0, $0xb8;
	[tilespmem:$0x1A100] =	vst v63  }
0x327: {  	s18 =	simm.s32 $0x15900;
	s3 =	simm.s32 $0x9;
	v12 =	vadd.s32 v2, v62  }
0x328: {  	[hbm4b:s12+s4] =	stream.indirect_vreg.scatter [tilespmem:s18], [sflag:$0x8], $0x80, v13, vm0, $0xb8;
	[tilespmem:$0x1A100] =	vst v63  }
0x329: {  	_ =	swait.ge [sflag:s3], $0x4000  }
0x32a: {  	[sflag:s3] =	ssyncset.done $0x0  }
0x32b: {  	[sflag:s3] =	ssyncadd.s32 $0xFFFFC000  }
0x32c: {  	[hbm4b:s6+s4] =	stream.indirect_vreg.scatter [tilespmem:s10], [sflag:$0xA], $0x80, v12, vm0, $0xb8;
	[tilespmem:$0x1A100] =	vst v63  }
0x32d: {  	v63 =	vperm.xlane v11, v7;
	s20 =	simm.s32 $0x16900  }
0x32e: {  	[hbm4b:s30+s4] =	stream.indirect_vreg.scatter [tilespmem:s20], [sflag:$0xA], $0x80, v12, vm0, $0xb8;
	[tilespmem:$0x1A100] =	vst v63  }
0x32f: {  	s24 =	simm.s32 $0x17100;
	v13 =	vadd.s32 v2, v63  }
0x330: {  	[hbm4b:s31+s4] =	stream.indirect_vreg.scatter [tilespmem:s24], [sflag:$0xA], $0x80, v12, vm0, $0xb8;
	[tilespmem:$0x1A100] =	vst v63  }
0x331: {  	s26 =	simm.s32 $0x17900  }
0x332: {  	[hbm4b:s12+s4] =	stream.indirect_vreg.scatter [tilespmem:s26], [sflag:$0xA], $0x80, v12, vm0, $0xb8;
	[tilespmem:$0x1A100] =	vst v63  }
0x333: {  	s28 =	simm.s32 $0x18100  }
0x334: {  	[hbm4b:s6+s4] =	stream.indirect_vreg.scatter [tilespmem:s28], [sflag:$0xA], $0x80, v13, vm0, $0xb8;
	[tilespmem:$0x1A100] =	vst v63  }
0x335: {  	s29 =	simm.s32 $0x18900  }
0x336: {  	[hbm4b:s30+s4] =	stream.indirect_vreg.scatter [tilespmem:s29], [sflag:$0xA], $0x80, v13, vm0, $0xb8;
	[tilespmem:$0x1A100] =	vst v63  }
0x337: {  	s30 =	simm.s32 $0x19100  }
0x338: {  	[hbm4b:s31+s4] =	stream.indirect_vreg.scatter [tilespmem:s30], [sflag:$0xA], $0x80, v13, vm0, $0xb8;
	[tilespmem:$0x1A100] =	vst v63  }
0x339: {  	s31 =	simm.s32 $0x19900  }
0x33a: {  	[hbm4b:s12+s4] =	stream.indirect_vreg.scatter [tilespmem:s31], [sflag:$0xA], $0x80, v13, vm0, $0xb8;
	[tilespmem:$0x1A100] =	vst v63  }
.LBB2_23:
.Ltmp16:
0x33b: {  	(pc) =	sbr.rel @!p0 .LBB2_25-.Ltmp16, $1  }
0x33c: {  	_ =	sdelay $0x3  }
0x33d: {  	s0 =	simm.s32 $0x5  }
0x33e: {  	_ =	swait.ge [sflag:s0], $0x4000  }
0x33f: {  	[sflag:s0] =	ssyncset.done $0x0  }
0x340: {  	s28 =	simm.s32 $0x6;
	[sflag:s0] =	ssyncadd.s32 $0xFFFFC000  }
0x341: {  	_ =	swait.ge [sflag:s28], $0x4000  }
0x342: {  	[sflag:s28] =	ssyncset.done $0x0  }
0x343: {  	s29 =	simm.s32 $0x10100;
	s6 =	rddreg [dreg:$0x17];
	[sflag:s28] =	ssyncadd.s32 $0xFFFFC000  }
0x344: {  	[hbm4b:s6+s4] =	stream.indirect_vreg.scatter [tilespmem:s29], [sflag:$0x7], $0x80, v8, vm0, $0xb8;
	[tilespmem:$0x1A100] =	vst v63  }
0x345: {  	s2 =	simm.s32 $0x10900;
	s30 =	sadd.s32 $0x100, s6  }
0x346: {  	[hbm4b:s30+s4] =	stream.indirect_vreg.scatter [tilespmem:s2], [sflag:$0x7], $0x80, v8, vm0, $0xb8;
	[tilespmem:$0x1A100] =	vst v63  }
0x347: {  	s12 =	simm.s32 $0x11100;
	s31 =	sadd.s32 $0x200, s6  }
0x348: {  	[hbm4b:s31+s4] =	stream.indirect_vreg.scatter [tilespmem:s12], [sflag:$0x7], $0x80, v8, vm0, $0xb8;
	[tilespmem:$0x1A100] =	vst v63  }
0x349: {  	s12 =	sadd.s32 $0x300, s6  }
0x34a: {  	[hbm4b:s12+s4] =	stream.indirect_vreg.scatter [tilespmem:s15], [sflag:$0x7], $0x80, v8, vm0, $0xb8;
	[tilespmem:$0x1A100] =	vst v63  }
0x34b: {  	_ = 	snop  }
0x34c: {  	[hbm4b:s6+s4] =	stream.indirect_vreg.scatter [tilespmem:s7], [sflag:$0x7], $0x80, v9, vm0, $0xb8;
	[tilespmem:$0x1A100] =	vst v63  }
0x34d: {  	v12 =	vperm.xlane v10, v0;
	s5 =	simm.s32 $0x12900  }
0x34e: {  	[hbm4b:s30+s4] =	stream.indirect_vreg.scatter [tilespmem:s5], [sflag:$0x7], $0x80, v9, vm0, $0xb8;
	[tilespmem:$0x1A100] =	vst v63  }
0x34f: {  	v12 =	vadd.s32 v2, v12  }
0x350: {  	[hbm4b:s31+s4] =	stream.indirect_vreg.scatter [tilespmem:s9], [sflag:$0x7], $0x80, v9, vm0, $0xb8;
	[tilespmem:$0x1A100] =	vst v63  }
0x351: {  	s8 =	simm.s32 $0x13900  }
0x352: {  	[hbm4b:s12+s4] =	stream.indirect_vreg.scatter [tilespmem:s8], [sflag:$0x7], $0x80, v9, vm0, $0xb8;
	[tilespmem:$0x1A100] =	vst v63  }
0x353: {  	_ = 	snop  }
0x354: {  	[hbm4b:s6+s4] =	stream.indirect_vreg.scatter [tilespmem:s7], [sflag:$0x8], $0x80, v12, vm0, $0xb8;
	[tilespmem:$0x1A100] =	vst v63  }
0x355: {  	v13 =	vperm.xlane v10, v7  }
0x356: {  	[hbm4b:s30+s4] =	stream.indirect_vreg.scatter [tilespmem:s5], [sflag:$0x8], $0x80, v12, vm0, $0xb8;
	[tilespmem:$0x1A100] =	vst v63  }
0x357: {  	v13 =	vadd.s32 v2, v13  }
0x358: {  	[hbm4b:s31+s4] =	stream.indirect_vreg.scatter [tilespmem:s9], [sflag:$0x8], $0x80, v12, vm0, $0xb8;
	[tilespmem:$0x1A100] =	vst v63  }
0x359: {  	_ = 	snop  }
0x35a: {  	[hbm4b:s12+s4] =	stream.indirect_vreg.scatter [tilespmem:s8], [sflag:$0x8], $0x80, v12, vm0, $0xb8;
	[tilespmem:$0x1A100] =	vst v63  }
0x35b: {  	s21 =	simm.s32 $0x14100  }
0x35c: {  	[hbm4b:s6+s4] =	stream.indirect_vreg.scatter [tilespmem:s21], [sflag:$0x8], $0x80, v13, vm0, $0xb8;
	[tilespmem:$0x1A100] =	vst v63  }
0x35d: {  	s16 =	simm.s32 $0x14900  }
0x35e: {  	[hbm4b:s30+s4] =	stream.indirect_vreg.scatter [tilespmem:s16], [sflag:$0x8], $0x80, v13, vm0, $0xb8;
	[tilespmem:$0x1A100] =	vst v63  }
0x35f: {  	v62 =	vperm.xlane v11, v0;
	s17 =	simm.s32 $0x15100  }
0x360: {  	[hbm4b:s31+s4] =	stream.indirect_vreg.scatter [tilespmem:s17], [sflag:$0x8], $0x80, v13, vm0, $0xb8;
	[tilespmem:$0x1A100] =	vst v63  }
0x361: {  	s18 =	simm.s32 $0x15900;
	s3 =	simm.s32 $0x9;
	v12 =	vadd.s32 v2, v62  }
0x362: {  	[hbm4b:s12+s4] =	stream.indirect_vreg.scatter [tilespmem:s18], [sflag:$0x8], $0x80, v13, vm0, $0xb8;
	[tilespmem:$0x1A100] =	vst v63  }
0x363: {  	_ =	swait.ge [sflag:s3], $0x4000  }
0x364: {  	[sflag:s3] =	ssyncset.done $0x0  }
0x365: {  	[sflag:s3] =	ssyncadd.s32 $0xFFFFC000  }
0x366: {  	[hbm4b:s6+s4] =	stream.indirect_vreg.scatter [tilespmem:s10], [sflag:$0xA], $0x80, v12, vm0, $0xb8;
	[tilespmem:$0x1A100] =	vst v63  }
0x367: {  	v63 =	vperm.xlane v11, v7;
	s20 =	simm.s32 $0x16900  }
0x368: {  	[hbm4b:s30+s4] =	stream.indirect_vreg.scatter [tilespmem:s20], [sflag:$0xA], $0x80, v12, vm0, $0xb8;
	[tilespmem:$0x1A100] =	vst v63  }
0x369: {  	s24 =	simm.s32 $0x17100;
	v13 =	vadd.s32 v2, v63  }
0x36a: {  	[hbm4b:s31+s4] =	stream.indirect_vreg.scatter [tilespmem:s24], [sflag:$0xA], $0x80, v12, vm0, $0xb8;
	[tilespmem:$0x1A100] =	vst v63  }
0x36b: {  	s26 =	simm.s32 $0x17900  }
0x36c: {  	[hbm4b:s12+s4] =	stream.indirect_vreg.scatter [tilespmem:s26], [sflag:$0xA], $0x80, v12, vm0, $0xb8;
	[tilespmem:$0x1A100] =	vst v63  }
0x36d: {  	s28 =	simm.s32 $0x18100  }
0x36e: {  	[hbm4b:s6+s4] =	stream.indirect_vreg.scatter [tilespmem:s28], [sflag:$0xA], $0x80, v13, vm0, $0xb8;
	[tilespmem:$0x1A100] =	vst v63  }
0x36f: {  	s29 =	simm.s32 $0x18900  }
0x370: {  	[hbm4b:s30+s4] =	stream.indirect_vreg.scatter [tilespmem:s29], [sflag:$0xA], $0x80, v13, vm0, $0xb8;
	[tilespmem:$0x1A100] =	vst v63  }
0x371: {  	s30 =	simm.s32 $0x19100  }
0x372: {  	[hbm4b:s31+s4] =	stream.indirect_vreg.scatter [tilespmem:s30], [sflag:$0xA], $0x80, v13, vm0, $0xb8;
	[tilespmem:$0x1A100] =	vst v63  }
0x373: {  	s31 =	simm.s32 $0x19900  }
0x374: {  	[hbm4b:s12+s4] =	stream.indirect_vreg.scatter [tilespmem:s31], [sflag:$0xA], $0x80, v13, vm0, $0xb8;
	[tilespmem:$0x1A100] =	vst v63  }
.LBB2_25:
.Ltmp17:
0x375: {  	(pc) =	sbr.rel @!p3 .LBB2_27-.Ltmp17, $2  }
0x376: {  	_ =	sdelay $0x2  }
0x377: {  	s26 =	rddreg [dreg:$0x19]  }
0x378: {  	s0 =	simm.s32 $0x5  }
0x379: {  	_ =	swait.ge [sflag:s0], $0x4000  }
0x37a: {  	[sflag:s0] =	ssyncset.done $0x0  }
0x37b: {  	s28 =	simm.s32 $0x6;
	[sflag:s0] =	ssyncadd.s32 $0xFFFFC000  }
0x37c: {  	_ =	swait.ge [sflag:s28], $0x4000  }
0x37d: {  	[sflag:s28] =	ssyncset.done $0x0  }
0x37e: {  	s29 =	simm.s32 $0x10100;
	s6 =	rddreg [dreg:$0x18];
	[sflag:s28] =	ssyncadd.s32 $0xFFFFC000  }
0x37f: {  	[hbm4b:s6+s4] =	stream.indirect_vreg.scatter [tilespmem:s29], [sflag:$0x7], $0x80, v8, vm0, $0xb8;
	[tilespmem:$0x1A100] =	vst v63  }
0x380: {  	s2 =	simm.s32 $0x10900;
	s30 =	sadd.s32 $0x100, s6  }
0x381: {  	[hbm4b:s30+s4] =	stream.indirect_vreg.scatter [tilespmem:s2], [sflag:$0x7], $0x80, v8, vm0, $0xb8;
	[tilespmem:$0x1A100] =	vst v63  }
0x382: {  	s12 =	simm.s32 $0x11100;
	s31 =	sadd.s32 $0x200, s6  }
0x383: {  	[hbm4b:s31+s4] =	stream.indirect_vreg.scatter [tilespmem:s12], [sflag:$0x7], $0x80, v8, vm0, $0xb8;
	[tilespmem:$0x1A100] =	vst v63  }
0x384: {  	s12 =	sadd.s32 $0x300, s6  }
0x385: {  	[hbm4b:s12+s4] =	stream.indirect_vreg.scatter [tilespmem:s15], [sflag:$0x7], $0x80, v8, vm0, $0xb8;
	[tilespmem:$0x1A100] =	vst v63  }
0x386: {  	_ = 	snop  }
0x387: {  	[hbm4b:s6+s4] =	stream.indirect_vreg.scatter [tilespmem:s7], [sflag:$0x7], $0x80, v9, vm0, $0xb8;
	[tilespmem:$0x1A100] =	vst v63  }
0x388: {  	v12 =	vperm.xlane v10, v0;
	s5 =	simm.s32 $0x12900  }
0x389: {  	[hbm4b:s30+s4] =	stream.indirect_vreg.scatter [tilespmem:s5], [sflag:$0x7], $0x80, v9, vm0, $0xb8;
	[tilespmem:$0x1A100] =	vst v63  }
0x38a: {  	v12 =	vadd.s32 v2, v12  }
0x38b: {  	[hbm4b:s31+s4] =	stream.indirect_vreg.scatter [tilespmem:s9], [sflag:$0x7], $0x80, v9, vm0, $0xb8;
	[tilespmem:$0x1A100] =	vst v63  }
0x38c: {  	s8 =	simm.s32 $0x13900  }
0x38d: {  	[hbm4b:s12+s4] =	stream.indirect_vreg.scatter [tilespmem:s8], [sflag:$0x7], $0x80, v9, vm0, $0xb8;
	[tilespmem:$0x1A100] =	vst v63  }
0x38e: {  	_ = 	snop  }
0x38f: {  	[hbm4b:s6+s4] =	stream.indirect_vreg.scatter [tilespmem:s7], [sflag:$0x8], $0x80, v12, vm0, $0xb8;
	[tilespmem:$0x1A100] =	vst v63  }
0x390: {  	v13 =	vperm.xlane v10, v7  }
0x391: {  	[hbm4b:s30+s4] =	stream.indirect_vreg.scatter [tilespmem:s5], [sflag:$0x8], $0x80, v12, vm0, $0xb8;
	[tilespmem:$0x1A100] =	vst v63  }
0x392: {  	v13 =	vadd.s32 v2, v13  }
0x393: {  	[hbm4b:s31+s4] =	stream.indirect_vreg.scatter [tilespmem:s9], [sflag:$0x8], $0x80, v12, vm0, $0xb8;
	[tilespmem:$0x1A100] =	vst v63  }
0x394: {  	_ = 	snop  }
0x395: {  	[hbm4b:s12+s4] =	stream.indirect_vreg.scatter [tilespmem:s8], [sflag:$0x8], $0x80, v12, vm0, $0xb8;
	[tilespmem:$0x1A100] =	vst v63  }
0x396: {  	s21 =	simm.s32 $0x14100  }
0x397: {  	[hbm4b:s6+s4] =	stream.indirect_vreg.scatter [tilespmem:s21], [sflag:$0x8], $0x80, v13, vm0, $0xb8;
	[tilespmem:$0x1A100] =	vst v63  }
0x398: {  	s15 =	simm.s32 $0x14900  }
0x399: {  	[hbm4b:s30+s4] =	stream.indirect_vreg.scatter [tilespmem:s15], [sflag:$0x8], $0x80, v13, vm0, $0xb8;
	[tilespmem:$0x1A100] =	vst v63  }
0x39a: {  	v62 =	vperm.xlane v11, v0;
	s16 =	simm.s32 $0x15100  }
0x39b: {  	[hbm4b:s31+s4] =	stream.indirect_vreg.scatter [tilespmem:s16], [sflag:$0x8], $0x80, v13, vm0, $0xb8;
	[tilespmem:$0x1A100] =	vst v63  }
0x39c: {  	s17 =	simm.s32 $0x15900;
	s3 =	simm.s32 $0x9;
	v12 =	vadd.s32 v2, v62  }
0x39d: {  	[hbm4b:s12+s4] =	stream.indirect_vreg.scatter [tilespmem:s17], [sflag:$0x8], $0x80, v13, vm0, $0xb8;
	[tilespmem:$0x1A100] =	vst v63  }
0x39e: {  	_ =	swait.ge [sflag:s3], $0x4000  }
0x39f: {  	[sflag:s3] =	ssyncset.done $0x0  }
0x3a0: {  	[sflag:s3] =	ssyncadd.s32 $0xFFFFC000  }
0x3a1: {  	[hbm4b:s6+s4] =	stream.indirect_vreg.scatter [tilespmem:s10], [sflag:$0xA], $0x80, v12, vm0, $0xb8;
	[tilespmem:$0x1A100] =	vst v63  }
0x3a2: {  	v63 =	vperm.xlane v11, v7;
	s18 =	simm.s32 $0x16900  }
0x3a3: {  	[hbm4b:s30+s4] =	stream.indirect_vreg.scatter [tilespmem:s18], [sflag:$0xA], $0x80, v12, vm0, $0xb8;
	[tilespmem:$0x1A100] =	vst v63  }
0x3a4: {  	s20 =	simm.s32 $0x17100;
	v13 =	vadd.s32 v2, v63  }
0x3a5: {  	[hbm4b:s31+s4] =	stream.indirect_vreg.scatter [tilespmem:s20], [sflag:$0xA], $0x80, v12, vm0, $0xb8;
	[tilespmem:$0x1A100] =	vst v63  }
0x3a6: {  	s24 =	simm.s32 $0x17900  }
0x3a7: {  	[hbm4b:s12+s4] =	stream.indirect_vreg.scatter [tilespmem:s24], [sflag:$0xA], $0x80, v12, vm0, $0xb8;
	[tilespmem:$0x1A100] =	vst v63  }
0x3a8: {  	s28 =	simm.s32 $0x18100  }
0x3a9: {  	[hbm4b:s6+s4] =	stream.indirect_vreg.scatter [tilespmem:s28], [sflag:$0xA], $0x80, v13, vm0, $0xb8;
	[tilespmem:$0x1A100] =	vst v63  }
0x3aa: {  	s29 =	simm.s32 $0x18900  }
0x3ab: {  	[hbm4b:s30+s4] =	stream.indirect_vreg.scatter [tilespmem:s29], [sflag:$0xA], $0x80, v13, vm0, $0xb8;
	[tilespmem:$0x1A100] =	vst v63  }
.Ltmp18:
0x3ac: {  	_ = 	snop;
	(pc) =	sbr.rel .LBB2_27-.Ltmp18, $4  }
0x3ad: {  	s30 =	simm.s32 $0x19100  }
0x3ae: {  	[hbm4b:s31+s4] =	stream.indirect_vreg.scatter [tilespmem:s30], [sflag:$0xA], $0x80, v13, vm0, $0xb8;
	[tilespmem:$0x1A100] =	vst v63  }
0x3af: {  	s31 =	simm.s32 $0x19900  }
0x3b0: {  	[hbm4b:s12+s4] =	stream.indirect_vreg.scatter [tilespmem:s31], [sflag:$0xA], $0x80, v13, vm0, $0xb8;
	[tilespmem:$0x1A100] =	vst v63  }
.LBB2_28:
0x3b1: {  	_ =	sfence.sel $0x180000  }
0x3b2: {  	[bflag:$0x0] =	sbarrier.arrive $0xFFFF  }
0x3b3: {  	_ =	strace $0x90000047  }
0x3b4: {  	s0 =	stileid.u32;
	[bflag:$0x2] =	sbarrier.arrive $0xFFFF  }
0x3b5: {  	p0 =	sne.s32 s0, $0x0;
	s0 =	rddreg [dreg:$0x4]  }
0x3b6: {  	s0 =	sadd.s32 @!p0 $0x100000, s0  }
0x3b7: {  	[sflag:s0] =	ssyncadd.tile.s32 @!p0 $0x1;
	_ =	shalt  }
.Lfunc_end2:
_tile_overlayer_lowered:
.L_overlay_start_2:
0x3b8: {  	(tag) =	ssettag $0x2  }
0x3b9: {  	s0 =	rddreg [dreg:$0x0];
	s2 =	stileid.u32  }
0x3ba: {  	s1 =	rddreg [dreg:$0x1];
	p0 =	sne.s32 s2, $0x0  }
0x3bb: {  	s3 =	rddreg [dreg:$0x2];
	[bflag:$0x3] =	sbarrier.arrive $0xFFFF;
	s2 =	simm.s32 @!p0 $0x1C0B  }
0x3bc: {  	[timem:s3], [sflag:s2] =	dma.local @!p0 [hbm:s0], s1  }
0x3bd: {  	s0 =	simm.s32 @!p0 $0xB  }
0x3be: {  	_ =	swait.ge @!p0 [sflag:s0], s1  }
0x3bf: {  	s1 =	ssub.s32 @!p0 $0x0, s1;
	[sflag:s0] =	ssyncset.done @!p0 $0x0  }
0x3c0: {  	[sflag:s0] =	ssyncadd.s32 @!p0 s1  }
0x3c1: {  	[bflag:$0x3] =	sbarrier.arrive $0xFFFF  }
0x3c2: {  	_ =	shalt  }

</sc_bundles>
